<compile_context>
chip_gen: v7x
topology: tpu7x:2x2x1
jax: 0.10.2.dev20260603
libtpu: 0.0.44.dev20260713+nightly
codegen_flags: <defaults>
</compile_context>

<pallas_src>
import jax
import jax.numpy as jnp
from jax import lax
from jax.experimental import pallas as pl
from jax.experimental.pallas import tpu as pltpu
from jax.experimental.pallas import tpu_sc as plsc

N = 16384
IN_PLANES = 128
HIDDEN = 128
NUM_HEADS = 4
HEAD_DIM = HIDDEN // NUM_HEADS
STRIDE = 4
NSAMPLE = 16
M = N // STRIDE

KNN_BLOCK = 64
ATT_BLOCK = 512

SC_WORKERS = 32
CODE_TBL = 262144


def _grid_sampling(xyz, num_samples):
    n = xyz.shape[0]
    vmin = xyz.min(axis=0)
    vmax = xyz.max(axis=0)
    voxel_size = (vmax - vmin) / (num_samples ** (1.0 / 3.0))
    voxel_size = voxel_size / 2.0
    grid = jnp.floor((xyz - vmin) / voxel_size).astype(jnp.int32)
    K = jnp.max(grid) + 1
    code = (grid[:, 0] * K + grid[:, 1]) * K + grid[:, 2]
    iota = jnp.arange(n, dtype=jnp.int32)
    table = jnp.full((CODE_TBL,), n, jnp.int32).at[code].min(iota)
    is_rep = table[code] == iota
    cr = jnp.cumsum(is_rep.astype(jnp.int32))
    r = cr[-1]
    pos = jnp.where(is_rep, cr - 1, r + (iota - cr))
    out = jnp.zeros((n,), jnp.int32).at[pos].set(iota, unique_indices=True)
    return out[:num_samples]



def _knn_body(np_ref, pT_ref, out_ref):
    q = np_ref[...]
    pT = pT_ref[...]
    psq = jnp.sum(pT * pT, axis=0, keepdims=True)
    scores = psq - 2.0 * jnp.dot(q, pT,
                                 preferred_element_type=jnp.float32)
    col = jax.lax.broadcasted_iota(jnp.int32, scores.shape, 1)
    d = scores
    cols = []
    for _ in range(NSAMPLE):
        m = jnp.min(d, axis=1, keepdims=True)
        sel = jnp.where(d == m, col, N)
        ij = jnp.min(sel, axis=1, keepdims=True)
        cols.append(ij)
        d = jnp.where(col == ij, jnp.inf, d)
    out_ref[...] = jnp.concatenate(cols, axis=1)


def _knn(n_p, pT):
    return pl.pallas_call(
        _knn_body,
        grid=(M // KNN_BLOCK,),
        in_specs=[
            pl.BlockSpec((KNN_BLOCK, 3), lambda i: (i, 0)),
            pl.BlockSpec((3, N), lambda i: (0, 0)),
        ],
        out_specs=pl.BlockSpec((KNN_BLOCK, NSAMPLE), lambda i: (i, 0)),
        out_shape=jax.ShapeDtypeStruct((M, NSAMPLE), jnp.int32),
    )(n_p, pT)



def _pick_chunk(per_w, cap):
    if per_w <= cap:
        return per_w
    c = cap - cap % 16
    while per_w % c:
        c -= 16
    return c


def _make_sc_gather_cols(num_tables, total):
    per_w = total // SC_WORKERS
    chunk = _pick_chunk(per_w, 2048)
    n_chunks = per_w // chunk
    mesh = plsc.VectorSubcoreMesh(core_axis_name="c", subcore_axis_name="s")

    def body(*refs):
        tbl_hbm = refs[:num_tables]
        idx_hbm = refs[num_tables]
        out_hbm = refs[num_tables + 1:2 * num_tables + 1]
        tbl_v = refs[2 * num_tables + 1:3 * num_tables + 1]
        idx_v = refs[3 * num_tables + 1]
        out_v = refs[3 * num_tables + 2:]
        wid = lax.axis_index("s") * 2 + lax.axis_index("c")
        base = wid * per_w
        for t in range(num_tables):
            pltpu.sync_copy(tbl_hbm[t], tbl_v[t])

        def outer(ci, carry):
            off = base + ci * chunk
            pltpu.sync_copy(idx_hbm.at[pl.ds(off, chunk)], idx_v)

            def inner(k, c2):
                iv = idx_v[pl.ds(k * 16, 16)]
                for t in range(num_tables):
                    out_v[t][pl.ds(k * 16, 16)] = plsc.load_gather(
                        tbl_v[t], [iv])
                return c2

            lax.fori_loop(0, chunk // 16, inner, 0)
            for t in range(num_tables):
                pltpu.sync_copy(out_v[t], out_hbm[t].at[pl.ds(off, chunk)])
            return carry

        lax.fori_loop(0, n_chunks, outer, 0)

    return pl.kernel(
        body,
        out_type=[jax.ShapeDtypeStruct((total,), jnp.float32)] * num_tables,
        mesh=mesh,
        compiler_params=pltpu.CompilerParams(needs_layout_passes=False),
        scratch_types=(
            [pltpu.VMEM((N,), jnp.float32)] * num_tables
            + [pltpu.VMEM((chunk,), jnp.int32)]
            + [pltpu.VMEM((chunk,), jnp.float32)] * num_tables
        ),
    )


def _make_sc_gather_rows(total, depth):
    per_w = total // SC_WORKERS
    chunk = _pick_chunk(per_w, 128)
    n_chunks = per_w // chunk
    mesh = plsc.VectorSubcoreMesh(core_axis_name="c", subcore_axis_name="s")

    def body(tbl_hbm, idx_hbm, out_hbm, idx_v, rows_v, sem):
        wid = lax.axis_index("s") * 2 + lax.axis_index("c")
        base = wid * per_w

        def outer(ci, carry):
            off = base + ci * chunk
            pltpu.sync_copy(idx_hbm.at[pl.ds(off, chunk)], idx_v)
            pltpu.async_copy(tbl_hbm.at[idx_v], rows_v, sem).wait()
            pltpu.sync_copy(rows_v, out_hbm.at[pl.ds(off, chunk)])
            return carry

        lax.fori_loop(0, n_chunks, outer, 0)

    return pl.kernel(
        body,
        out_type=jax.ShapeDtypeStruct((total, depth), jnp.float32),
        mesh=mesh,
        compiler_params=pltpu.CompilerParams(needs_layout_passes=False),
        scratch_types=[
            pltpu.VMEM((chunk,), jnp.int32),
            pltpu.VMEM((chunk, depth), jnp.float32),
            pltpu.SemaphoreType.DMA,
        ],
    )



def _angle_parts(ax, ay, az, bx, by, bz):
    cx = ay * bz - az * by
    cy = az * bx - ax * bz
    cz = ax * by - ay * bx
    cn = jnp.sqrt(cx * cx + cy * cy + cz * cz + 1e-12)
    dot = ax * bx + ay * by + az * bz
    return jnp.arctan2(cn, dot)


def _attn_body(npos_ref, nnorm_ref, cpx_ref, cpy_ref, cpz_ref,
               cnx_ref, cny_ref, cnz_ref, xq_ref, cx_ref,
               Wq_ref, Wk_ref, Wv_ref, Wp1_ref, Wp2_ref, Wo_ref, out_ref):
    B = ATT_BLOCK
    npos = npos_ref[...]
    nnorm = nnorm_ref[...]
    qpx, qpy, qpz = npos[:, 0:1], npos[:, 1:2], npos[:, 2:3]
    nx, ny, nz = nnorm[:, 0:1], nnorm[:, 1:2], nnorm[:, 2:3]
    cpx, cpy, cpz = cpx_ref[...], cpy_ref[...], cpz_ref[...]
    cnx, cny, cnz = cnx_ref[...], cny_ref[...], cnz_ref[...]

    dx, dy, dz = cpx - qpx, cpy - qpy, cpz - qpz
    dist = jnp.sqrt(dx * dx + dy * dy + dz * dz + 1e-12)
    f1 = _angle_parts(nx, ny, nz, dx, dy, dz)
    f2 = _angle_parts(cnx, cny, cnz, dx, dy, dz)
    f3 = _angle_parts(nx, ny, nz, cnx, cny, cnz)

    Wp1 = Wp1_ref[...]
    pe3 = (f1[:, :, None] * Wp1[0:1, :][None]
           + f2[:, :, None] * Wp1[1:2, :][None]
           + f3[:, :, None] * Wp1[2:3, :][None]
           + dist[:, :, None] * Wp1[3:4, :][None])
    pe2 = jnp.maximum(pe3, 0.0).reshape(B * NSAMPLE, HIDDEN) @ Wp2_ref[...]

    cx = cx_ref[...]
    k2 = cx @ Wk_ref[...] + pe2
    v2 = cx @ Wv_ref[...] + pe2
    q2 = xq_ref[...] @ Wq_ref[...]

    k3 = k2.reshape(B, NSAMPLE, HIDDEN)
    v3 = v2.reshape(B, NSAMPLE, HIDDEN)
    prod = q2[:, None, :] * k3
    scale = 1.0 / jnp.sqrt(jnp.float32(HEAD_DIM))
    outs = []
    for h in range(NUM_HEADS):
        sl = slice(h * HEAD_DIM, (h + 1) * HEAD_DIM)
        lh = jnp.sum(prod[:, :, sl], axis=2) * scale
        mh = jnp.max(lh, axis=1, keepdims=True)
        e = jnp.exp(lh - mh)
        a = e / jnp.sum(e, axis=1, keepdims=True)
        outs.append(jnp.sum(a[:, :, None] * v3[:, :, sl], axis=1))
    out = jnp.concatenate(outs, axis=1)
    out_ref[...] = out @ Wo_ref[...]


def _attention(npos, nnorm, cpx, cpy, cpz, cnx, cny, cnz, xq, cx,
               Wq, Wk, Wv, Wp1, Wp2, Wo):
    B = ATT_BLOCK
    bs = lambda r: pl.BlockSpec((B, r), lambda i: (i, 0))
    full = lambda a, b: pl.BlockSpec((a, b), lambda i: (0, 0))
    return pl.pallas_call(
        _attn_body,
        grid=(M // B,),
        in_specs=[
            bs(3), bs(3),
            bs(NSAMPLE), bs(NSAMPLE), bs(NSAMPLE),
            bs(NSAMPLE), bs(NSAMPLE), bs(NSAMPLE),
            bs(IN_PLANES),
            pl.BlockSpec((B * NSAMPLE, IN_PLANES), lambda i: (i, 0)),
            full(IN_PLANES, HIDDEN), full(IN_PLANES, HIDDEN),
            full(IN_PLANES, HIDDEN), full(4, HIDDEN),
            full(HIDDEN, HIDDEN), full(HIDDEN, HIDDEN),
        ],
        out_specs=pl.BlockSpec((B, HIDDEN), lambda i: (i, 0)),
        out_shape=jax.ShapeDtypeStruct((M, HIDDEN), jnp.float32),
        compiler_params=pltpu.CompilerParams(
            vmem_limit_bytes=60 * 1024 * 1024),
    )(npos, nnorm, cpx, cpy, cpz, cnx, cny, cnz, xq, cx,
      Wq, Wk, Wv, Wp1, Wp2, Wo)


def kernel(p, x, o, n, Wq, Wk, Wv, Wp1, Wp2, Wo):
    idx = _grid_sampling(p, M).astype(jnp.int32)
    n_p = p[idx]
    n_n = n[idx]
    n_o = (o // STRIDE).astype(jnp.int32)

    group_idx = _knn(n_p, p.T)
    gi = group_idx.reshape(-1)

    g6 = _make_sc_gather_cols(6, M * NSAMPLE)
    gpx, gpy, gpz, gnx, gny, gnz = g6(
        p[:, 0], p[:, 1], p[:, 2], n[:, 0], n[:, 1], n[:, 2], gi)
    cpx = gpx.reshape(M, NSAMPLE)
    cpy = gpy.reshape(M, NSAMPLE)
    cpz = gpz.reshape(M, NSAMPLE)
    cnx = gnx.reshape(M, NSAMPLE)
    cny = gny.reshape(M, NSAMPLE)
    cnz = gnz.reshape(M, NSAMPLE)

    gi_all = jnp.concatenate([gi, idx])
    rows = _make_sc_gather_rows(M * NSAMPLE + M, IN_PLANES)(x, gi_all)
    cx = rows[:M * NSAMPLE]
    xq = rows[M * NSAMPLE:]

    x_out = _attention(n_p, n_n, cpx, cpy, cpz, cnx, cny, cnz, xq, cx,
                       Wq, Wk, Wv, Wp1, Wp2, Wo)
    return (n_p, x_out, n_o, n_n, idx)

# --- scband reference (transcript-rebuilt; emitter-appended) ---
"""Pipeline reference for scband-transition-down-48223892799868 (READ-ONLY COPY).

The authoritative reference and input builder live on the scoring server;
editing this copy changes nothing except your own understanding.
"""

import jax, jax.numpy as jnp
import numpy as np

N = 16384
IN_PLANES = 128
OUT_PLANES = 128
HIDDEN = 128  # min(out_planes, 256*factor)
NUM_HEADS = 4
HEAD_DIM = HIDDEN // NUM_HEADS
STRIDE = 4
NSAMPLE = 16


def grid_sampling(xyz, num_samples):
    # deterministic variant of the original voxel-grid sampling (randperm replaced
    # by first-occurrence / sorted selection so the reference is reproducible)
    n = xyz.shape[0]
    vmin = xyz.min(axis=0)
    vmax = xyz.max(axis=0)
    voxel_size = (vmax - vmin) / (num_samples ** (1.0 / 3.0))
    voxel_size = voxel_size / 2.0
    grid = jnp.floor((xyz - vmin) / voxel_size).astype(jnp.int32)
    K = jnp.max(grid) + 1
    code = (grid[:, 0] * K + grid[:, 1]) * K + grid[:, 2]
    order = jnp.argsort(code, stable=True)
    sorted_code = code[order]
    first = jnp.concatenate(
        [jnp.ones((1,), dtype=bool), sorted_code[1:] != sorted_code[:-1]]
    )
    is_rep = jnp.zeros((n,), dtype=bool).at[order].set(first)
    idx_all = jnp.arange(n, dtype=jnp.int32)
    rank = jnp.where(is_rep, idx_all, n + idx_all)
    final = jnp.argsort(rank, stable=True)[:num_samples]
    return final


def _angle(a, b):
    cross = jnp.cross(a, b)
    cn = jnp.sqrt(jnp.sum(cross * cross, axis=-1) + 1e-12)
    dot = jnp.sum(a * b, axis=-1)
    return jnp.arctan2(cn, dot)


def calc_ppf(n_p, n_n, c_p, c_n):
    d = c_p - n_p[:, None, :]
    dist = jnp.sqrt(jnp.sum(d * d, axis=-1) + 1e-12)
    nn = jnp.broadcast_to(n_n[:, None, :], c_p.shape)
    f1 = _angle(nn, d)
    f2 = _angle(c_n, d)
    f3 = _angle(nn, c_n)
    return jnp.stack([f1, f2, f3, dist], axis=-1)


def setup_inputs(seed: int = 0):
    key = jax.random.key(seed)
    ks = jax.random.split(key, 9)
    p = jax.random.uniform(ks[0], (N, 3), dtype=jnp.float32) * 10.0
    x = jax.random.normal(ks[1], (N, IN_PLANES), dtype=jnp.float32)
    n = jax.random.normal(ks[2], (N, 3), dtype=jnp.float32)
    n = n / jnp.linalg.norm(n, axis=-1, keepdims=True)
    o = jnp.array([N], dtype=jnp.int32)
    s = 0.05
    Wq = jax.random.normal(ks[3], (IN_PLANES, HIDDEN), dtype=jnp.float32) * s
    Wk = jax.random.normal(ks[4], (IN_PLANES, HIDDEN), dtype=jnp.float32) * s
    Wv = jax.random.normal(ks[5], (IN_PLANES, HIDDEN), dtype=jnp.float32) * s
    Wp1 = jax.random.normal(ks[6], (4, HIDDEN), dtype=jnp.float32) * s
    Wp2 = jax.random.normal(ks[7], (HIDDEN, HIDDEN), dtype=jnp.float32) * s
    Wo = jax.random.normal(ks[8], (HIDDEN, OUT_PLANES), dtype=jnp.float32) * s
    return {"p": p, "x": x, "o": o, "n": n, "Wq": Wq, "Wk": Wk, "Wv": Wv, "Wp1": Wp1, "Wp2": Wp2, "Wo": Wo}


def reference(p, x, o, n, Wq, Wk, Wv, Wp1, Wp2, Wo):
    num_samples = p.shape[0] // STRIDE
    n_o = (o // STRIDE).astype(jnp.int32)
    idx = grid_sampling(p, num_samples).astype(jnp.int32)
    n_p = p[idx]
    n_n = n[idx]
    # pointops.queryandgroup(..., return_idx=True) == exact knn of queries n_p in p
    d2 = (jnp.sum(n_p * n_p, axis=1, keepdims=True)
          - 2.0 * (n_p @ p.T)
          + jnp.sum(p * p, axis=1)[None, :])
    _, group_idx = jax.lax.top_k(-d2, NSAMPLE)
    c_p = p[group_idx]
    c_n = n[group_idx]
    ppf = calc_ppf(n_p, n_n, c_p, c_n)
    # LocalPPFTransformer: local multi-head attention over nsample neighbors with
    # PPF-derived positional encoding
    M = num_samples
    q = x[idx] @ Wq
    k = x[group_idx] @ Wk
    v = x[group_idx] @ Wv
    pe = jax.nn.relu(ppf @ Wp1) @ Wp2
    k = k + pe
    v = v + pe
    qh = q.reshape(M, NUM_HEADS, HEAD_DIM)
    kh = k.reshape(M, NSAMPLE, NUM_HEADS, HEAD_DIM)
    vh = v.reshape(M, NSAMPLE, NUM_HEADS, HEAD_DIM)
    logits = jnp.einsum("mhd,mshd->msh", qh, kh) / jnp.sqrt(jnp.float32(HEAD_DIM))
    attn = jax.nn.softmax(logits, axis=1)
    out = jnp.einsum("msh,mshd->mhd", attn, vh).reshape(M, HIDDEN)
    x_out = out @ Wo
    return (n_p, x_out, n_o, n_n, idx)

if __name__ == "__main__":
    import jax
    _d = setup_inputs()
    print(jax.jit(kernel)(*tuple(_d.values())))

</pallas_src>

<mosaic_0001>
#map = affine_map<(d0, d1) -> (0, 0)>
#map1 = affine_map<(d0, d1) -> (0)>
module attributes {stable_mosaic.version = 14 : i64} {
  func.func @body(%arg0: i32, %arg1: i32, %arg2: memref<16384x128xf32, #tpu.memory_space<hbm>>, %arg3: memref<69632xi32, #tpu.memory_space<hbm>>, %arg4: memref<69632x128xf32, #tpu.memory_space<hbm>>, %arg5: memref<128xi32, #tpu.memory_space<vmem>>, %arg6: memref<128x128xf32, #tpu.memory_space<vmem>>, %arg7: memref<!tpu.dma_semaphore, #tpu.memory_space<semaphore_mem>>) attributes {dimension_semantics = [#tpu.dimension_semantics<core_parallel>, #tpu.dimension_semantics<subcore_parallel>], iteration_bounds = array<i64: 2, 16>, scalar_prefetch = 0 : i64, scratch_operands = 3 : i64, tpu.core_type = #tpu.core_type<sc_vector_subcore>, window_params = [{transform_indices = #map}, {transform_indices = #map1}, {transform_indices = #map}]} {
    %mul3A = arith.constant 2 : i32
    %mul3A_0 = arith.muli %arg1, %mul3A : i32
    %add3A = arith.addi %mul3A_0, %arg0 : i32
    %mul3A_1 = arith.constant 2176 : i32
    %mul3A_2 = arith.muli %add3A, %mul3A_1 : i32
    %scan3A = arith.constant 0 : i32
    %scan3A_3 = arith.constant 0 : i32
    %scan3A_4 = arith.constant 17 : i32
    %scan3A_5 = arith.addi %scan3A_3, %scan3A_4 : i32
    %scan3A_6 = arith.constant 1 : i32
    scf.for %scan3A_8 = %scan3A_3 to %scan3A_5 step %scan3A_6  : i32 {
      %mul3A_9 = arith.constant 128 : i32
      %mul3A_10 = arith.muli %scan3A_8, %mul3A_9 : i32
      %add3A_11 = arith.addi %mul3A_2, %mul3A_10 : i32
      "tpu.region"() ({
        %run_scoped3A = tpu.sem_alloc : memref<!tpu.dma_semaphore, #tpu.memory_space<semaphore_mem>>
        %dma_start3A_16 = tpu.memref_slice %arg3[%add3A_11] : memref<69632xi32, #tpu.memory_space<hbm>> -> memref<128xi32, #tpu.memory_space<hbm>>
        %dma_start3A_17 = tpu.memref_slice %arg3[%add3A_11] : memref<69632xi32, #tpu.memory_space<hbm>> -> memref<128xi32, #tpu.memory_space<hbm>>
        tpu.enqueue_dma source(%dma_start3A_17 : memref<128xi32, #tpu.memory_space<hbm>>) target(%arg5 : memref<128xi32, #tpu.memory_space<vmem>>) target_semaphore(%run_scoped3A : memref<!tpu.dma_semaphore, #tpu.memory_space<semaphore_mem>>)
        %dma_wait3A_18 = tpu.memref_slice %arg3[%add3A_11] : memref<69632xi32, #tpu.memory_space<hbm>> -> memref<128xi32, #tpu.memory_space<hbm>>
        %dma_wait3A_19 = tpu.memref_slice %arg3[%add3A_11] : memref<69632xi32, #tpu.memory_space<hbm>> -> memref<128xi32, #tpu.memory_space<hbm>>
        tpu.wait_dma2 semaphore(%run_scoped3A : memref<!tpu.dma_semaphore, #tpu.memory_space<semaphore_mem>>) src(%dma_wait3A_19 : memref<128xi32, #tpu.memory_space<hbm>>) dst(%arg5 : memref<128xi32, #tpu.memory_space<vmem>>)
        tpu.yield
      }) : () -> ()
      %dma_start3A = arith.constant 0 : i32
      %dma_start3A_12 = arith.constant 0 : i32
      %dma_start3A_13 = tpu.memref_slice %arg2[%dma_start3A, %dma_start3A_12] : memref<16384x128xf32, #tpu.memory_space<hbm>> -> memref<16384x128xf32, #tpu.memory_space<hbm>>
      tpu.enqueue_indirect_dma source(%dma_start3A_13 : memref<16384x128xf32, #tpu.memory_space<hbm>>) target(%arg6 : memref<128x128xf32, #tpu.memory_space<vmem>>) offsets(%arg5 : memref<128xi32, #tpu.memory_space<vmem>>) semaphore(%arg7 : memref<!tpu.dma_semaphore, #tpu.memory_space<semaphore_mem>>)
      %dma_wait3A = arith.constant 0 : i32
      %dma_wait3A_14 = arith.constant 0 : i32
      %dma_wait3A_15 = tpu.memref_slice %arg2[%dma_wait3A, %dma_wait3A_14] : memref<16384x128xf32, #tpu.memory_space<hbm>> -> memref<16384x128xf32, #tpu.memory_space<hbm>>
      tpu.wait_indirect_dma semaphore(%arg7 : memref<!tpu.dma_semaphore, #tpu.memory_space<semaphore_mem>>) src(%dma_wait3A_15 : memref<16384x128xf32, #tpu.memory_space<hbm>>) dst(%arg6 : memref<128x128xf32, #tpu.memory_space<vmem>>)
      "tpu.region"() ({
        %run_scoped3A = tpu.sem_alloc : memref<!tpu.dma_semaphore, #tpu.memory_space<semaphore_mem>>
        %dma_start3A_16 = arith.constant 0 : i32
        %dma_start3A_17 = tpu.memref_slice %arg4[%add3A_11, %dma_start3A_16] : memref<69632x128xf32, #tpu.memory_space<hbm>> -> memref<128x128xf32, #tpu.memory_space<hbm>>
        %dma_start3A_18 = arith.constant 0 : i32
        %dma_start3A_19 = tpu.memref_slice %arg4[%add3A_11, %dma_start3A_18] : memref<69632x128xf32, #tpu.memory_space<hbm>> -> memref<128x128xf32, #tpu.memory_space<hbm>>
        tpu.enqueue_dma source(%arg6 : memref<128x128xf32, #tpu.memory_space<vmem>>) target(%dma_start3A_19 : memref<128x128xf32, #tpu.memory_space<hbm>>) target_semaphore(%run_scoped3A : memref<!tpu.dma_semaphore, #tpu.memory_space<semaphore_mem>>)
        %dma_wait3A_20 = arith.constant 0 : i32
        %dma_wait3A_21 = tpu.memref_slice %arg4[%add3A_11, %dma_wait3A_20] : memref<69632x128xf32, #tpu.memory_space<hbm>> -> memref<128x128xf32, #tpu.memory_space<hbm>>
        %dma_wait3A_22 = arith.constant 0 : i32
        %dma_wait3A_23 = tpu.memref_slice %arg4[%add3A_11, %dma_wait3A_22] : memref<69632x128xf32, #tpu.memory_space<hbm>> -> memref<128x128xf32, #tpu.memory_space<hbm>>
        tpu.wait_dma2 semaphore(%run_scoped3A : memref<!tpu.dma_semaphore, #tpu.memory_space<semaphore_mem>>) src(%arg6 : memref<128x128xf32, #tpu.memory_space<vmem>>) dst(%dma_wait3A_23 : memref<128x128xf32, #tpu.memory_space<hbm>>)
        tpu.yield
      }) : () -> ()
    }
    %scan3A_7 = arith.constant 17 : i32
    return
  }
}

#map = affine_map<(d0, d1) -> (0)>
module attributes {stable_mosaic.version = 14 : i64} {
  func.func @body(%arg0: i32, %arg1: i32, %arg2: memref<16384xf32, #tpu.memory_space<hbm>>, %arg3: memref<16384xf32, #tpu.memory_space<hbm>>, %arg4: memref<16384xf32, #tpu.memory_space<hbm>>, %arg5: memref<16384xf32, #tpu.memory_space<hbm>>, %arg6: memref<16384xf32, #tpu.memory_space<hbm>>, %arg7: memref<16384xf32, #tpu.memory_space<hbm>>, %arg8: memref<65536xi32, #tpu.memory_space<hbm>>, %arg9: memref<65536xf32, #tpu.memory_space<hbm>>, %arg10: memref<65536xf32, #tpu.memory_space<hbm>>, %arg11: memref<65536xf32, #tpu.memory_space<hbm>>, %arg12: memref<65536xf32, #tpu.memory_space<hbm>>, %arg13: memref<65536xf32, #tpu.memory_space<hbm>>, %arg14: memref<65536xf32, #tpu.memory_space<hbm>>, %arg15: memref<16384xf32, #tpu.memory_space<vmem>>, %arg16: memref<16384xf32, #tpu.memory_space<vmem>>, %arg17: memref<16384xf32, #tpu.memory_space<vmem>>, %arg18: memref<16384xf32, #tpu.memory_space<vmem>>, %arg19: memref<16384xf32, #tpu.memory_space<vmem>>, %arg20: memref<16384xf32, #tpu.memory_space<vmem>>, %arg21: memref<2048xi32, #tpu.memory_space<vmem>>, %arg22: memref<2048xf32, #tpu.memory_space<vmem>>, %arg23: memref<2048xf32, #tpu.memory_space<vmem>>, %arg24: memref<2048xf32, #tpu.memory_space<vmem>>, %arg25: memref<2048xf32, #tpu.memory_space<vmem>>, %arg26: memref<2048xf32, #tpu.memory_space<vmem>>, %arg27: memref<2048xf32, #tpu.memory_space<vmem>>) attributes {dimension_semantics = [#tpu.dimension_semantics<core_parallel>, #tpu.dimension_semantics<subcore_parallel>], iteration_bounds = array<i64: 2, 16>, scalar_prefetch = 0 : i64, scratch_operands = 13 : i64, tpu.core_type = #tpu.core_type<sc_vector_subcore>, window_params = [{transform_indices = #map}, {transform_indices = #map}, {transform_indices = #map}, {transform_indices = #map}, {transform_indices = #map}, {transform_indices = #map}, {transform_indices = #map}, {transform_indices = #map}, {transform_indices = #map}, {transform_indices = #map}, {transform_indices = #map}, {transform_indices = #map}, {transform_indices = #map}]} {
    %mul3A = arith.constant 2 : i32
    %mul3A_0 = arith.muli %arg1, %mul3A : i32
    %add3A = arith.addi %mul3A_0, %arg0 : i32
    %mul3A_1 = arith.constant 2048 : i32
    %mul3A_2 = arith.muli %add3A, %mul3A_1 : i32
    "tpu.region"() ({
      %run_scoped3A = tpu.sem_alloc : memref<!tpu.dma_semaphore, #tpu.memory_space<semaphore_mem>>
      tpu.enqueue_dma source(%arg2 : memref<16384xf32, #tpu.memory_space<hbm>>) target(%arg15 : memref<16384xf32, #tpu.memory_space<vmem>>) target_semaphore(%run_scoped3A : memref<!tpu.dma_semaphore, #tpu.memory_space<semaphore_mem>>)
      tpu.wait_dma2 semaphore(%run_scoped3A : memref<!tpu.dma_semaphore, #tpu.memory_space<semaphore_mem>>) src(%arg2 : memref<16384xf32, #tpu.memory_space<hbm>>) dst(%arg15 : memref<16384xf32, #tpu.memory_space<vmem>>)
      tpu.yield
    }) : () -> ()
    "tpu.region"() ({
      %run_scoped3A = tpu.sem_alloc : memref<!tpu.dma_semaphore, #tpu.memory_space<semaphore_mem>>
      tpu.enqueue_dma source(%arg3 : memref<16384xf32, #tpu.memory_space<hbm>>) target(%arg16 : memref<16384xf32, #tpu.memory_space<vmem>>) target_semaphore(%run_scoped3A : memref<!tpu.dma_semaphore, #tpu.memory_space<semaphore_mem>>)
      tpu.wait_dma2 semaphore(%run_scoped3A : memref<!tpu.dma_semaphore, #tpu.memory_space<semaphore_mem>>) src(%arg3 : memref<16384xf32, #tpu.memory_space<hbm>>) dst(%arg16 : memref<16384xf32, #tpu.memory_space<vmem>>)
      tpu.yield
    }) : () -> ()
    "tpu.region"() ({
      %run_scoped3A = tpu.sem_alloc : memref<!tpu.dma_semaphore, #tpu.memory_space<semaphore_mem>>
      tpu.enqueue_dma source(%arg4 : memref<16384xf32, #tpu.memory_space<hbm>>) target(%arg17 : memref<16384xf32, #tpu.memory_space<vmem>>) target_semaphore(%run_scoped3A : memref<!tpu.dma_semaphore, #tpu.memory_space<semaphore_mem>>)
      tpu.wait_dma2 semaphore(%run_scoped3A : memref<!tpu.dma_semaphore, #tpu.memory_space<semaphore_mem>>) src(%arg4 : memref<16384xf32, #tpu.memory_space<hbm>>) dst(%arg17 : memref<16384xf32, #tpu.memory_space<vmem>>)
      tpu.yield
    }) : () -> ()
    "tpu.region"() ({
      %run_scoped3A = tpu.sem_alloc : memref<!tpu.dma_semaphore, #tpu.memory_space<semaphore_mem>>
      tpu.enqueue_dma source(%arg5 : memref<16384xf32, #tpu.memory_space<hbm>>) target(%arg18 : memref<16384xf32, #tpu.memory_space<vmem>>) target_semaphore(%run_scoped3A : memref<!tpu.dma_semaphore, #tpu.memory_space<semaphore_mem>>)
      tpu.wait_dma2 semaphore(%run_scoped3A : memref<!tpu.dma_semaphore, #tpu.memory_space<semaphore_mem>>) src(%arg5 : memref<16384xf32, #tpu.memory_space<hbm>>) dst(%arg18 : memref<16384xf32, #tpu.memory_space<vmem>>)
      tpu.yield
    }) : () -> ()
    "tpu.region"() ({
      %run_scoped3A = tpu.sem_alloc : memref<!tpu.dma_semaphore, #tpu.memory_space<semaphore_mem>>
      tpu.enqueue_dma source(%arg6 : memref<16384xf32, #tpu.memory_space<hbm>>) target(%arg19 : memref<16384xf32, #tpu.memory_space<vmem>>) target_semaphore(%run_scoped3A : memref<!tpu.dma_semaphore, #tpu.memory_space<semaphore_mem>>)
      tpu.wait_dma2 semaphore(%run_scoped3A : memref<!tpu.dma_semaphore, #tpu.memory_space<semaphore_mem>>) src(%arg6 : memref<16384xf32, #tpu.memory_space<hbm>>) dst(%arg19 : memref<16384xf32, #tpu.memory_space<vmem>>)
      tpu.yield
    }) : () -> ()
    "tpu.region"() ({
      %run_scoped3A = tpu.sem_alloc : memref<!tpu.dma_semaphore, #tpu.memory_space<semaphore_mem>>
      tpu.enqueue_dma source(%arg7 : memref<16384xf32, #tpu.memory_space<hbm>>) target(%arg20 : memref<16384xf32, #tpu.memory_space<vmem>>) target_semaphore(%run_scoped3A : memref<!tpu.dma_semaphore, #tpu.memory_space<semaphore_mem>>)
      tpu.wait_dma2 semaphore(%run_scoped3A : memref<!tpu.dma_semaphore, #tpu.memory_space<semaphore_mem>>) src(%arg7 : memref<16384xf32, #tpu.memory_space<hbm>>) dst(%arg20 : memref<16384xf32, #tpu.memory_space<vmem>>)
      tpu.yield
    }) : () -> ()
    %scan3A = arith.constant 0 : i32
    %scan3A_3 = arith.constant 0 : i32
    %mul3A_4 = arith.constant 2048 : i32
    %mul3A_5 = arith.muli %scan3A_3, %mul3A_4 : i32
    %add3A_6 = arith.addi %mul3A_2, %mul3A_5 : i32
    "tpu.region"() ({
      %run_scoped3A = tpu.sem_alloc : memref<!tpu.dma_semaphore, #tpu.memory_space<semaphore_mem>>
      %dma_start3A = tpu.memref_slice %arg8[%add3A_6] : memref<65536xi32, #tpu.memory_space<hbm>> -> memref<2048xi32, #tpu.memory_space<hbm>>
      %dma_start3A_14 = tpu.memref_slice %arg8[%add3A_6] : memref<65536xi32, #tpu.memory_space<hbm>> -> memref<2048xi32, #tpu.memory_space<hbm>>
      tpu.enqueue_dma source(%dma_start3A_14 : memref<2048xi32, #tpu.memory_space<hbm>>) target(%arg21 : memref<2048xi32, #tpu.memory_space<vmem>>) target_semaphore(%run_scoped3A : memref<!tpu.dma_semaphore, #tpu.memory_space<semaphore_mem>>)
      %dma_wait3A = tpu.memref_slice %arg8[%add3A_6] : memref<65536xi32, #tpu.memory_space<hbm>> -> memref<2048xi32, #tpu.memory_space<hbm>>
      %dma_wait3A_15 = tpu.memref_slice %arg8[%add3A_6] : memref<65536xi32, #tpu.memory_space<hbm>> -> memref<2048xi32, #tpu.memory_space<hbm>>
      tpu.wait_dma2 semaphore(%run_scoped3A : memref<!tpu.dma_semaphore, #tpu.memory_space<semaphore_mem>>) src(%dma_wait3A_15 : memref<2048xi32, #tpu.memory_space<hbm>>) dst(%arg21 : memref<2048xi32, #tpu.memory_space<vmem>>)
      tpu.yield
    }) : () -> ()
    %scan3A_7 = arith.constant 0 : i32
    %scan3A_8 = arith.constant 0 : i32
    %scan3A_9 = arith.constant 128 : i32
    %scan3A_10 = arith.addi %scan3A_8, %scan3A_9 : i32
    %scan3A_11 = arith.constant 1 : i32
    scf.for %scan3A_14 = %scan3A_8 to %scan3A_10 step %scan3A_11  : i32 {
      %mul3A_15 = arith.constant 16 : i32
      %mul3A_16 = arith.muli %scan3A_14, %mul3A_15 : i32
      %get3A = arith.index_cast %mul3A_16 : i32 to index
      %get3A_17 = tpu.vector_load %arg21[%get3A] {strides = array<i32>} : memref<2048xi32, #tpu.memory_space<vmem>>, vector<16xi32>,
      %gather3A = tpu.vector_load_idx %arg15[%get3A_17] : memref<16384xf32, #tpu.memory_space<vmem>>[vector<16xi32>], vector<16xf32>,
      %mul3A_18 = arith.constant 16 : i32
      %mul3A_19 = arith.muli %scan3A_14, %mul3A_18 : i32
      %swap3A = arith.index_cast %mul3A_19 : i32 to index
      %swap3A_20 = tpu.vector_load %arg22[%swap3A] {strides = array<i32>} : memref<2048xf32, #tpu.memory_space<vmem>>, vector<16xf32>,
      tpu.vector_store %arg22[%swap3A], %gather3A {strides = array<i32>} : memref<2048xf32, #tpu.memory_space<vmem>>, vector<16xf32>,
      %gather3A_21 = tpu.vector_load_idx %arg16[%get3A_17] : memref<16384xf32, #tpu.memory_space<vmem>>[vector<16xi32>], vector<16xf32>,
      %mul3A_22 = arith.constant 16 : i32
      %mul3A_23 = arith.muli %scan3A_14, %mul3A_22 : i32
      %swap3A_24 = arith.index_cast %mul3A_23 : i32 to index
      %swap3A_25 = tpu.vector_load %arg23[%swap3A_24] {strides = array<i32>} : memref<2048xf32, #tpu.memory_space<vmem>>, vector<16xf32>,
      tpu.vector_store %arg23[%swap3A_24], %gather3A_21 {strides = array<i32>} : memref<2048xf32, #tpu.memory_space<vmem>>, vector<16xf32>,
      %gather3A_26 = tpu.vector_load_idx %arg17[%get3A_17] : memref<16384xf32, #tpu.memory_space<vmem>>[vector<16xi32>], vector<16xf32>,
      %mul3A_27 = arith.constant 16 : i32
      %mul3A_28 = arith.muli %scan3A_14, %mul3A_27 : i32
      %swap3A_29 = arith.index_cast %mul3A_28 : i32 to index
      %swap3A_30 = tpu.vector_load %arg24[%swap3A_29] {strides = array<i32>} : memref<2048xf32, #tpu.memory_space<vmem>>, vector<16xf32>,
      tpu.vector_store %arg24[%swap3A_29], %gather3A_26 {strides = array<i32>} : memref<2048xf32, #tpu.memory_space<vmem>>, vector<16xf32>,
      %gather3A_31 = tpu.vector_load_idx %arg18[%get3A_17] : memref<16384xf32, #tpu.memory_space<vmem>>[vector<16xi32>], vector<16xf32>,
      %mul3A_32 = arith.constant 16 : i32
      %mul3A_33 = arith.muli %scan3A_14, %mul3A_32 : i32
      %swap3A_34 = arith.index_cast %mul3A_33 : i32 to index
      %swap3A_35 = tpu.vector_load %arg25[%swap3A_34] {strides = array<i32>} : memref<2048xf32, #tpu.memory_space<vmem>>, vector<16xf32>,
      tpu.vector_store %arg25[%swap3A_34], %gather3A_31 {strides = array<i32>} : memref<2048xf32, #tpu.memory_space<vmem>>, vector<16xf32>,
      %gather3A_36 = tpu.vector_load_idx %arg19[%get3A_17] : memref<16384xf32, #tpu.memory_space<vmem>>[vector<16xi32>], vector<16xf32>,
      %mul3A_37 = arith.constant 16 : i32
      %mul3A_38 = arith.muli %scan3A_14, %mul3A_37 : i32
      %swap3A_39 = arith.index_cast %mul3A_38 : i32 to index
      %swap3A_40 = tpu.vector_load %arg26[%swap3A_39] {strides = array<i32>} : memref<2048xf32, #tpu.memory_space<vmem>>, vector<16xf32>,
      tpu.vector_store %arg26[%swap3A_39], %gather3A_36 {strides = array<i32>} : memref<2048xf32, #tpu.memory_space<vmem>>, vector<16xf32>,
      %gather3A_41 = tpu.vector_load_idx %arg20[%get3A_17] : memref<16384xf32, #tpu.memory_space<vmem>>[vector<16xi32>], vector<16xf32>,
      %mul3A_42 = arith.constant 16 : i32
      %mul3A_43 = arith.muli %scan3A_14, %mul3A_42 : i32
      %swap3A_44 = arith.index_cast %mul3A_43 : i32 to index
      %swap3A_45 = tpu.vector_load %arg27[%swap3A_44] {strides = array<i32>} : memref<2048xf32, #tpu.memory_space<vmem>>, vector<16xf32>,
      tpu.vector_store %arg27[%swap3A_44], %gather3A_41 {strides = array<i32>} : memref<2048xf32, #tpu.memory_space<vmem>>, vector<16xf32>,
    }
    %scan3A_12 = arith.constant 128 : i32
    "tpu.region"() ({
      %run_scoped3A = tpu.sem_alloc : memref<!tpu.dma_semaphore, #tpu.memory_space<semaphore_mem>>
      %dma_start3A = tpu.memref_slice %arg9[%add3A_6] : memref<65536xf32, #tpu.memory_space<hbm>> -> memref<2048xf32, #tpu.memory_space<hbm>>
      %dma_start3A_14 = tpu.memref_slice %arg9[%add3A_6] : memref<65536xf32, #tpu.memory_space<hbm>> -> memref<2048xf32, #tpu.memory_space<hbm>>
      tpu.enqueue_dma source(%arg22 : memref<2048xf32, #tpu.memory_space<vmem>>) target(%dma_start3A_14 : memref<2048xf32, #tpu.memory_space<hbm>>) target_semaphore(%run_scoped3A : memref<!tpu.dma_semaphore, #tpu.memory_space<semaphore_mem>>)
      %dma_wait3A = tpu.memref_slice %arg9[%add3A_6] : memref<65536xf32, #tpu.memory_space<hbm>> -> memref<2048xf32, #tpu.memory_space<hbm>>
      %dma_wait3A_15 = tpu.memref_slice %arg9[%add3A_6] : memref<65536xf32, #tpu.memory_space<hbm>> -> memref<2048xf32, #tpu.memory_space<hbm>>
      tpu.wait_dma2 semaphore(%run_scoped3A : memref<!tpu.dma_semaphore, #tpu.memory_space<semaphore_mem>>) src(%arg22 : memref<2048xf32, #tpu.memory_space<vmem>>) dst(%dma_wait3A_15 : memref<2048xf32, #tpu.memory_space<hbm>>)
      tpu.yield
    }) : () -> ()
    "tpu.region"() ({
      %run_scoped3A = tpu.sem_alloc : memref<!tpu.dma_semaphore, #tpu.memory_space<semaphore_mem>>
      %dma_start3A = tpu.memref_slice %arg10[%add3A_6] : memref<65536xf32, #tpu.memory_space<hbm>> -> memref<2048xf32, #tpu.memory_space<hbm>>
      %dma_start3A_14 = tpu.memref_slice %arg10[%add3A_6] : memref<65536xf32, #tpu.memory_space<hbm>> -> memref<2048xf32, #tpu.memory_space<hbm>>
      tpu.enqueue_dma source(%arg23 : memref<2048xf32, #tpu.memory_space<vmem>>) target(%dma_start3A_14 : memref<2048xf32, #tpu.memory_space<hbm>>) target_semaphore(%run_scoped3A : memref<!tpu.dma_semaphore, #tpu.memory_space<semaphore_mem>>)
      %dma_wait3A = tpu.memref_slice %arg10[%add3A_6] : memref<65536xf32, #tpu.memory_space<hbm>> -> memref<2048xf32, #tpu.memory_space<hbm>>
      %dma_wait3A_15 = tpu.memref_slice %arg10[%add3A_6] : memref<65536xf32, #tpu.memory_space<hbm>> -> memref<2048xf32, #tpu.memory_space<hbm>>
      tpu.wait_dma2 semaphore(%run_scoped3A : memref<!tpu.dma_semaphore, #tpu.memory_space<semaphore_mem>>) src(%arg23 : memref<2048xf32, #tpu.memory_space<vmem>>) dst(%dma_wait3A_15 : memref<2048xf32, #tpu.memory_space<hbm>>)
      tpu.yield
    }) : () -> ()
    "tpu.region"() ({
      %run_scoped3A = tpu.sem_alloc : memref<!tpu.dma_semaphore, #tpu.memory_space<semaphore_mem>>
      %dma_start3A = tpu.memref_slice %arg11[%add3A_6] : memref<65536xf32, #tpu.memory_space<hbm>> -> memref<2048xf32, #tpu.memory_space<hbm>>
      %dma_start3A_14 = tpu.memref_slice %arg11[%add3A_6] : memref<65536xf32, #tpu.memory_space<hbm>> -> memref<2048xf32, #tpu.memory_space<hbm>>
      tpu.enqueue_dma source(%arg24 : memref<2048xf32, #tpu.memory_space<vmem>>) target(%dma_start3A_14 : memref<2048xf32, #tpu.memory_space<hbm>>) target_semaphore(%run_scoped3A : memref<!tpu.dma_semaphore, #tpu.memory_space<semaphore_mem>>)
      %dma_wait3A = tpu.memref_slice %arg11[%add3A_6] : memref<65536xf32, #tpu.memory_space<hbm>> -> memref<2048xf32, #tpu.memory_space<hbm>>
      %dma_wait3A_15 = tpu.memref_slice %arg11[%add3A_6] : memref<65536xf32, #tpu.memory_space<hbm>> -> memref<2048xf32, #tpu.memory_space<hbm>>
      tpu.wait_dma2 semaphore(%run_scoped3A : memref<!tpu.dma_semaphore, #tpu.memory_space<semaphore_mem>>) src(%arg24 : memref<2048xf32, #tpu.memory_space<vmem>>) dst(%dma_wait3A_15 : memref<2048xf32, #tpu.memory_space<hbm>>)
      tpu.yield
    }) : () -> ()
    "tpu.region"() ({
      %run_scoped3A = tpu.sem_alloc : memref<!tpu.dma_semaphore, #tpu.memory_space<semaphore_mem>>
      %dma_start3A = tpu.memref_slice %arg12[%add3A_6] : memref<65536xf32, #tpu.memory_space<hbm>> -> memref<2048xf32, #tpu.memory_space<hbm>>
      %dma_start3A_14 = tpu.memref_slice %arg12[%add3A_6] : memref<65536xf32, #tpu.memory_space<hbm>> -> memref<2048xf32, #tpu.memory_space<hbm>>
      tpu.enqueue_dma source(%arg25 : memref<2048xf32, #tpu.memory_space<vmem>>) target(%dma_start3A_14 : memref<2048xf32, #tpu.memory_space<hbm>>) target_semaphore(%run_scoped3A : memref<!tpu.dma_semaphore, #tpu.memory_space<semaphore_mem>>)
      %dma_wait3A = tpu.memref_slice %arg12[%add3A_6] : memref<65536xf32, #tpu.memory_space<hbm>> -> memref<2048xf32, #tpu.memory_space<hbm>>
      %dma_wait3A_15 = tpu.memref_slice %arg12[%add3A_6] : memref<65536xf32, #tpu.memory_space<hbm>> -> memref<2048xf32, #tpu.memory_space<hbm>>
      tpu.wait_dma2 semaphore(%run_scoped3A : memref<!tpu.dma_semaphore, #tpu.memory_space<semaphore_mem>>) src(%arg25 : memref<2048xf32, #tpu.memory_space<vmem>>) dst(%dma_wait3A_15 : memref<2048xf32, #tpu.memory_space<hbm>>)
      tpu.yield
    }) : () -> ()
    "tpu.region"() ({
      %run_scoped3A = tpu.sem_alloc : memref<!tpu.dma_semaphore, #tpu.memory_space<semaphore_mem>>
      %dma_start3A = tpu.memref_slice %arg13[%add3A_6] : memref<65536xf32, #tpu.memory_space<hbm>> -> memref<2048xf32, #tpu.memory_space<hbm>>
      %dma_start3A_14 = tpu.memref_slice %arg13[%add3A_6] : memref<65536xf32, #tpu.memory_space<hbm>> -> memref<2048xf32, #tpu.memory_space<hbm>>
      tpu.enqueue_dma source(%arg26 : memref<2048xf32, #tpu.memory_space<vmem>>) target(%dma_start3A_14 : memref<2048xf32, #tpu.memory_space<hbm>>) target_semaphore(%run_scoped3A : memref<!tpu.dma_semaphore, #tpu.memory_space<semaphore_mem>>)
      %dma_wait3A = tpu.memref_slice %arg13[%add3A_6] : memref<65536xf32, #tpu.memory_space<hbm>> -> memref<2048xf32, #tpu.memory_space<hbm>>
      %dma_wait3A_15 = tpu.memref_slice %arg13[%add3A_6] : memref<65536xf32, #tpu.memory_space<hbm>> -> memref<2048xf32, #tpu.memory_space<hbm>>
      tpu.wait_dma2 semaphore(%run_scoped3A : memref<!tpu.dma_semaphore, #tpu.memory_space<semaphore_mem>>) src(%arg26 : memref<2048xf32, #tpu.memory_space<vmem>>) dst(%dma_wait3A_15 : memref<2048xf32, #tpu.memory_space<hbm>>)
      tpu.yield
    }) : () -> ()
    "tpu.region"() ({
      %run_scoped3A = tpu.sem_alloc : memref<!tpu.dma_semaphore, #tpu.memory_space<semaphore_mem>>
      %dma_start3A = tpu.memref_slice %arg14[%add3A_6] : memref<65536xf32, #tpu.memory_space<hbm>> -> memref<2048xf32, #tpu.memory_space<hbm>>
      %dma_start3A_14 = tpu.memref_slice %arg14[%add3A_6] : memref<65536xf32, #tpu.memory_space<hbm>> -> memref<2048xf32, #tpu.memory_space<hbm>>
      tpu.enqueue_dma source(%arg27 : memref<2048xf32, #tpu.memory_space<vmem>>) target(%dma_start3A_14 : memref<2048xf32, #tpu.memory_space<hbm>>) target_semaphore(%run_scoped3A : memref<!tpu.dma_semaphore, #tpu.memory_space<semaphore_mem>>)
      %dma_wait3A = tpu.memref_slice %arg14[%add3A_6] : memref<65536xf32, #tpu.memory_space<hbm>> -> memref<2048xf32, #tpu.memory_space<hbm>>
      %dma_wait3A_15 = tpu.memref_slice %arg14[%add3A_6] : memref<65536xf32, #tpu.memory_space<hbm>> -> memref<2048xf32, #tpu.memory_space<hbm>>
      tpu.wait_dma2 semaphore(%run_scoped3A : memref<!tpu.dma_semaphore, #tpu.memory_space<semaphore_mem>>) src(%arg27 : memref<2048xf32, #tpu.memory_space<vmem>>) dst(%dma_wait3A_15 : memref<2048xf32, #tpu.memory_space<hbm>>)
      tpu.yield
    }) : () -> ()
    %scan3A_13 = arith.constant 1 : i32
    return
  }
}

module attributes {stable_mosaic.version = 14 : i64} {
  func.func @_knn_body(%arg0: i32, %arg1: memref<64x3xf32, #tpu.memory_space<vmem>>, %arg2: memref<3x16384xf32, #tpu.memory_space<vmem>>, %arg3: memref<64x16xi32, #tpu.memory_space<vmem>>) attributes {dimension_semantics = [#tpu.dimension_semantics<arbitrary>], iteration_bounds = array<i64: 64>, scalar_prefetch = 0 : i64, scratch_operands = 0 : i64, tpu.core_type = #tpu.core_type<tc>, window_params = [{transform_indices = @transform_0, window_bounds = array<i64: 64, 3>}, {pipeline_mode = #tpu.pipeline_mode<synchronous>, transform_indices = @transform_1, window_bounds = array<i64: 3, 16384>}, {transform_indices = @transform_2, window_bounds = array<i64: 64, 16>}]} {
    %get3A = arith.constant 0 : index
    %get3A_0 = arith.constant 0 : index
    %get3A_1 = vector.load %arg1[%get3A, %get3A_0] : memref<64x3xf32, #tpu.memory_space<vmem>>, vector<64x3xf32>
    %get3A_2 = arith.constant 0 : index
    %get3A_3 = arith.constant 0 : index
    %get3A_4 = vector.load %arg2[%get3A_2, %get3A_3] : memref<3x16384xf32, #tpu.memory_space<vmem>>, vector<3x16384xf32>
    %mul3A = arith.mulf %get3A_4, %get3A_4 : vector<3x16384xf32>
    %reduce_sum3A = arith.constant dense<0.000000e+00> : vector<16384xf32>
    %reduce_sum3A_5 = vector.multi_reduction <add>, %mul3A, %reduce_sum3A [0] : vector<3x16384xf32> to vector<16384xf32>
    %broadcast_in_dim3A = vector.shape_cast %reduce_sum3A_5 : vector<16384xf32> to vector<1x16384xf32>
    %dot_general3A = arith.constant dense<0.000000e+00> : vector<64x16384xf32>
    %dot_general3A_6 = tpu.matmul %get3A_1, %get3A_4, %dot_general3A {dimension_numbers = #tpu.dot_dimension_numbers<[1], [0], [0], [1], [0, 0, 1, 1], [], []>, transpose_lhs_hint = false} : vector<64x3xf32>, vector<3x16384xf32>, vector<64x16384xf32> -> vector<64x16384xf32>
    %mul3A_7 = arith.constant 2.000000e+00 : f32
    %mul3A_8 = vector.broadcast %mul3A_7 : f32 to vector<64x16384xf32>
    %mul3A_9 = arith.mulf %mul3A_8, %dot_general3A_6 : vector<64x16384xf32>
    %sub3A = vector.broadcast %broadcast_in_dim3A : vector<1x16384xf32> to vector<64x16384xf32>
    %sub3A_10 = arith.subf %sub3A, %mul3A_9 : vector<64x16384xf32>
    %iota3A = tpu.iota {dimensions = array<i32: 1>} : vector<64x16384xi32>
    %reduce_min3A = arith.constant dense<0x7F800000> : vector<64xf32>
    %reduce_min3A_11 = vector.multi_reduction <minimumf>, %sub3A_10, %reduce_min3A [1] : vector<64x16384xf32> to vector<64xf32>
    %broadcast_in_dim3A_12 = vector.shape_cast %reduce_min3A_11 : vector<64xf32> to vector<64x1xf32>
    %eq3A = vector.broadcast %broadcast_in_dim3A_12 : vector<64x1xf32> to vector<64x16384xf32>
    %eq3A_13 = arith.cmpf oeq, %sub3A_10, %eq3A : vector<64x16384xf32>
    %jit3A = arith.constant 16384 : i32
    %broadcast_in_dim3A_14 = vector.broadcast %jit3A : i32 to vector<64x16384xi32>
    %select_n3A = arith.select %eq3A_13, %iota3A, %broadcast_in_dim3A_14 : vector<64x16384xi1>, vector<64x16384xi32>
    %reduce_min3A_15 = arith.constant dense<2147483647> : vector<64xi32>
    %reduce_min3A_16 = vector.multi_reduction <minsi>, %select_n3A, %reduce_min3A_15 [1] : vector<64x16384xi32> to vector<64xi32>
    %broadcast_in_dim3A_17 = vector.shape_cast %reduce_min3A_16 : vector<64xi32> to vector<64x1xi32>
    %eq3A_18 = vector.broadcast %broadcast_in_dim3A_17 : vector<64x1xi32> to vector<64x16384xi32>
    %eq3A_19 = arith.cmpi eq, %iota3A, %eq3A_18 : vector<64x16384xi32>
    %jit3A_20 = arith.constant 0x7F800000 : f32
    %broadcast_in_dim3A_21 = vector.broadcast %jit3A_20 : f32 to vector<64x16384xf32>
    %select_n3A_22 = arith.select %eq3A_19, %broadcast_in_dim3A_21, %sub3A_10 : vector<64x16384xi1>, vector<64x16384xf32>
    %reduce_min3A_23 = arith.constant dense<0x7F800000> : vector<64xf32>
    %reduce_min3A_24 = vector.multi_reduction <minimumf>, %select_n3A_22, %reduce_min3A_23 [1] : vector<64x16384xf32> to vector<64xf32>
    %broadcast_in_dim3A_25 = vector.shape_cast %reduce_min3A_24 : vector<64xf32> to vector<64x1xf32>
    %eq3A_26 = vector.broadcast %broadcast_in_dim3A_25 : vector<64x1xf32> to vector<64x16384xf32>
    %eq3A_27 = arith.cmpf oeq, %select_n3A_22, %eq3A_26 : vector<64x16384xf32>
    %jit3A_28 = arith.constant 16384 : i32
    %broadcast_in_dim3A_29 = vector.broadcast %jit3A_28 : i32 to vector<64x16384xi32>
    %select_n3A_30 = arith.select %eq3A_27, %iota3A, %broadcast_in_dim3A_29 : vector<64x16384xi1>, vector<64x16384xi32>
    %reduce_min3A_31 = arith.constant dense<2147483647> : vector<64xi32>
    %reduce_min3A_32 = vector.multi_reduction <minsi>, %select_n3A_30, %reduce_min3A_31 [1] : vector<64x16384xi32> to vector<64xi32>
    %broadcast_in_dim3A_33 = vector.shape_cast %reduce_min3A_32 : vector<64xi32> to vector<64x1xi32>
    %eq3A_34 = vector.broadcast %broadcast_in_dim3A_33 : vector<64x1xi32> to vector<64x16384xi32>
    %eq3A_35 = arith.cmpi eq, %iota3A, %eq3A_34 : vector<64x16384xi32>
    %jit3A_36 = arith.constant 0x7F800000 : f32
    %broadcast_in_dim3A_37 = vector.broadcast %jit3A_36 : f32 to vector<64x16384xf32>
    %select_n3A_38 = arith.select %eq3A_35, %broadcast_in_dim3A_37, %select_n3A_22 : vector<64x16384xi1>, vector<64x16384xf32>
    %reduce_min3A_39 = arith.constant dense<0x7F800000> : vector<64xf32>
    %reduce_min3A_40 = vector.multi_reduction <minimumf>, %select_n3A_38, %reduce_min3A_39 [1] : vector<64x16384xf32> to vector<64xf32>
    %broadcast_in_dim3A_41 = vector.shape_cast %reduce_min3A_40 : vector<64xf32> to vector<64x1xf32>
    %eq3A_42 = vector.broadcast %broadcast_in_dim3A_41 : vector<64x1xf32> to vector<64x16384xf32>
    %eq3A_43 = arith.cmpf oeq, %select_n3A_38, %eq3A_42 : vector<64x16384xf32>
    %jit3A_44 = arith.constant 16384 : i32
    %broadcast_in_dim3A_45 = vector.broadcast %jit3A_44 : i32 to vector<64x16384xi32>
    %select_n3A_46 = arith.select %eq3A_43, %iota3A, %broadcast_in_dim3A_45 : vector<64x16384xi1>, vector<64x16384xi32>
    %reduce_min3A_47 = arith.constant dense<2147483647> : vector<64xi32>
    %reduce_min3A_48 = vector.multi_reduction <minsi>, %select_n3A_46, %reduce_min3A_47 [1] : vector<64x16384xi32> to vector<64xi32>
    %broadcast_in_dim3A_49 = vector.shape_cast %reduce_min3A_48 : vector<64xi32> to vector<64x1xi32>
    %eq3A_50 = vector.broadcast %broadcast_in_dim3A_49 : vector<64x1xi32> to vector<64x16384xi32>
    %eq3A_51 = arith.cmpi eq, %iota3A, %eq3A_50 : vector<64x16384xi32>
    %jit3A_52 = arith.constant 0x7F800000 : f32
    %broadcast_in_dim3A_53 = vector.broadcast %jit3A_52 : f32 to vector<64x16384xf32>
    %select_n3A_54 = arith.select %eq3A_51, %broadcast_in_dim3A_53, %select_n3A_38 : vector<64x16384xi1>, vector<64x16384xf32>
    %reduce_min3A_55 = arith.constant dense<0x7F800000> : vector<64xf32>
    %reduce_min3A_56 = vector.multi_reduction <minimumf>, %select_n3A_54, %reduce_min3A_55 [1] : vector<64x16384xf32> to vector<64xf32>
    %broadcast_in_dim3A_57 = vector.shape_cast %reduce_min3A_56 : vector<64xf32> to vector<64x1xf32>
    %eq3A_58 = vector.broadcast %broadcast_in_dim3A_57 : vector<64x1xf32> to vector<64x16384xf32>
    %eq3A_59 = arith.cmpf oeq, %select_n3A_54, %eq3A_58 : vector<64x16384xf32>
    %jit3A_60 = arith.constant 16384 : i32
    %broadcast_in_dim3A_61 = vector.broadcast %jit3A_60 : i32 to vector<64x16384xi32>
    %select_n3A_62 = arith.select %eq3A_59, %iota3A, %broadcast_in_dim3A_61 : vector<64x16384xi1>, vector<64x16384xi32>
    %reduce_min3A_63 = arith.constant dense<2147483647> : vector<64xi32>
    %reduce_min3A_64 = vector.multi_reduction <minsi>, %select_n3A_62, %reduce_min3A_63 [1] : vector<64x16384xi32> to vector<64xi32>
    %broadcast_in_dim3A_65 = vector.shape_cast %reduce_min3A_64 : vector<64xi32> to vector<64x1xi32>
    %eq3A_66 = vector.broadcast %broadcast_in_dim3A_65 : vector<64x1xi32> to vector<64x16384xi32>
    %eq3A_67 = arith.cmpi eq, %iota3A, %eq3A_66 : vector<64x16384xi32>
    %jit3A_68 = arith.constant 0x7F800000 : f32
    %broadcast_in_dim3A_69 = vector.broadcast %jit3A_68 : f32 to vector<64x16384xf32>
    %select_n3A_70 = arith.select %eq3A_67, %broadcast_in_dim3A_69, %select_n3A_54 : vector<64x16384xi1>, vector<64x16384xf32>
    %reduce_min3A_71 = arith.constant dense<0x7F800000> : vector<64xf32>
    %reduce_min3A_72 = vector.multi_reduction <minimumf>, %select_n3A_70, %reduce_min3A_71 [1] : vector<64x16384xf32> to vector<64xf32>
    %broadcast_in_dim3A_73 = vector.shape_cast %reduce_min3A_72 : vector<64xf32> to vector<64x1xf32>
    %eq3A_74 = vector.broadcast %broadcast_in_dim3A_73 : vector<64x1xf32> to vector<64x16384xf32>
    %eq3A_75 = arith.cmpf oeq, %select_n3A_70, %eq3A_74 : vector<64x16384xf32>
    %jit3A_76 = arith.constant 16384 : i32
    %broadcast_in_dim3A_77 = vector.broadcast %jit3A_76 : i32 to vector<64x16384xi32>
    %select_n3A_78 = arith.select %eq3A_75, %iota3A, %broadcast_in_dim3A_77 : vector<64x16384xi1>, vector<64x16384xi32>
    %reduce_min3A_79 = arith.constant dense<2147483647> : vector<64xi32>
    %reduce_min3A_80 = vector.multi_reduction <minsi>, %select_n3A_78, %reduce_min3A_79 [1] : vector<64x16384xi32> to vector<64xi32>
    %broadcast_in_dim3A_81 = vector.shape_cast %reduce_min3A_80 : vector<64xi32> to vector<64x1xi32>
    %eq3A_82 = vector.broadcast %broadcast_in_dim3A_81 : vector<64x1xi32> to vector<64x16384xi32>
    %eq3A_83 = arith.cmpi eq, %iota3A, %eq3A_82 : vector<64x16384xi32>
    %jit3A_84 = arith.constant 0x7F800000 : f32
    %broadcast_in_dim3A_85 = vector.broadcast %jit3A_84 : f32 to vector<64x16384xf32>
    %select_n3A_86 = arith.select %eq3A_83, %broadcast_in_dim3A_85, %select_n3A_70 : vector<64x16384xi1>, vector<64x16384xf32>
    %reduce_min3A_87 = arith.constant dense<0x7F800000> : vector<64xf32>
    %reduce_min3A_88 = vector.multi_reduction <minimumf>, %select_n3A_86, %reduce_min3A_87 [1] : vector<64x16384xf32> to vector<64xf32>
    %broadcast_in_dim3A_89 = vector.shape_cast %reduce_min3A_88 : vector<64xf32> to vector<64x1xf32>
    %eq3A_90 = vector.broadcast %broadcast_in_dim3A_89 : vector<64x1xf32> to vector<64x16384xf32>
    %eq3A_91 = arith.cmpf oeq, %select_n3A_86, %eq3A_90 : vector<64x16384xf32>
    %jit3A_92 = arith.constant 16384 : i32
    %broadcast_in_dim3A_93 = vector.broadcast %jit3A_92 : i32 to vector<64x16384xi32>
    %select_n3A_94 = arith.select %eq3A_91, %iota3A, %broadcast_in_dim3A_93 : vector<64x16384xi1>, vector<64x16384xi32>
    %reduce_min3A_95 = arith.constant dense<2147483647> : vector<64xi32>
    %reduce_min3A_96 = vector.multi_reduction <minsi>, %select_n3A_94, %reduce_min3A_95 [1] : vector<64x16384xi32> to vector<64xi32>
    %broadcast_in_dim3A_97 = vector.shape_cast %reduce_min3A_96 : vector<64xi32> to vector<64x1xi32>
    %eq3A_98 = vector.broadcast %broadcast_in_dim3A_97 : vector<64x1xi32> to vector<64x16384xi32>
    %eq3A_99 = arith.cmpi eq, %iota3A, %eq3A_98 : vector<64x16384xi32>
    %jit3A_100 = arith.constant 0x7F800000 : f32
    %broadcast_in_dim3A_101 = vector.broadcast %jit3A_100 : f32 to vector<64x16384xf32>
    %select_n3A_102 = arith.select %eq3A_99, %broadcast_in_dim3A_101, %select_n3A_86 : vector<64x16384xi1>, vector<64x16384xf32>
    %reduce_min3A_103 = arith.constant dense<0x7F800000> : vector<64xf32>
    %reduce_min3A_104 = vector.multi_reduction <minimumf>, %select_n3A_102, %reduce_min3A_103 [1] : vector<64x16384xf32> to vector<64xf32>
    %broadcast_in_dim3A_105 = vector.shape_cast %reduce_min3A_104 : vector<64xf32> to vector<64x1xf32>
    %eq3A_106 = vector.broadcast %broadcast_in_dim3A_105 : vector<64x1xf32> to vector<64x16384xf32>
    %eq3A_107 = arith.cmpf oeq, %select_n3A_102, %eq3A_106 : vector<64x16384xf32>
    %jit3A_108 = arith.constant 16384 : i32
    %broadcast_in_dim3A_109 = vector.broadcast %jit3A_108 : i32 to vector<64x16384xi32>
    %select_n3A_110 = arith.select %eq3A_107, %iota3A, %broadcast_in_dim3A_109 : vector<64x16384xi1>, vector<64x16384xi32>
    %reduce_min3A_111 = arith.constant dense<2147483647> : vector<64xi32>
    %reduce_min3A_112 = vector.multi_reduction <minsi>, %select_n3A_110, %reduce_min3A_111 [1] : vector<64x16384xi32> to vector<64xi32>
    %broadcast_in_dim3A_113 = vector.shape_cast %reduce_min3A_112 : vector<64xi32> to vector<64x1xi32>
    %eq3A_114 = vector.broadcast %broadcast_in_dim3A_113 : vector<64x1xi32> to vector<64x16384xi32>
    %eq3A_115 = arith.cmpi eq, %iota3A, %eq3A_114 : vector<64x16384xi32>
    %jit3A_116 = arith.constant 0x7F800000 : f32
    %broadcast_in_dim3A_117 = vector.broadcast %jit3A_116 : f32 to vector<64x16384xf32>
    %select_n3A_118 = arith.select %eq3A_115, %broadcast_in_dim3A_117, %select_n3A_102 : vector<64x16384xi1>, vector<64x16384xf32>
    %reduce_min3A_119 = arith.constant dense<0x7F800000> : vector<64xf32>
    %reduce_min3A_120 = vector.multi_reduction <minimumf>, %select_n3A_118, %reduce_min3A_119 [1] : vector<64x16384xf32> to vector<64xf32>
    %broadcast_in_dim3A_121 = vector.shape_cast %reduce_min3A_120 : vector<64xf32> to vector<64x1xf32>
    %eq3A_122 = vector.broadcast %broadcast_in_dim3A_121 : vector<64x1xf32> to vector<64x16384xf32>
    %eq3A_123 = arith.cmpf oeq, %select_n3A_118, %eq3A_122 : vector<64x16384xf32>
    %jit3A_124 = arith.constant 16384 : i32
    %broadcast_in_dim3A_125 = vector.broadcast %jit3A_124 : i32 to vector<64x16384xi32>
    %select_n3A_126 = arith.select %eq3A_123, %iota3A, %broadcast_in_dim3A_125 : vector<64x16384xi1>, vector<64x16384xi32>
    %reduce_min3A_127 = arith.constant dense<2147483647> : vector<64xi32>
    %reduce_min3A_128 = vector.multi_reduction <minsi>, %select_n3A_126, %reduce_min3A_127 [1] : vector<64x16384xi32> to vector<64xi32>
    %broadcast_in_dim3A_129 = vector.shape_cast %reduce_min3A_128 : vector<64xi32> to vector<64x1xi32>
    %eq3A_130 = vector.broadcast %broadcast_in_dim3A_129 : vector<64x1xi32> to vector<64x16384xi32>
    %eq3A_131 = arith.cmpi eq, %iota3A, %eq3A_130 : vector<64x16384xi32>
    %jit3A_132 = arith.constant 0x7F800000 : f32
    %broadcast_in_dim3A_133 = vector.broadcast %jit3A_132 : f32 to vector<64x16384xf32>
    %select_n3A_134 = arith.select %eq3A_131, %broadcast_in_dim3A_133, %select_n3A_118 : vector<64x16384xi1>, vector<64x16384xf32>
    %reduce_min3A_135 = arith.constant dense<0x7F800000> : vector<64xf32>
    %reduce_min3A_136 = vector.multi_reduction <minimumf>, %select_n3A_134, %reduce_min3A_135 [1] : vector<64x16384xf32> to vector<64xf32>
    %broadcast_in_dim3A_137 = vector.shape_cast %reduce_min3A_136 : vector<64xf32> to vector<64x1xf32>
    %eq3A_138 = vector.broadcast %broadcast_in_dim3A_137 : vector<64x1xf32> to vector<64x16384xf32>
    %eq3A_139 = arith.cmpf oeq, %select_n3A_134, %eq3A_138 : vector<64x16384xf32>
    %jit3A_140 = arith.constant 16384 : i32
    %broadcast_in_dim3A_141 = vector.broadcast %jit3A_140 : i32 to vector<64x16384xi32>
    %select_n3A_142 = arith.select %eq3A_139, %iota3A, %broadcast_in_dim3A_141 : vector<64x16384xi1>, vector<64x16384xi32>
    %reduce_min3A_143 = arith.constant dense<2147483647> : vector<64xi32>
    %reduce_min3A_144 = vector.multi_reduction <minsi>, %select_n3A_142, %reduce_min3A_143 [1] : vector<64x16384xi32> to vector<64xi32>
    %broadcast_in_dim3A_145 = vector.shape_cast %reduce_min3A_144 : vector<64xi32> to vector<64x1xi32>
    %eq3A_146 = vector.broadcast %broadcast_in_dim3A_145 : vector<64x1xi32> to vector<64x16384xi32>
    %eq3A_147 = arith.cmpi eq, %iota3A, %eq3A_146 : vector<64x16384xi32>
    %jit3A_148 = arith.constant 0x7F800000 : f32
    %broadcast_in_dim3A_149 = vector.broadcast %jit3A_148 : f32 to vector<64x16384xf32>
    %select_n3A_150 = arith.select %eq3A_147, %broadcast_in_dim3A_149, %select_n3A_134 : vector<64x16384xi1>, vector<64x16384xf32>
    %reduce_min3A_151 = arith.constant dense<0x7F800000> : vector<64xf32>
    %reduce_min3A_152 = vector.multi_reduction <minimumf>, %select_n3A_150, %reduce_min3A_151 [1] : vector<64x16384xf32> to vector<64xf32>
    %broadcast_in_dim3A_153 = vector.shape_cast %reduce_min3A_152 : vector<64xf32> to vector<64x1xf32>
    %eq3A_154 = vector.broadcast %broadcast_in_dim3A_153 : vector<64x1xf32> to vector<64x16384xf32>
    %eq3A_155 = arith.cmpf oeq, %select_n3A_150, %eq3A_154 : vector<64x16384xf32>
    %jit3A_156 = arith.constant 16384 : i32
    %broadcast_in_dim3A_157 = vector.broadcast %jit3A_156 : i32 to vector<64x16384xi32>
    %select_n3A_158 = arith.select %eq3A_155, %iota3A, %broadcast_in_dim3A_157 : vector<64x16384xi1>, vector<64x16384xi32>
    %reduce_min3A_159 = arith.constant dense<2147483647> : vector<64xi32>
    %reduce_min3A_160 = vector.multi_reduction <minsi>, %select_n3A_158, %reduce_min3A_159 [1] : vector<64x16384xi32> to vector<64xi32>
    %broadcast_in_dim3A_161 = vector.shape_cast %reduce_min3A_160 : vector<64xi32> to vector<64x1xi32>
    %eq3A_162 = vector.broadcast %broadcast_in_dim3A_161 : vector<64x1xi32> to vector<64x16384xi32>
    %eq3A_163 = arith.cmpi eq, %iota3A, %eq3A_162 : vector<64x16384xi32>
    %jit3A_164 = arith.constant 0x7F800000 : f32
    %broadcast_in_dim3A_165 = vector.broadcast %jit3A_164 : f32 to vector<64x16384xf32>
    %select_n3A_166 = arith.select %eq3A_163, %broadcast_in_dim3A_165, %select_n3A_150 : vector<64x16384xi1>, vector<64x16384xf32>
    %reduce_min3A_167 = arith.constant dense<0x7F800000> : vector<64xf32>
    %reduce_min3A_168 = vector.multi_reduction <minimumf>, %select_n3A_166, %reduce_min3A_167 [1] : vector<64x16384xf32> to vector<64xf32>
    %broadcast_in_dim3A_169 = vector.shape_cast %reduce_min3A_168 : vector<64xf32> to vector<64x1xf32>
    %eq3A_170 = vector.broadcast %broadcast_in_dim3A_169 : vector<64x1xf32> to vector<64x16384xf32>
    %eq3A_171 = arith.cmpf oeq, %select_n3A_166, %eq3A_170 : vector<64x16384xf32>
    %jit3A_172 = arith.constant 16384 : i32
    %broadcast_in_dim3A_173 = vector.broadcast %jit3A_172 : i32 to vector<64x16384xi32>
    %select_n3A_174 = arith.select %eq3A_171, %iota3A, %broadcast_in_dim3A_173 : vector<64x16384xi1>, vector<64x16384xi32>
    %reduce_min3A_175 = arith.constant dense<2147483647> : vector<64xi32>
    %reduce_min3A_176 = vector.multi_reduction <minsi>, %select_n3A_174, %reduce_min3A_175 [1] : vector<64x16384xi32> to vector<64xi32>
    %broadcast_in_dim3A_177 = vector.shape_cast %reduce_min3A_176 : vector<64xi32> to vector<64x1xi32>
    %eq3A_178 = vector.broadcast %broadcast_in_dim3A_177 : vector<64x1xi32> to vector<64x16384xi32>
    %eq3A_179 = arith.cmpi eq, %iota3A, %eq3A_178 : vector<64x16384xi32>
    %jit3A_180 = arith.constant 0x7F800000 : f32
    %broadcast_in_dim3A_181 = vector.broadcast %jit3A_180 : f32 to vector<64x16384xf32>
    %select_n3A_182 = arith.select %eq3A_179, %broadcast_in_dim3A_181, %select_n3A_166 : vector<64x16384xi1>, vector<64x16384xf32>
    %reduce_min3A_183 = arith.constant dense<0x7F800000> : vector<64xf32>
    %reduce_min3A_184 = vector.multi_reduction <minimumf>, %select_n3A_182, %reduce_min3A_183 [1] : vector<64x16384xf32> to vector<64xf32>
    %broadcast_in_dim3A_185 = vector.shape_cast %reduce_min3A_184 : vector<64xf32> to vector<64x1xf32>
    %eq3A_186 = vector.broadcast %broadcast_in_dim3A_185 : vector<64x1xf32> to vector<64x16384xf32>
    %eq3A_187 = arith.cmpf oeq, %select_n3A_182, %eq3A_186 : vector<64x16384xf32>
    %jit3A_188 = arith.constant 16384 : i32
    %broadcast_in_dim3A_189 = vector.broadcast %jit3A_188 : i32 to vector<64x16384xi32>
    %select_n3A_190 = arith.select %eq3A_187, %iota3A, %broadcast_in_dim3A_189 : vector<64x16384xi1>, vector<64x16384xi32>
    %reduce_min3A_191 = arith.constant dense<2147483647> : vector<64xi32>
    %reduce_min3A_192 = vector.multi_reduction <minsi>, %select_n3A_190, %reduce_min3A_191 [1] : vector<64x16384xi32> to vector<64xi32>
    %broadcast_in_dim3A_193 = vector.shape_cast %reduce_min3A_192 : vector<64xi32> to vector<64x1xi32>
    %eq3A_194 = vector.broadcast %broadcast_in_dim3A_193 : vector<64x1xi32> to vector<64x16384xi32>
    %eq3A_195 = arith.cmpi eq, %iota3A, %eq3A_194 : vector<64x16384xi32>
    %jit3A_196 = arith.constant 0x7F800000 : f32
    %broadcast_in_dim3A_197 = vector.broadcast %jit3A_196 : f32 to vector<64x16384xf32>
    %select_n3A_198 = arith.select %eq3A_195, %broadcast_in_dim3A_197, %select_n3A_182 : vector<64x16384xi1>, vector<64x16384xf32>
    %reduce_min3A_199 = arith.constant dense<0x7F800000> : vector<64xf32>
    %reduce_min3A_200 = vector.multi_reduction <minimumf>, %select_n3A_198, %reduce_min3A_199 [1] : vector<64x16384xf32> to vector<64xf32>
    %broadcast_in_dim3A_201 = vector.shape_cast %reduce_min3A_200 : vector<64xf32> to vector<64x1xf32>
    %eq3A_202 = vector.broadcast %broadcast_in_dim3A_201 : vector<64x1xf32> to vector<64x16384xf32>
    %eq3A_203 = arith.cmpf oeq, %select_n3A_198, %eq3A_202 : vector<64x16384xf32>
    %jit3A_204 = arith.constant 16384 : i32
    %broadcast_in_dim3A_205 = vector.broadcast %jit3A_204 : i32 to vector<64x16384xi32>
    %select_n3A_206 = arith.select %eq3A_203, %iota3A, %broadcast_in_dim3A_205 : vector<64x16384xi1>, vector<64x16384xi32>
    %reduce_min3A_207 = arith.constant dense<2147483647> : vector<64xi32>
    %reduce_min3A_208 = vector.multi_reduction <minsi>, %select_n3A_206, %reduce_min3A_207 [1] : vector<64x16384xi32> to vector<64xi32>
    %broadcast_in_dim3A_209 = vector.shape_cast %reduce_min3A_208 : vector<64xi32> to vector<64x1xi32>
    %eq3A_210 = vector.broadcast %broadcast_in_dim3A_209 : vector<64x1xi32> to vector<64x16384xi32>
    %eq3A_211 = arith.cmpi eq, %iota3A, %eq3A_210 : vector<64x16384xi32>
    %jit3A_212 = arith.constant 0x7F800000 : f32
    %broadcast_in_dim3A_213 = vector.broadcast %jit3A_212 : f32 to vector<64x16384xf32>
    %select_n3A_214 = arith.select %eq3A_211, %broadcast_in_dim3A_213, %select_n3A_198 : vector<64x16384xi1>, vector<64x16384xf32>
    %reduce_min3A_215 = arith.constant dense<0x7F800000> : vector<64xf32>
    %reduce_min3A_216 = vector.multi_reduction <minimumf>, %select_n3A_214, %reduce_min3A_215 [1] : vector<64x16384xf32> to vector<64xf32>
    %broadcast_in_dim3A_217 = vector.shape_cast %reduce_min3A_216 : vector<64xf32> to vector<64x1xf32>
    %eq3A_218 = vector.broadcast %broadcast_in_dim3A_217 : vector<64x1xf32> to vector<64x16384xf32>
    %eq3A_219 = arith.cmpf oeq, %select_n3A_214, %eq3A_218 : vector<64x16384xf32>
    %jit3A_220 = arith.constant 16384 : i32
    %broadcast_in_dim3A_221 = vector.broadcast %jit3A_220 : i32 to vector<64x16384xi32>
    %select_n3A_222 = arith.select %eq3A_219, %iota3A, %broadcast_in_dim3A_221 : vector<64x16384xi1>, vector<64x16384xi32>
    %reduce_min3A_223 = arith.constant dense<2147483647> : vector<64xi32>
    %reduce_min3A_224 = vector.multi_reduction <minsi>, %select_n3A_222, %reduce_min3A_223 [1] : vector<64x16384xi32> to vector<64xi32>
    %broadcast_in_dim3A_225 = vector.shape_cast %reduce_min3A_224 : vector<64xi32> to vector<64x1xi32>
    %eq3A_226 = vector.broadcast %broadcast_in_dim3A_225 : vector<64x1xi32> to vector<64x16384xi32>
    %eq3A_227 = arith.cmpi eq, %iota3A, %eq3A_226 : vector<64x16384xi32>
    %jit3A_228 = arith.constant 0x7F800000 : f32
    %broadcast_in_dim3A_229 = vector.broadcast %jit3A_228 : f32 to vector<64x16384xf32>
    %select_n3A_230 = arith.select %eq3A_227, %broadcast_in_dim3A_229, %select_n3A_214 : vector<64x16384xi1>, vector<64x16384xf32>
    %reduce_min3A_231 = arith.constant dense<0x7F800000> : vector<64xf32>
    %reduce_min3A_232 = vector.multi_reduction <minimumf>, %select_n3A_230, %reduce_min3A_231 [1] : vector<64x16384xf32> to vector<64xf32>
    %broadcast_in_dim3A_233 = vector.shape_cast %reduce_min3A_232 : vector<64xf32> to vector<64x1xf32>
    %eq3A_234 = vector.broadcast %broadcast_in_dim3A_233 : vector<64x1xf32> to vector<64x16384xf32>
    %eq3A_235 = arith.cmpf oeq, %select_n3A_230, %eq3A_234 : vector<64x16384xf32>
    %jit3A_236 = arith.constant 16384 : i32
    %broadcast_in_dim3A_237 = vector.broadcast %jit3A_236 : i32 to vector<64x16384xi32>
    %select_n3A_238 = arith.select %eq3A_235, %iota3A, %broadcast_in_dim3A_237 : vector<64x16384xi1>, vector<64x16384xi32>
    %reduce_min3A_239 = arith.constant dense<2147483647> : vector<64xi32>
    %reduce_min3A_240 = vector.multi_reduction <minsi>, %select_n3A_238, %reduce_min3A_239 [1] : vector<64x16384xi32> to vector<64xi32>
    %broadcast_in_dim3A_241 = vector.shape_cast %reduce_min3A_240 : vector<64xi32> to vector<64x1xi32>
    %eq3A_242 = vector.broadcast %broadcast_in_dim3A_241 : vector<64x1xi32> to vector<64x16384xi32>
    %eq3A_243 = arith.cmpi eq, %iota3A, %eq3A_242 : vector<64x16384xi32>
    %jit3A_244 = arith.constant 0x7F800000 : f32
    %broadcast_in_dim3A_245 = vector.broadcast %jit3A_244 : f32 to vector<64x16384xf32>
    %select_n3A_246 = arith.select %eq3A_243, %broadcast_in_dim3A_245, %select_n3A_230 : vector<64x16384xi1>, vector<64x16384xf32>
    %reduce_min3A_247 = arith.constant dense<0x7F800000> : vector<64xf32>
    %reduce_min3A_248 = vector.multi_reduction <minimumf>, %select_n3A_246, %reduce_min3A_247 [1] : vector<64x16384xf32> to vector<64xf32>
    %broadcast_in_dim3A_249 = vector.shape_cast %reduce_min3A_248 : vector<64xf32> to vector<64x1xf32>
    %eq3A_250 = vector.broadcast %broadcast_in_dim3A_249 : vector<64x1xf32> to vector<64x16384xf32>
    %eq3A_251 = arith.cmpf oeq, %select_n3A_246, %eq3A_250 : vector<64x16384xf32>
    %jit3A_252 = arith.constant 16384 : i32
    %broadcast_in_dim3A_253 = vector.broadcast %jit3A_252 : i32 to vector<64x16384xi32>
    %select_n3A_254 = arith.select %eq3A_251, %iota3A, %broadcast_in_dim3A_253 : vector<64x16384xi1>, vector<64x16384xi32>
    %reduce_min3A_255 = arith.constant dense<2147483647> : vector<64xi32>
    %reduce_min3A_256 = vector.multi_reduction <minsi>, %select_n3A_254, %reduce_min3A_255 [1] : vector<64x16384xi32> to vector<64xi32>
    %broadcast_in_dim3A_257 = vector.shape_cast %reduce_min3A_256 : vector<64xi32> to vector<64x1xi32>
    %concatenate3A = tpu.concatenate %broadcast_in_dim3A_17, %broadcast_in_dim3A_33, %broadcast_in_dim3A_49, %broadcast_in_dim3A_65, %broadcast_in_dim3A_81, %broadcast_in_dim3A_97, %broadcast_in_dim3A_113, %broadcast_in_dim3A_129, %broadcast_in_dim3A_145, %broadcast_in_dim3A_161, %broadcast_in_dim3A_177, %broadcast_in_dim3A_193, %broadcast_in_dim3A_209, %broadcast_in_dim3A_225, %broadcast_in_dim3A_241, %broadcast_in_dim3A_257 in 1 : vector<64x1xi32>, vector<64x1xi32>, vector<64x1xi32>, vector<64x1xi32>, vector<64x1xi32>, vector<64x1xi32>, vector<64x1xi32>, vector<64x1xi32>, vector<64x1xi32>, vector<64x1xi32>, vector<64x1xi32>, vector<64x1xi32>, vector<64x1xi32>, vector<64x1xi32>, vector<64x1xi32>, vector<64x1xi32> -> vector<64x16xi32>
    %swap3A = arith.constant 0 : index
    %swap3A_258 = arith.constant 0 : index
    %swap3A_259 = vector.load %arg3[%swap3A, %swap3A_258] : memref<64x16xi32, #tpu.memory_space<vmem>>, vector<64x16xi32>
    tpu.vector_store %arg3[%swap3A, %swap3A_258], %concatenate3A {strides = array<i32>} : memref<64x16xi32, #tpu.memory_space<vmem>>, vector<64x16xi32>,
    return
  }
  func.func @transform_0(%arg0: i32) -> (i32, i32) {
    %c0_i32 = arith.constant 0 : i32
    %c0_i32_0 = arith.constant 0 : i32
    return %arg0, %c0_i32 : i32, i32
  }
  func.func @transform_1(%arg0: i32) -> (i32, i32) {
    %c0_i32 = arith.constant 0 : i32
    %c0_i32_0 = arith.constant 0 : i32
    %c0_i32_1 = arith.constant 0 : i32
    return %c0_i32, %c0_i32_0 : i32, i32
  }
  func.func @transform_2(%arg0: i32) -> (i32, i32) {
    %c0_i32 = arith.constant 0 : i32
    %c0_i32_0 = arith.constant 0 : i32
    return %arg0, %c0_i32 : i32, i32
  }
}

module attributes {stable_mosaic.version = 14 : i64} {
  func.func @_attn_body(%arg0: i32, %arg1: memref<512x3xf32, #tpu.memory_space<vmem>>, %arg2: memref<512x3xf32, #tpu.memory_space<vmem>>, %arg3: memref<512x16xf32, #tpu.memory_space<vmem>>, %arg4: memref<512x16xf32, #tpu.memory_space<vmem>>, %arg5: memref<512x16xf32, #tpu.memory_space<vmem>>, %arg6: memref<512x16xf32, #tpu.memory_space<vmem>>, %arg7: memref<512x16xf32, #tpu.memory_space<vmem>>, %arg8: memref<512x16xf32, #tpu.memory_space<vmem>>, %arg9: memref<512x128xf32, #tpu.memory_space<vmem>>, %arg10: memref<8192x128xf32, #tpu.memory_space<vmem>>, %arg11: memref<128x128xf32, #tpu.memory_space<vmem>>, %arg12: memref<128x128xf32, #tpu.memory_space<vmem>>, %arg13: memref<128x128xf32, #tpu.memory_space<vmem>>, %arg14: memref<4x128xf32, #tpu.memory_space<vmem>>, %arg15: memref<128x128xf32, #tpu.memory_space<vmem>>, %arg16: memref<128x128xf32, #tpu.memory_space<vmem>>, %arg17: memref<512x128xf32, #tpu.memory_space<vmem>>) attributes {dimension_semantics = [#tpu.dimension_semantics<arbitrary>], iteration_bounds = array<i64: 8>, scalar_prefetch = 0 : i64, scratch_operands = 0 : i64, tpu.core_type = #tpu.core_type<tc>, window_params = [{transform_indices = @transform_0, window_bounds = array<i64: 512, 3>}, {transform_indices = @transform_1, window_bounds = array<i64: 512, 3>}, {transform_indices = @transform_2, window_bounds = array<i64: 512, 16>}, {transform_indices = @transform_3, window_bounds = array<i64: 512, 16>}, {transform_indices = @transform_4, window_bounds = array<i64: 512, 16>}, {transform_indices = @transform_5, window_bounds = array<i64: 512, 16>}, {transform_indices = @transform_6, window_bounds = array<i64: 512, 16>}, {transform_indices = @transform_7, window_bounds = array<i64: 512, 16>}, {transform_indices = @transform_8, window_bounds = array<i64: 512, 128>}, {transform_indices = @transform_9, window_bounds = array<i64: 8192, 128>}, {pipeline_mode = #tpu.pipeline_mode<synchronous>, transform_indices = @transform_10, window_bounds = array<i64: 128, 128>}, {pipeline_mode = #tpu.pipeline_mode<synchronous>, transform_indices = @transform_11, window_bounds = array<i64: 128, 128>}, {pipeline_mode = #tpu.pipeline_mode<synchronous>, transform_indices = @transform_12, window_bounds = array<i64: 128, 128>}, {pipeline_mode = #tpu.pipeline_mode<synchronous>, transform_indices = @transform_13, window_bounds = array<i64: 4, 128>}, {pipeline_mode = #tpu.pipeline_mode<synchronous>, transform_indices = @transform_14, window_bounds = array<i64: 128, 128>}, {pipeline_mode = #tpu.pipeline_mode<synchronous>, transform_indices = @transform_15, window_bounds = array<i64: 128, 128>}, {transform_indices = @transform_16, window_bounds = array<i64: 512, 128>}]} {
    %get3A = arith.constant 0 : index
    %get3A_0 = arith.constant 0 : index
    %get3A_1 = vector.load %arg1[%get3A, %get3A_0] : memref<512x3xf32, #tpu.memory_space<vmem>>, vector<512x3xf32>
    %get3A_2 = arith.constant 0 : index
    %get3A_3 = arith.constant 0 : index
    %get3A_4 = vector.load %arg2[%get3A_2, %get3A_3] : memref<512x3xf32, #tpu.memory_space<vmem>>, vector<512x3xf32>
    %slice3A = vector.extract_strided_slice %get3A_1 {offsets = [0, 0], sizes = [512, 1], strides = [1, 1]} : vector<512x3xf32> to vector<512x1xf32>
    %slice3A_5 = vector.extract_strided_slice %get3A_1 {offsets = [0, 1], sizes = [512, 1], strides = [1, 1]} : vector<512x3xf32> to vector<512x1xf32>
    %slice3A_6 = vector.extract_strided_slice %get3A_1 {offsets = [0, 2], sizes = [512, 1], strides = [1, 1]} : vector<512x3xf32> to vector<512x1xf32>
    %slice3A_7 = vector.extract_strided_slice %get3A_4 {offsets = [0, 0], sizes = [512, 1], strides = [1, 1]} : vector<512x3xf32> to vector<512x1xf32>
    %slice3A_8 = vector.extract_strided_slice %get3A_4 {offsets = [0, 1], sizes = [512, 1], strides = [1, 1]} : vector<512x3xf32> to vector<512x1xf32>
    %slice3A_9 = vector.extract_strided_slice %get3A_4 {offsets = [0, 2], sizes = [512, 1], strides = [1, 1]} : vector<512x3xf32> to vector<512x1xf32>
    %get3A_10 = arith.constant 0 : index
    %get3A_11 = arith.constant 0 : index
    %get3A_12 = vector.load %arg3[%get3A_10, %get3A_11] : memref<512x16xf32, #tpu.memory_space<vmem>>, vector<512x16xf32>
    %get3A_13 = arith.constant 0 : index
    %get3A_14 = arith.constant 0 : index
    %get3A_15 = vector.load %arg4[%get3A_13, %get3A_14] : memref<512x16xf32, #tpu.memory_space<vmem>>, vector<512x16xf32>
    %get3A_16 = arith.constant 0 : index
    %get3A_17 = arith.constant 0 : index
    %get3A_18 = vector.load %arg5[%get3A_16, %get3A_17] : memref<512x16xf32, #tpu.memory_space<vmem>>, vector<512x16xf32>
    %get3A_19 = arith.constant 0 : index
    %get3A_20 = arith.constant 0 : index
    %get3A_21 = vector.load %arg6[%get3A_19, %get3A_20] : memref<512x16xf32, #tpu.memory_space<vmem>>, vector<512x16xf32>
    %get3A_22 = arith.constant 0 : index
    %get3A_23 = arith.constant 0 : index
    %get3A_24 = vector.load %arg7[%get3A_22, %get3A_23] : memref<512x16xf32, #tpu.memory_space<vmem>>, vector<512x16xf32>
    %get3A_25 = arith.constant 0 : index
    %get3A_26 = arith.constant 0 : index
    %get3A_27 = vector.load %arg8[%get3A_25, %get3A_26] : memref<512x16xf32, #tpu.memory_space<vmem>>, vector<512x16xf32>
    %sub3A = vector.broadcast %slice3A : vector<512x1xf32> to vector<512x16xf32>
    %sub3A_28 = arith.subf %get3A_12, %sub3A : vector<512x16xf32>
    %sub3A_29 = vector.broadcast %slice3A_5 : vector<512x1xf32> to vector<512x16xf32>
    %sub3A_30 = arith.subf %get3A_15, %sub3A_29 : vector<512x16xf32>
    %sub3A_31 = vector.broadcast %slice3A_6 : vector<512x1xf32> to vector<512x16xf32>
    %sub3A_32 = arith.subf %get3A_18, %sub3A_31 : vector<512x16xf32>
    %mul3A = arith.mulf %sub3A_28, %sub3A_28 : vector<512x16xf32>
    %mul3A_33 = arith.mulf %sub3A_30, %sub3A_30 : vector<512x16xf32>
    %add3A = arith.addf %mul3A, %mul3A_33 : vector<512x16xf32>
    %mul3A_34 = arith.mulf %sub3A_32, %sub3A_32 : vector<512x16xf32>
    %add3A_35 = arith.addf %add3A, %mul3A_34 : vector<512x16xf32>
    %add3A_36 = arith.constant 9.99999996E-13 : f32
    %add3A_37 = vector.broadcast %add3A_36 : f32 to vector<512x16xf32>
    %add3A_38 = arith.addf %add3A_35, %add3A_37 : vector<512x16xf32>
    %sqrt3A = math.sqrt %add3A_38 : vector<512x16xf32>
    %mul3A_39 = vector.broadcast %slice3A_8 : vector<512x1xf32> to vector<512x16xf32>
    %mul3A_40 = arith.mulf %mul3A_39, %sub3A_32 : vector<512x16xf32>
    %mul3A_41 = vector.broadcast %slice3A_9 : vector<512x1xf32> to vector<512x16xf32>
    %mul3A_42 = arith.mulf %mul3A_41, %sub3A_30 : vector<512x16xf32>
    %sub3A_43 = arith.subf %mul3A_40, %mul3A_42 : vector<512x16xf32>
    %mul3A_44 = vector.broadcast %slice3A_9 : vector<512x1xf32> to vector<512x16xf32>
    %mul3A_45 = arith.mulf %mul3A_44, %sub3A_28 : vector<512x16xf32>
    %mul3A_46 = vector.broadcast %slice3A_7 : vector<512x1xf32> to vector<512x16xf32>
    %mul3A_47 = arith.mulf %mul3A_46, %sub3A_32 : vector<512x16xf32>
    %sub3A_48 = arith.subf %mul3A_45, %mul3A_47 : vector<512x16xf32>
    %mul3A_49 = vector.broadcast %slice3A_7 : vector<512x1xf32> to vector<512x16xf32>
    %mul3A_50 = arith.mulf %mul3A_49, %sub3A_30 : vector<512x16xf32>
    %mul3A_51 = vector.broadcast %slice3A_8 : vector<512x1xf32> to vector<512x16xf32>
    %mul3A_52 = arith.mulf %mul3A_51, %sub3A_28 : vector<512x16xf32>
    %sub3A_53 = arith.subf %mul3A_50, %mul3A_52 : vector<512x16xf32>
    %mul3A_54 = arith.mulf %sub3A_43, %sub3A_43 : vector<512x16xf32>
    %mul3A_55 = arith.mulf %sub3A_48, %sub3A_48 : vector<512x16xf32>
    %add3A_56 = arith.addf %mul3A_54, %mul3A_55 : vector<512x16xf32>
    %mul3A_57 = arith.mulf %sub3A_53, %sub3A_53 : vector<512x16xf32>
    %add3A_58 = arith.addf %add3A_56, %mul3A_57 : vector<512x16xf32>
    %add3A_59 = arith.constant 9.99999996E-13 : f32
    %add3A_60 = vector.broadcast %add3A_59 : f32 to vector<512x16xf32>
    %add3A_61 = arith.addf %add3A_58, %add3A_60 : vector<512x16xf32>
    %sqrt3A_62 = math.sqrt %add3A_61 : vector<512x16xf32>
    %mul3A_63 = vector.broadcast %slice3A_7 : vector<512x1xf32> to vector<512x16xf32>
    %mul3A_64 = arith.mulf %mul3A_63, %sub3A_28 : vector<512x16xf32>
    %mul3A_65 = vector.broadcast %slice3A_8 : vector<512x1xf32> to vector<512x16xf32>
    %mul3A_66 = arith.mulf %mul3A_65, %sub3A_30 : vector<512x16xf32>
    %add3A_67 = arith.addf %mul3A_64, %mul3A_66 : vector<512x16xf32>
    %mul3A_68 = vector.broadcast %slice3A_9 : vector<512x1xf32> to vector<512x16xf32>
    %mul3A_69 = arith.mulf %mul3A_68, %sub3A_32 : vector<512x16xf32>
    %add3A_70 = arith.addf %add3A_67, %mul3A_69 : vector<512x16xf32>
    %atan23A = math.atan2 %sqrt3A_62, %add3A_70 : vector<512x16xf32>
    %mul3A_71 = arith.mulf %get3A_24, %sub3A_32 : vector<512x16xf32>
    %mul3A_72 = arith.mulf %get3A_27, %sub3A_30 : vector<512x16xf32>
    %sub3A_73 = arith.subf %mul3A_71, %mul3A_72 : vector<512x16xf32>
    %mul3A_74 = arith.mulf %get3A_27, %sub3A_28 : vector<512x16xf32>
    %mul3A_75 = arith.mulf %get3A_21, %sub3A_32 : vector<512x16xf32>
    %sub3A_76 = arith.subf %mul3A_74, %mul3A_75 : vector<512x16xf32>
    %mul3A_77 = arith.mulf %get3A_21, %sub3A_30 : vector<512x16xf32>
    %mul3A_78 = arith.mulf %get3A_24, %sub3A_28 : vector<512x16xf32>
    %sub3A_79 = arith.subf %mul3A_77, %mul3A_78 : vector<512x16xf32>
    %mul3A_80 = arith.mulf %sub3A_73, %sub3A_73 : vector<512x16xf32>
    %mul3A_81 = arith.mulf %sub3A_76, %sub3A_76 : vector<512x16xf32>
    %add3A_82 = arith.addf %mul3A_80, %mul3A_81 : vector<512x16xf32>
    %mul3A_83 = arith.mulf %sub3A_79, %sub3A_79 : vector<512x16xf32>
    %add3A_84 = arith.addf %add3A_82, %mul3A_83 : vector<512x16xf32>
    %add3A_85 = arith.constant 9.99999996E-13 : f32
    %add3A_86 = vector.broadcast %add3A_85 : f32 to vector<512x16xf32>
    %add3A_87 = arith.addf %add3A_84, %add3A_86 : vector<512x16xf32>
    %sqrt3A_88 = math.sqrt %add3A_87 : vector<512x16xf32>
    %mul3A_89 = arith.mulf %get3A_21, %sub3A_28 : vector<512x16xf32>
    %mul3A_90 = arith.mulf %get3A_24, %sub3A_30 : vector<512x16xf32>
    %add3A_91 = arith.addf %mul3A_89, %mul3A_90 : vector<512x16xf32>
    %mul3A_92 = arith.mulf %get3A_27, %sub3A_32 : vector<512x16xf32>
    %add3A_93 = arith.addf %add3A_91, %mul3A_92 : vector<512x16xf32>
    %atan23A_94 = math.atan2 %sqrt3A_88, %add3A_93 : vector<512x16xf32>
    %mul3A_95 = vector.broadcast %slice3A_8 : vector<512x1xf32> to vector<512x16xf32>
    %mul3A_96 = arith.mulf %mul3A_95, %get3A_27 : vector<512x16xf32>
    %mul3A_97 = vector.broadcast %slice3A_9 : vector<512x1xf32> to vector<512x16xf32>
    %mul3A_98 = arith.mulf %mul3A_97, %get3A_24 : vector<512x16xf32>
    %sub3A_99 = arith.subf %mul3A_96, %mul3A_98 : vector<512x16xf32>
    %mul3A_100 = vector.broadcast %slice3A_9 : vector<512x1xf32> to vector<512x16xf32>
    %mul3A_101 = arith.mulf %mul3A_100, %get3A_21 : vector<512x16xf32>
    %mul3A_102 = vector.broadcast %slice3A_7 : vector<512x1xf32> to vector<512x16xf32>
    %mul3A_103 = arith.mulf %mul3A_102, %get3A_27 : vector<512x16xf32>
    %sub3A_104 = arith.subf %mul3A_101, %mul3A_103 : vector<512x16xf32>
    %mul3A_105 = vector.broadcast %slice3A_7 : vector<512x1xf32> to vector<512x16xf32>
    %mul3A_106 = arith.mulf %mul3A_105, %get3A_24 : vector<512x16xf32>
    %mul3A_107 = vector.broadcast %slice3A_8 : vector<512x1xf32> to vector<512x16xf32>
    %mul3A_108 = arith.mulf %mul3A_107, %get3A_21 : vector<512x16xf32>
    %sub3A_109 = arith.subf %mul3A_106, %mul3A_108 : vector<512x16xf32>
    %mul3A_110 = arith.mulf %sub3A_99, %sub3A_99 : vector<512x16xf32>
    %mul3A_111 = arith.mulf %sub3A_104, %sub3A_104 : vector<512x16xf32>
    %add3A_112 = arith.addf %mul3A_110, %mul3A_111 : vector<512x16xf32>
    %mul3A_113 = arith.mulf %sub3A_109, %sub3A_109 : vector<512x16xf32>
    %add3A_114 = arith.addf %add3A_112, %mul3A_113 : vector<512x16xf32>
    %add3A_115 = arith.constant 9.99999996E-13 : f32
    %add3A_116 = vector.broadcast %add3A_115 : f32 to vector<512x16xf32>
    %add3A_117 = arith.addf %add3A_114, %add3A_116 : vector<512x16xf32>
    %sqrt3A_118 = math.sqrt %add3A_117 : vector<512x16xf32>
    %mul3A_119 = vector.broadcast %slice3A_7 : vector<512x1xf32> to vector<512x16xf32>
    %mul3A_120 = arith.mulf %mul3A_119, %get3A_21 : vector<512x16xf32>
    %mul3A_121 = vector.broadcast %slice3A_8 : vector<512x1xf32> to vector<512x16xf32>
    %mul3A_122 = arith.mulf %mul3A_121, %get3A_24 : vector<512x16xf32>
    %add3A_123 = arith.addf %mul3A_120, %mul3A_122 : vector<512x16xf32>
    %mul3A_124 = vector.broadcast %slice3A_9 : vector<512x1xf32> to vector<512x16xf32>
    %mul3A_125 = arith.mulf %mul3A_124, %get3A_27 : vector<512x16xf32>
    %add3A_126 = arith.addf %add3A_123, %mul3A_125 : vector<512x16xf32>
    %atan23A_127 = math.atan2 %sqrt3A_118, %add3A_126 : vector<512x16xf32>
    %get3A_128 = arith.constant 0 : index
    %get3A_129 = arith.constant 0 : index
    %get3A_130 = vector.load %arg14[%get3A_128, %get3A_129] : memref<4x128xf32, #tpu.memory_space<vmem>>, vector<4x128xf32>
    %broadcast_in_dim3A = vector.shape_cast %atan23A : vector<512x16xf32> to vector<512x16x1xf32>
    %slice3A_131 = vector.extract_strided_slice %get3A_130 {offsets = [0, 0], sizes = [1, 128], strides = [1, 1]} : vector<4x128xf32> to vector<1x128xf32>
    %broadcast_in_dim3A_132 = vector.shape_cast %slice3A_131 : vector<1x128xf32> to vector<1x1x128xf32>
    %mul3A_133 = vector.broadcast %broadcast_in_dim3A : vector<512x16x1xf32> to vector<512x16x128xf32>
    %mul3A_134 = vector.broadcast %broadcast_in_dim3A_132 : vector<1x1x128xf32> to vector<512x16x128xf32>
    %mul3A_135 = arith.mulf %mul3A_133, %mul3A_134 : vector<512x16x128xf32>
    %broadcast_in_dim3A_136 = vector.shape_cast %atan23A_94 : vector<512x16xf32> to vector<512x16x1xf32>
    %slice3A_137 = vector.extract_strided_slice %get3A_130 {offsets = [1, 0], sizes = [1, 128], strides = [1, 1]} : vector<4x128xf32> to vector<1x128xf32>
    %broadcast_in_dim3A_138 = vector.shape_cast %slice3A_137 : vector<1x128xf32> to vector<1x1x128xf32>
    %mul3A_139 = vector.broadcast %broadcast_in_dim3A_136 : vector<512x16x1xf32> to vector<512x16x128xf32>
    %mul3A_140 = vector.broadcast %broadcast_in_dim3A_138 : vector<1x1x128xf32> to vector<512x16x128xf32>
    %mul3A_141 = arith.mulf %mul3A_139, %mul3A_140 : vector<512x16x128xf32>
    %add3A_142 = arith.addf %mul3A_135, %mul3A_141 : vector<512x16x128xf32>
    %broadcast_in_dim3A_143 = vector.shape_cast %atan23A_127 : vector<512x16xf32> to vector<512x16x1xf32>
    %slice3A_144 = vector.extract_strided_slice %get3A_130 {offsets = [2, 0], sizes = [1, 128], strides = [1, 1]} : vector<4x128xf32> to vector<1x128xf32>
    %broadcast_in_dim3A_145 = vector.shape_cast %slice3A_144 : vector<1x128xf32> to vector<1x1x128xf32>
    %mul3A_146 = vector.broadcast %broadcast_in_dim3A_143 : vector<512x16x1xf32> to vector<512x16x128xf32>
    %mul3A_147 = vector.broadcast %broadcast_in_dim3A_145 : vector<1x1x128xf32> to vector<512x16x128xf32>
    %mul3A_148 = arith.mulf %mul3A_146, %mul3A_147 : vector<512x16x128xf32>
    %add3A_149 = arith.addf %add3A_142, %mul3A_148 : vector<512x16x128xf32>
    %broadcast_in_dim3A_150 = vector.shape_cast %sqrt3A : vector<512x16xf32> to vector<512x16x1xf32>
    %slice3A_151 = vector.extract_strided_slice %get3A_130 {offsets = [3, 0], sizes = [1, 128], strides = [1, 1]} : vector<4x128xf32> to vector<1x128xf32>
    %broadcast_in_dim3A_152 = vector.shape_cast %slice3A_151 : vector<1x128xf32> to vector<1x1x128xf32>
    %mul3A_153 = vector.broadcast %broadcast_in_dim3A_150 : vector<512x16x1xf32> to vector<512x16x128xf32>
    %mul3A_154 = vector.broadcast %broadcast_in_dim3A_152 : vector<1x1x128xf32> to vector<512x16x128xf32>
    %mul3A_155 = arith.mulf %mul3A_153, %mul3A_154 : vector<512x16x128xf32>
    %add3A_156 = arith.addf %add3A_149, %mul3A_155 : vector<512x16x128xf32>
    %max3A = arith.constant 0.000000e+00 : f32
    %max3A_157 = vector.broadcast %max3A : f32 to vector<512x16x128xf32>
    %max3A_158 = arith.maximumf %add3A_156, %max3A_157 : vector<512x16x128xf32>
    %reshape3A = vector.shape_cast %max3A_158 : vector<512x16x128xf32> to vector<8192x128xf32>
    %get3A_159 = arith.constant 0 : index
    %get3A_160 = arith.constant 0 : index
    %get3A_161 = vector.load %arg15[%get3A_159, %get3A_160] : memref<128x128xf32, #tpu.memory_space<vmem>>, vector<128x128xf32>
    %dot_general3A = arith.constant dense<0.000000e+00> : vector<8192x128xf32>
    %dot_general3A_162 = tpu.matmul %reshape3A, %get3A_161, %dot_general3A {dimension_numbers = #tpu.dot_dimension_numbers<[1], [0], [0], [1], [0, 0, 1, 1], [], []>, transpose_lhs_hint = false} : vector<8192x128xf32>, vector<128x128xf32>, vector<8192x128xf32> -> vector<8192x128xf32>
    %get3A_163 = arith.constant 0 : index
    %get3A_164 = arith.constant 0 : index
    %get3A_165 = vector.load %arg10[%get3A_163, %get3A_164] : memref<8192x128xf32, #tpu.memory_space<vmem>>, vector<8192x128xf32>
    %get3A_166 = arith.constant 0 : index
    %get3A_167 = arith.constant 0 : index
    %get3A_168 = vector.load %arg12[%get3A_166, %get3A_167] : memref<128x128xf32, #tpu.memory_space<vmem>>, vector<128x128xf32>
    %dot_general3A_169 = arith.constant dense<0.000000e+00> : vector<8192x128xf32>
    %dot_general3A_170 = tpu.matmul %get3A_165, %get3A_168, %dot_general3A_169 {dimension_numbers = #tpu.dot_dimension_numbers<[1], [0], [0], [1], [0, 0, 1, 1], [], []>, transpose_lhs_hint = false} : vector<8192x128xf32>, vector<128x128xf32>, vector<8192x128xf32> -> vector<8192x128xf32>
    %add3A_171 = arith.addf %dot_general3A_170, %dot_general3A_162 : vector<8192x128xf32>
    %get3A_172 = arith.constant 0 : index
    %get3A_173 = arith.constant 0 : index
    %get3A_174 = vector.load %arg13[%get3A_172, %get3A_173] : memref<128x128xf32, #tpu.memory_space<vmem>>, vector<128x128xf32>
    %dot_general3A_175 = arith.constant dense<0.000000e+00> : vector<8192x128xf32>
    %dot_general3A_176 = tpu.matmul %get3A_165, %get3A_174, %dot_general3A_175 {dimension_numbers = #tpu.dot_dimension_numbers<[1], [0], [0], [1], [0, 0, 1, 1], [], []>, transpose_lhs_hint = false} : vector<8192x128xf32>, vector<128x128xf32>, vector<8192x128xf32> -> vector<8192x128xf32>
    %add3A_177 = arith.addf %dot_general3A_176, %dot_general3A_162 : vector<8192x128xf32>
    %get3A_178 = arith.constant 0 : index
    %get3A_179 = arith.constant 0 : index
    %get3A_180 = vector.load %arg9[%get3A_178, %get3A_179] : memref<512x128xf32, #tpu.memory_space<vmem>>, vector<512x128xf32>
    %get3A_181 = arith.constant 0 : index
    %get3A_182 = arith.constant 0 : index
    %get3A_183 = vector.load %arg11[%get3A_181, %get3A_182] : memref<128x128xf32, #tpu.memory_space<vmem>>, vector<128x128xf32>
    %dot_general3A_184 = arith.constant dense<0.000000e+00> : vector<512x128xf32>
    %dot_general3A_185 = tpu.matmul %get3A_180, %get3A_183, %dot_general3A_184 {dimension_numbers = #tpu.dot_dimension_numbers<[1], [0], [0], [1], [0, 0, 1, 1], [], []>, transpose_lhs_hint = false} : vector<512x128xf32>, vector<128x128xf32>, vector<512x128xf32> -> vector<512x128xf32>
    %reshape3A_186 = vector.shape_cast %add3A_171 : vector<8192x128xf32> to vector<512x16x128xf32>
    %reshape3A_187 = vector.shape_cast %add3A_177 : vector<8192x128xf32> to vector<512x16x128xf32>
    %broadcast_in_dim3A_188 = vector.shape_cast %dot_general3A_185 : vector<512x128xf32> to vector<512x1x128xf32>
    %mul3A_189 = vector.broadcast %broadcast_in_dim3A_188 : vector<512x1x128xf32> to vector<512x16x128xf32>
    %mul3A_190 = arith.mulf %mul3A_189, %reshape3A_186 : vector<512x16x128xf32>
    %sqrt3A_191 = arith.constant 3.200000e+01 : f32
    %sqrt3A_192 = math.sqrt %sqrt3A_191 : f32
    %div3A = arith.constant 1.000000e+00 : f32
    %div3A_193 = arith.divf %div3A, %sqrt3A_192 : f32
    %slice3A_194 = vector.extract_strided_slice %mul3A_190 {offsets = [0, 0, 0], sizes = [512, 16, 32], strides = [1, 1, 1]} : vector<512x16x128xf32> to vector<512x16x32xf32>
    %reduce_sum3A = arith.constant dense<0.000000e+00> : vector<512x16xf32>
    %reduce_sum3A_195 = vector.multi_reduction <add>, %slice3A_194, %reduce_sum3A [2] : vector<512x16x32xf32> to vector<512x16xf32>
    %mul3A_196 = vector.broadcast %div3A_193 : f32 to vector<512x16xf32>
    %mul3A_197 = arith.mulf %reduce_sum3A_195, %mul3A_196 : vector<512x16xf32>
    %reduce_max3A = arith.constant dense<0xFF800000> : vector<512xf32>
    %reduce_max3A_198 = vector.multi_reduction <maximumf>, %mul3A_197, %reduce_max3A [1] : vector<512x16xf32> to vector<512xf32>
    %broadcast_in_dim3A_199 = vector.shape_cast %reduce_max3A_198 : vector<512xf32> to vector<512x1xf32>
    %sub3A_200 = vector.broadcast %broadcast_in_dim3A_199 : vector<512x1xf32> to vector<512x16xf32>
    %sub3A_201 = arith.subf %mul3A_197, %sub3A_200 : vector<512x16xf32>
    %exp3A = math.exp %sub3A_201 : vector<512x16xf32>
    %reduce_sum3A_202 = arith.constant dense<0.000000e+00> : vector<512xf32>
    %reduce_sum3A_203 = vector.multi_reduction <add>, %exp3A, %reduce_sum3A_202 [1] : vector<512x16xf32> to vector<512xf32>
    %broadcast_in_dim3A_204 = vector.shape_cast %reduce_sum3A_203 : vector<512xf32> to vector<512x1xf32>
    %div3A_205 = vector.broadcast %broadcast_in_dim3A_204 : vector<512x1xf32> to vector<512x16xf32>
    %div3A_206 = arith.divf %exp3A, %div3A_205 : vector<512x16xf32>
    %broadcast_in_dim3A_207 = vector.shape_cast %div3A_206 : vector<512x16xf32> to vector<512x16x1xf32>
    %slice3A_208 = vector.extract_strided_slice %reshape3A_187 {offsets = [0, 0, 0], sizes = [512, 16, 32], strides = [1, 1, 1]} : vector<512x16x128xf32> to vector<512x16x32xf32>
    %mul3A_209 = vector.broadcast %broadcast_in_dim3A_207 : vector<512x16x1xf32> to vector<512x16x32xf32>
    %mul3A_210 = arith.mulf %mul3A_209, %slice3A_208 : vector<512x16x32xf32>
    %reduce_sum3A_211 = arith.constant dense<0.000000e+00> : vector<512x32xf32>
    %reduce_sum3A_212 = vector.multi_reduction <add>, %mul3A_210, %reduce_sum3A_211 [1] : vector<512x16x32xf32> to vector<512x32xf32>
    %slice3A_213 = vector.extract_strided_slice %mul3A_190 {offsets = [0, 0, 32], sizes = [512, 16, 32], strides = [1, 1, 1]} : vector<512x16x128xf32> to vector<512x16x32xf32>
    %reduce_sum3A_214 = arith.constant dense<0.000000e+00> : vector<512x16xf32>
    %reduce_sum3A_215 = vector.multi_reduction <add>, %slice3A_213, %reduce_sum3A_214 [2] : vector<512x16x32xf32> to vector<512x16xf32>
    %mul3A_216 = vector.broadcast %div3A_193 : f32 to vector<512x16xf32>
    %mul3A_217 = arith.mulf %reduce_sum3A_215, %mul3A_216 : vector<512x16xf32>
    %reduce_max3A_218 = arith.constant dense<0xFF800000> : vector<512xf32>
    %reduce_max3A_219 = vector.multi_reduction <maximumf>, %mul3A_217, %reduce_max3A_218 [1] : vector<512x16xf32> to vector<512xf32>
    %broadcast_in_dim3A_220 = vector.shape_cast %reduce_max3A_219 : vector<512xf32> to vector<512x1xf32>
    %sub3A_221 = vector.broadcast %broadcast_in_dim3A_220 : vector<512x1xf32> to vector<512x16xf32>
    %sub3A_222 = arith.subf %mul3A_217, %sub3A_221 : vector<512x16xf32>
    %exp3A_223 = math.exp %sub3A_222 : vector<512x16xf32>
    %reduce_sum3A_224 = arith.constant dense<0.000000e+00> : vector<512xf32>
    %reduce_sum3A_225 = vector.multi_reduction <add>, %exp3A_223, %reduce_sum3A_224 [1] : vector<512x16xf32> to vector<512xf32>
    %broadcast_in_dim3A_226 = vector.shape_cast %reduce_sum3A_225 : vector<512xf32> to vector<512x1xf32>
    %div3A_227 = vector.broadcast %broadcast_in_dim3A_226 : vector<512x1xf32> to vector<512x16xf32>
    %div3A_228 = arith.divf %exp3A_223, %div3A_227 : vector<512x16xf32>
    %broadcast_in_dim3A_229 = vector.shape_cast %div3A_228 : vector<512x16xf32> to vector<512x16x1xf32>
    %slice3A_230 = vector.extract_strided_slice %reshape3A_187 {offsets = [0, 0, 32], sizes = [512, 16, 32], strides = [1, 1, 1]} : vector<512x16x128xf32> to vector<512x16x32xf32>
    %mul3A_231 = vector.broadcast %broadcast_in_dim3A_229 : vector<512x16x1xf32> to vector<512x16x32xf32>
    %mul3A_232 = arith.mulf %mul3A_231, %slice3A_230 : vector<512x16x32xf32>
    %reduce_sum3A_233 = arith.constant dense<0.000000e+00> : vector<512x32xf32>
    %reduce_sum3A_234 = vector.multi_reduction <add>, %mul3A_232, %reduce_sum3A_233 [1] : vector<512x16x32xf32> to vector<512x32xf32>
    %slice3A_235 = vector.extract_strided_slice %mul3A_190 {offsets = [0, 0, 64], sizes = [512, 16, 32], strides = [1, 1, 1]} : vector<512x16x128xf32> to vector<512x16x32xf32>
    %reduce_sum3A_236 = arith.constant dense<0.000000e+00> : vector<512x16xf32>
    %reduce_sum3A_237 = vector.multi_reduction <add>, %slice3A_235, %reduce_sum3A_236 [2] : vector<512x16x32xf32> to vector<512x16xf32>
    %mul3A_238 = vector.broadcast %div3A_193 : f32 to vector<512x16xf32>
    %mul3A_239 = arith.mulf %reduce_sum3A_237, %mul3A_238 : vector<512x16xf32>
    %reduce_max3A_240 = arith.constant dense<0xFF800000> : vector<512xf32>
    %reduce_max3A_241 = vector.multi_reduction <maximumf>, %mul3A_239, %reduce_max3A_240 [1] : vector<512x16xf32> to vector<512xf32>
    %broadcast_in_dim3A_242 = vector.shape_cast %reduce_max3A_241 : vector<512xf32> to vector<512x1xf32>
    %sub3A_243 = vector.broadcast %broadcast_in_dim3A_242 : vector<512x1xf32> to vector<512x16xf32>
    %sub3A_244 = arith.subf %mul3A_239, %sub3A_243 : vector<512x16xf32>
    %exp3A_245 = math.exp %sub3A_244 : vector<512x16xf32>
    %reduce_sum3A_246 = arith.constant dense<0.000000e+00> : vector<512xf32>
    %reduce_sum3A_247 = vector.multi_reduction <add>, %exp3A_245, %reduce_sum3A_246 [1] : vector<512x16xf32> to vector<512xf32>
    %broadcast_in_dim3A_248 = vector.shape_cast %reduce_sum3A_247 : vector<512xf32> to vector<512x1xf32>
    %div3A_249 = vector.broadcast %broadcast_in_dim3A_248 : vector<512x1xf32> to vector<512x16xf32>
    %div3A_250 = arith.divf %exp3A_245, %div3A_249 : vector<512x16xf32>
    %broadcast_in_dim3A_251 = vector.shape_cast %div3A_250 : vector<512x16xf32> to vector<512x16x1xf32>
    %slice3A_252 = vector.extract_strided_slice %reshape3A_187 {offsets = [0, 0, 64], sizes = [512, 16, 32], strides = [1, 1, 1]} : vector<512x16x128xf32> to vector<512x16x32xf32>
    %mul3A_253 = vector.broadcast %broadcast_in_dim3A_251 : vector<512x16x1xf32> to vector<512x16x32xf32>
    %mul3A_254 = arith.mulf %mul3A_253, %slice3A_252 : vector<512x16x32xf32>
    %reduce_sum3A_255 = arith.constant dense<0.000000e+00> : vector<512x32xf32>
    %reduce_sum3A_256 = vector.multi_reduction <add>, %mul3A_254, %reduce_sum3A_255 [1] : vector<512x16x32xf32> to vector<512x32xf32>
    %slice3A_257 = vector.extract_strided_slice %mul3A_190 {offsets = [0, 0, 96], sizes = [512, 16, 32], strides = [1, 1, 1]} : vector<512x16x128xf32> to vector<512x16x32xf32>
    %reduce_sum3A_258 = arith.constant dense<0.000000e+00> : vector<512x16xf32>
    %reduce_sum3A_259 = vector.multi_reduction <add>, %slice3A_257, %reduce_sum3A_258 [2] : vector<512x16x32xf32> to vector<512x16xf32>
    %mul3A_260 = vector.broadcast %div3A_193 : f32 to vector<512x16xf32>
    %mul3A_261 = arith.mulf %reduce_sum3A_259, %mul3A_260 : vector<512x16xf32>
    %reduce_max3A_262 = arith.constant dense<0xFF800000> : vector<512xf32>
    %reduce_max3A_263 = vector.multi_reduction <maximumf>, %mul3A_261, %reduce_max3A_262 [1] : vector<512x16xf32> to vector<512xf32>
    %broadcast_in_dim3A_264 = vector.shape_cast %reduce_max3A_263 : vector<512xf32> to vector<512x1xf32>
    %sub3A_265 = vector.broadcast %broadcast_in_dim3A_264 : vector<512x1xf32> to vector<512x16xf32>
    %sub3A_266 = arith.subf %mul3A_261, %sub3A_265 : vector<512x16xf32>
    %exp3A_267 = math.exp %sub3A_266 : vector<512x16xf32>
    %reduce_sum3A_268 = arith.constant dense<0.000000e+00> : vector<512xf32>
    %reduce_sum3A_269 = vector.multi_reduction <add>, %exp3A_267, %reduce_sum3A_268 [1] : vector<512x16xf32> to vector<512xf32>
    %broadcast_in_dim3A_270 = vector.shape_cast %reduce_sum3A_269 : vector<512xf32> to vector<512x1xf32>
    %div3A_271 = vector.broadcast %broadcast_in_dim3A_270 : vector<512x1xf32> to vector<512x16xf32>
    %div3A_272 = arith.divf %exp3A_267, %div3A_271 : vector<512x16xf32>
    %broadcast_in_dim3A_273 = vector.shape_cast %div3A_272 : vector<512x16xf32> to vector<512x16x1xf32>
    %slice3A_274 = vector.extract_strided_slice %reshape3A_187 {offsets = [0, 0, 96], sizes = [512, 16, 32], strides = [1, 1, 1]} : vector<512x16x128xf32> to vector<512x16x32xf32>
    %mul3A_275 = vector.broadcast %broadcast_in_dim3A_273 : vector<512x16x1xf32> to vector<512x16x32xf32>
    %mul3A_276 = arith.mulf %mul3A_275, %slice3A_274 : vector<512x16x32xf32>
    %reduce_sum3A_277 = arith.constant dense<0.000000e+00> : vector<512x32xf32>
    %reduce_sum3A_278 = vector.multi_reduction <add>, %mul3A_276, %reduce_sum3A_277 [1] : vector<512x16x32xf32> to vector<512x32xf32>
    %concatenate3A = tpu.concatenate %reduce_sum3A_212, %reduce_sum3A_234, %reduce_sum3A_256, %reduce_sum3A_278 in 1 : vector<512x32xf32>, vector<512x32xf32>, vector<512x32xf32>, vector<512x32xf32> -> vector<512x128xf32>
    %get3A_279 = arith.constant 0 : index
    %get3A_280 = arith.constant 0 : index
    %get3A_281 = vector.load %arg16[%get3A_279, %get3A_280] : memref<128x128xf32, #tpu.memory_space<vmem>>, vector<128x128xf32>
    %dot_general3A_282 = arith.constant dense<0.000000e+00> : vector<512x128xf32>
    %dot_general3A_283 = tpu.matmul %concatenate3A, %get3A_281, %dot_general3A_282 {dimension_numbers = #tpu.dot_dimension_numbers<[1], [0], [0], [1], [0, 0, 1, 1], [], []>, transpose_lhs_hint = false} : vector<512x128xf32>, vector<128x128xf32>, vector<512x128xf32> -> vector<512x128xf32>
    %swap3A = arith.constant 0 : index
    %swap3A_284 = arith.constant 0 : index
    %swap3A_285 = vector.load %arg17[%swap3A, %swap3A_284] : memref<512x128xf32, #tpu.memory_space<vmem>>, vector<512x128xf32>
    tpu.vector_store %arg17[%swap3A, %swap3A_284], %dot_general3A_283 {strides = array<i32>} : memref<512x128xf32, #tpu.memory_space<vmem>>, vector<512x128xf32>,
    return
  }
  func.func @transform_0(%arg0: i32) -> (i32, i32) {
    %c0_i32 = arith.constant 0 : i32
    %c0_i32_0 = arith.constant 0 : i32
    return %arg0, %c0_i32 : i32, i32
  }
  func.func @transform_1(%arg0: i32) -> (i32, i32) {
    %c0_i32 = arith.constant 0 : i32
    %c0_i32_0 = arith.constant 0 : i32
    return %arg0, %c0_i32 : i32, i32
  }
  func.func @transform_2(%arg0: i32) -> (i32, i32) {
    %c0_i32 = arith.constant 0 : i32
    %c0_i32_0 = arith.constant 0 : i32
    return %arg0, %c0_i32 : i32, i32
  }
  func.func @transform_3(%arg0: i32) -> (i32, i32) {
    %c0_i32 = arith.constant 0 : i32
    %c0_i32_0 = arith.constant 0 : i32
    return %arg0, %c0_i32 : i32, i32
  }
  func.func @transform_4(%arg0: i32) -> (i32, i32) {
    %c0_i32 = arith.constant 0 : i32
    %c0_i32_0 = arith.constant 0 : i32
    return %arg0, %c0_i32 : i32, i32
  }
  func.func @transform_5(%arg0: i32) -> (i32, i32) {
    %c0_i32 = arith.constant 0 : i32
    %c0_i32_0 = arith.constant 0 : i32
    return %arg0, %c0_i32 : i32, i32
  }
  func.func @transform_6(%arg0: i32) -> (i32, i32) {
    %c0_i32 = arith.constant 0 : i32
    %c0_i32_0 = arith.constant 0 : i32
    return %arg0, %c0_i32 : i32, i32
  }
  func.func @transform_7(%arg0: i32) -> (i32, i32) {
    %c0_i32 = arith.constant 0 : i32
    %c0_i32_0 = arith.constant 0 : i32
    return %arg0, %c0_i32 : i32, i32
  }
  func.func @transform_8(%arg0: i32) -> (i32, i32) {
    %c0_i32 = arith.constant 0 : i32
    %c0_i32_0 = arith.constant 0 : i32
    return %arg0, %c0_i32 : i32, i32
  }
  func.func @transform_9(%arg0: i32) -> (i32, i32) {
    %c0_i32 = arith.constant 0 : i32
    %c0_i32_0 = arith.constant 0 : i32
    return %arg0, %c0_i32 : i32, i32
  }
  func.func @transform_10(%arg0: i32) -> (i32, i32) {
    %c0_i32 = arith.constant 0 : i32
    %c0_i32_0 = arith.constant 0 : i32
    %c0_i32_1 = arith.constant 0 : i32
    return %c0_i32, %c0_i32_0 : i32, i32
  }
  func.func @transform_11(%arg0: i32) -> (i32, i32) {
    %c0_i32 = arith.constant 0 : i32
    %c0_i32_0 = arith.constant 0 : i32
    %c0_i32_1 = arith.constant 0 : i32
    return %c0_i32, %c0_i32_0 : i32, i32
  }
  func.func @transform_12(%arg0: i32) -> (i32, i32) {
    %c0_i32 = arith.constant 0 : i32
    %c0_i32_0 = arith.constant 0 : i32
    %c0_i32_1 = arith.constant 0 : i32
    return %c0_i32, %c0_i32_0 : i32, i32
  }
  func.func @transform_13(%arg0: i32) -> (i32, i32) {
    %c0_i32 = arith.constant 0 : i32
    %c0_i32_0 = arith.constant 0 : i32
    %c0_i32_1 = arith.constant 0 : i32
    return %c0_i32, %c0_i32_0 : i32, i32
  }
  func.func @transform_14(%arg0: i32) -> (i32, i32) {
    %c0_i32 = arith.constant 0 : i32
    %c0_i32_0 = arith.constant 0 : i32
    %c0_i32_1 = arith.constant 0 : i32
    return %c0_i32, %c0_i32_0 : i32, i32
  }
  func.func @transform_15(%arg0: i32) -> (i32, i32) {
    %c0_i32 = arith.constant 0 : i32
    %c0_i32_0 = arith.constant 0 : i32
    %c0_i32_1 = arith.constant 0 : i32
    return %c0_i32, %c0_i32_0 : i32, i32
  }
  func.func @transform_16(%arg0: i32) -> (i32, i32) {
    %c0_i32 = arith.constant 0 : i32
    %c0_i32_0 = arith.constant 0 : i32
    return %arg0, %c0_i32 : i32, i32
  }
}

</mosaic_0001>

<sc_bundles>
// kernel: gather_offload_async_start.1
scs
__scs_entry_jumppad:
0x0: {  	(pc) =	sbr.rel $0x88, $3  }
0x1: {  	(tag) =	ssettag $0x0;
	lr =	simm.s32 $0x1  }
0x2: {  	[smem:$0x3F97] =	sst lr;
	_ =	strace $0xD0000000  }
0x3: {  	_ = 	snop  }
0x4: {  	_ = 	snop  }
0x5: {  	_ = 	snop  }
0x6: {  	_ = 	snop  }
0x7: {  	_ = 	snop  }
__scs_overlays_trampoline_lowered:
0x8: {  	[smem:$0x3FA6] =	sst s0  }
0x9: {  	[smem:$0x3FA7] =	sst s1  }
0xa: {  	[smem:$0x3FA8] =	sst s2  }
0xb: {  	[smem:$0x3FA9] =	sst s3  }
0xc: {  	[smem:$0x3FAA] =	sst s4  }
0xd: {  	[smem:$0x3FAB] =	sst s5  }
0xe: {  	[smem:$0x3FAC] =	sst s6  }
0xf: {  	[smem:$0x3FAD] =	sst s7  }
0x10: {  	[smem:$0x3FAE] =	sst s8  }
0x11: {  	[smem:$0x3FAF] =	sst s9;
	s0 =	simm.s32 @!p0 $0x0  }
0x12: {  	s1 =	sld [smem:$0x3F95];
	s0 =	simm.s32 @p0 $0x1  }
0x13: {  	[smem:$0x3FB0] =	sst s0;
	s0 =	simm.s32 @!p1 $0x0  }
0x14: {  	s2 =	sld [smem:$0x3F94];
	s0 =	simm.s32 @p1 $0x1  }
0x15: {  	[smem:$0x3FB1] =	sst s0;
	s0 =	simm.s32 @!p2 $0x0  }
0x16: {  	s3 =	sld [smem:$0x3FDB];
	s0 =	simm.s32 @p2 $0x1  }
0x17: {  	s4 =	simm.s32 $0x1BF5;
	[smem:$0x3FB3] =	sst s0  }
0x18: {  	s0 =	sld [smem:$0x3F96];
	_ =	swait.ge [sflag:s4], $0x0  }
0x19: {  	s7 =	sld [smem:$0x3F97]  }
0x1a: {  	s8 =	sadd.s32 $0xFFFFE003, lr  }
0x1b: {  	s9 =	sadd.s32 $0xFFFFFEF7, lr;
	s5 =	simm.s32 $0xFFFFFFFF;
	p2 =	slt.u32 s8, $0xFFFFF086  }
0x1c: {  	p1 =	slt.u32 s9, $0xF7A;
	s5 =	simm.s32 @!p2 $0x0  }
0x1d: {  	s5 =	simm.s32 @p1 $0x1;
	p0 =	seq.s32 s7, s2  }
0x1e: {  	s7 =	smul.u32 @!p0 $0xF7A, s2;
	p2 =	seq.s32 @!p0 s5, $0x0  }
0x1f: {  	s9 =	smul.u32 $0xF7A, s1;
	s8 =	simm.s32 @!p0 $0x1BF5;
	p2 =	por !p2, p0  }
0x20: {  	[sflag:s8] =	ssyncset.s32 @!p0 $0xFFFFF086;
	s6 =	sadd.s32 @!p0 s3, s7;
	s7 =	simm.s32 @!p0 $0x108  }
0x21: {  	s3 =	sadd.s32 s3, s9;
	s6 =	sadd.s32 @!p0 $0x88, s6;
	s7 =	simm.s32 @p2 $0x1082  }
0x22: {  	[simem:s7], [sflag:s8] =	dma.local @!p0 [hbm:s6], $0xF7A  }
0x23: {  	s9 =	sor.u32 $0xD0000000, s2;
	s6 =	simm.s32 $0x108;
	_ =	swait.ge @!p0 [sflag:s8], $0x0  }
0x24: {  	s3 =	sadd.s32 $0x88, s3;
	s6 =	simm.s32 @!p1 $0x1082;
	[sflag:s4] =	ssyncset.s32 $0xFFFFF086  }
0x25: {  	[simem:s6], [sflag:s4] =	dma.local [hbm:s3], $0xF7A  }
0x26: {  	[smem:$0x3F97] =	sst s1;
	(tag) =	ssettag s2;
	_ =	strace s9  }
0x27: {  	s1 =	sld [smem:$0x3FA7]  }
0x28: {  	s2 =	sld [smem:$0x3FA8]  }
0x29: {  	s4 =	sld [smem:$0x3FAA]  }
0x2a: {  	p0 =	seq.s32 s5, $0x0;
	s5 =	sld [smem:$0x3FAB]  }
0x2b: {  	s6 =	sld [smem:$0x3FAC]  }
0x2c: {  	s7 =	sld [smem:$0x3FAD]  }
0x2d: {  	s3 =	simm.s32 $0x108;
	s8 =	sld [smem:$0x3FAE]  }
0x2e: {  	s3 =	simm.s32 @!p0 $0x1082;
	s9 =	sld [smem:$0x3FAF]  }
0x2f: {  	lr =	sadd.s32 s0, s3;
	s0 =	sld [smem:$0x3FA6]  }
0x30: {  	s3 =	sld [smem:$0x3FA9]  }
0x31: {  	[smem:$0x3FB2] =	sst s10  }
0x32: {  	s10 =	sld [smem:$0x3FB0];
	_ =	sdelay $0x3  }
0x33: {  	p0 =	seq.s32 s10, $0x1;
	s10 =	sld [smem:$0x3FB2];
	_ =	sdelay $0x3  }
0x34: {  	[smem:$0x3FB2] =	sst s10  }
0x35: {  	s10 =	sld [smem:$0x3FB1];
	_ =	sdelay $0x3  }
0x36: {  	p1 =	seq.s32 s10, $0x1;
	s10 =	sld [smem:$0x3FB2];
	_ =	sdelay $0x3  }
0x37: {  	[smem:$0x3FB2] =	sst s10  }
0x38: {  	s10 =	sld [smem:$0x3FB3]  }
0x39: {  	_ = 	snop;
	(pc) =	sbr.ind lr, $3  }
0x3a: {  	_ = 	snop  }
0x3b: {  	_ = 	snop  }
0x3c: {  	p2 =	seq.s32 s10, $0x1;
	s10 =	sld [smem:$0x3FB2]  }
0x3d: {  	_ =	shalt  }
0x3e: {  	_ =	shalt  }
0x3f: {  	_ =	shalt  }
0x40: {  	_ =	shalt  }
0x41: {  	_ =	shalt  }
0x42: {  	_ =	shalt  }
0x43: {  	_ =	shalt  }
0x44: {  	_ =	shalt  }
0x45: {  	_ =	shalt  }
0x46: {  	_ =	shalt  }
0x47: {  	_ =	shalt  }
0x48: {  	_ =	shalt  }
0x49: {  	_ =	shalt  }
0x4a: {  	_ =	shalt  }
0x4b: {  	_ =	shalt  }
0x4c: {  	_ =	shalt  }
0x4d: {  	_ =	shalt  }
0x4e: {  	_ =	shalt  }
0x4f: {  	_ =	shalt  }
0x50: {  	_ =	shalt  }
0x51: {  	_ =	shalt  }
0x52: {  	_ =	shalt  }
0x53: {  	_ =	shalt  }
0x54: {  	_ =	shalt  }
0x55: {  	_ =	shalt  }
0x56: {  	_ =	shalt  }
0x57: {  	_ =	shalt  }
0x58: {  	_ =	shalt  }
0x59: {  	_ =	shalt  }
0x5a: {  	_ =	shalt  }
0x5b: {  	_ =	shalt  }
0x5c: {  	_ =	shalt  }
0x5d: {  	_ =	shalt  }
0x5e: {  	_ =	shalt  }
0x5f: {  	_ =	shalt  }
0x60: {  	_ =	shalt  }
0x61: {  	_ =	shalt  }
0x62: {  	_ =	shalt  }
0x63: {  	_ =	shalt  }
0x64: {  	_ =	shalt  }
0x65: {  	_ =	shalt  }
0x66: {  	_ =	shalt  }
0x67: {  	_ =	shalt  }
0x68: {  	_ =	shalt  }
0x69: {  	_ =	shalt  }
0x6a: {  	_ =	shalt  }
0x6b: {  	_ =	shalt  }
0x6c: {  	_ =	shalt  }
0x6d: {  	_ =	shalt  }
0x6e: {  	_ =	shalt  }
0x6f: {  	_ =	shalt  }
0x70: {  	_ =	shalt  }
0x71: {  	_ =	shalt  }
0x72: {  	_ =	shalt  }
0x73: {  	_ =	shalt  }
0x74: {  	_ =	shalt  }
0x75: {  	_ =	shalt  }
0x76: {  	_ =	shalt  }
0x77: {  	_ =	shalt  }
0x78: {  	_ =	shalt  }
0x79: {  	_ =	shalt  }
0x7a: {  	_ =	shalt  }
0x7b: {  	_ =	shalt  }
0x7c: {  	_ =	shalt  }
0x7d: {  	_ =	shalt  }
0x7e: {  	_ =	shalt  }
0x7f: {  	_ =	shalt  }
0x80: {  	_ =	shalt  }
0x81: {  	_ =	shalt  }
0x82: {  	_ =	shalt  }
0x83: {  	_ =	shalt  }
0x84: {  	_ =	shalt  }
0x85: {  	_ =	shalt  }
0x86: {  	_ =	shalt  }
0x87: {  	_ =	shalt  }
.Lfunc_end0:
.L_simem_size_0:
called_computation.2_lowered:
.L_overlay_start_0:
0x88: {  	s2 =	sld [smem:$0x3FD9]  }
0x89: {  	s3 =	sld [smem:$0x3FFE];
	_ =	sdelay $0x1  }
0x8a: {  	s1 =	srdreg.scid  }
0x8b: {  	s0 =	sand.u32 $0x1, s1  }
0x8c: {  	s14 =	sshll.u32 s0, $0xA;
	s2 =	sadd.s32 s3, s2  }
0x8d: {  	s2 =	sadd.s32 s2, s14  }
0x8e: {  	[smem:$0x3FBE] =	sst s2  }
0x8f: {  	_ = 	snop  }
0x90: {  	s2 =	sld [smem:$0x3FD0];
	_ =	sdelay $0x2  }
0x91: {  	s15 =	simm.s32 $0xC;
	s4 =	simm.s32 $0x10  }
0x92: {  	[smem:s4], [sflag:s15] =	dma.local [hbm:s2], $0x1  }
0x93: {  	_ =	swait.eq [sflag:s15], $0x1  }
0x94: {  	[sflag:s15] =	ssyncset.done $0x0  }
0x95: {  	[sflag:s15] =	ssyncadd.s32 $0xFFFFFFFF  }
0x96: {  	s16 =	sld [smem:$0x13];
	(tm) =	ssettm $0x1  }
0x97: {  	s17 =	sld [smem:$0x3FFB];
	_ =	sdelay $0x3  }
0x98: {  	_ =	strace s17  }
0x99: {  	s3 =	sld [smem:$0x3FFC];
	_ =	sdelay $0x3  }
0x9a: {  	_ =	strace s3  }
0x9b: {  	s3 =	sld [smem:$0x3FFD];
	_ =	sdelay $0x3  }
0x9c: {  	_ =	strace s3  }
0x9d: {  	_ =	strace $0x8FFFFFFF  }
0x9e: {  	s18 =	sld [smem:$0x3FDB];
	_ =	sdelay $0x1  }
0x9f: {  	s19 =	simm.s32 $_scs_section_size  }
0xa0: {  	s5 =	simm.s32 $_size__tile_overlayer_lowered;
	s6 =	simm.s32 $_tile_overlayer_lowered  }
0xa1: {  	s22 =	simm.s32 $0x1BFF;
	s21 =	sshll.u32 s6, $0x1;
	s3 =	sadd.s32 s19, s18  }
0xa2: {  	s7 =	simm.s32 $0x0;
	s20 =	sshll.u32 s5, $0x1;
	s5 =	sadd.s32 s21, s3  }
0xa3: {  	[timem:s7], [sflag:s22] =	dma.local [hbm:s5], s20  }
0xa4: {  	_ =	swait.ge [sflag:s22], s20  }
0xa5: {  	s4 =	ssub.s32 $0x0, s20;
	[sflag:s22] =	ssyncset.done $0x0  }
0xa6: {  	[sflag:s22] =	ssyncadd.s32 s4;
	_ =	sdelay $0x1  }
0xa7: {  	s23 =	simm.s32 $0x1B8B  }
0xa8: {  	_ =	swait.ge [sflag:s23], $0x1  }
0xa9: {  	[sflag:s23] =	ssyncset.done $0x0  }
0xaa: {  	s25 =	simm.s32 $0x1B8E;
	s24 =	sld [smem:$0x3FFE];
	[sflag:s23] =	ssyncadd.s32 $0xFFFFFFFF  }
0xab: {  	s26 =	simm.s32 $execute0_lowered;
	[smem:$0x3FD2] =	sst s25  }
0xac: {  	s5 =	sshll.u32 s26, $0x1;
	_ =	strace $0x8000004C;
	[dreg:$0x1] =	wrdreg $0xFFFFFFFF  }
0xad: {  	s28 =	simm.s32 $_size_execute0_lowered;
	s3 =	sadd.s32 s3, s5;
	[dreg:$0x0] =	wrdreg $0x0  }
0xae: {  	s5 =	sshll.u32 s28, $0x1;
	[dreg:$0x2] =	wrdreg s3  }
0xaf: {  	[dreg:$0x3] =	wrdreg s5  }
0xb0: {  	[dreg:$0x4] =	wrdreg $0xC0  }
0xb1: {  	_ =	task [dreg:s7], $0x5FFFF  }
0xb2: {  	[dreg:$0x1] =	wrdreg $0xFFFFFFFF  }
0xb3: {  	[dreg:$0x0] =	wrdreg $0x60  }
0xb4: {  	[dreg:$0x2] =	wrdreg s24  }
0xb5: {  	[dreg:$0x3] =	wrdreg s16  }
0xb6: {  	[dreg:$0x4] =	wrdreg $0xA  }
0xb7: {  	_ =	task.clear_ibuf [dreg:s7], $0x5FFFF;
	_ =	strace $0x9000004C  }
0xb8: {  	s29 =	simm.s32 $0xA;
	_ =	strace $0x8000004E  }
0xb9: {  	_ =	swait.ge [sflag:s29], $0x1  }
0xba: {  	[sflag:s29] =	ssyncadd.s32 $0xFFFFFFFF  }
0xbb: {  	_ =	strace $0x9000004E  }
0xbc: {  	_ =	sfence  }
0xbd: {  	s30 =	sld [smem:$0x0];
	_ =	sdelay $0x2  }
0xbe: {  	s31 =	sshll.u32 s1, $0xD;
	s1 =	sshrl.u32 s1, $0x2  }
0xbf: {  	s3 =	sand.u32 $0x4000, s31;
	s1 =	sadd.s32 s1, s30  }
0xc0: {  	s0 =	sor.u32 s3, s0;
	s1 =	sshll.u32 s1, $0x11  }
0xc1: {  	s0 =	sor.u32 s1, s0  }
0xc2: {  	s0 =	sadd.s32 $0x8F2B, s0  }
0xc3: {  	[sflag:s0] =	ssyncadd.remote.s32 $0x1  }
0xc4: {  	_ =	sfence.sel $0xFFFF  }
0xc5: {  	[dreg:$0x0] =	wrdreg $0xFFFFFFFF;
	(pc) =	sbr.abs _section_cstart, $3  }
0xc6: {  	[dreg:$0x1] =	wrdreg $0xFFFFFFFF  }
0xc7: {  	_ =	task.clear_ibuf [dreg:s7], $0x2FFFF;
	_ =	strace $0x9FFFFFFF  }
0xc8: {  	(tm) =	ssettm $0x7FFFFFFF  }
0xc9: {  	_ =	shalt  }
tec
execute0_lowered:
.L_overlay_start_1:
0x0: {  	(tag) =	ssettag $0x1  }
0x1: {  	s7 =	rddreg [dreg:$0x0]  }
0x2: {  	s2 =	rddreg [dreg:$0x1]  }
0x3: {  	s0 =	rddreg [dreg:$0x2]  }
0x4: {  	s1 =	srdreg.scid;
	_ =	strace $0x8000004D;
	s4 =	simm.s32 $0x1  }
0x5: {  	s9 =	simm.s32 $0x3;
	s12 =	simm.s32 $0x0;
	s5 =	sshll.u32 s1, $0x4  }
.Ltmp0:
0x6: {  	s1 =	stileid.u32;
	s5 =	sand.u32 $0x10, s5;
	(pc) =	sbr.rel .LBB2_1-.Ltmp0, $4  }
0x7: {  	s10 =	simm.s32 $0x0;
	s3 =	sadd.s32 $0x1800, s7;
	s6 =	sor.u32 s1, s5  }
0x8: {  	[sflag:s4] =	ssyncpa.u1 $0x0;
	s5 =	simm.s32 $0x2;
	s6 =	sshll.u32 s6, $0x7  }
0x9: {  	s7 =	sadd.s32 $0x41800, s7;
	[sflag:s5] =	ssyncpa.u1 $0x0;
	s8 =	sadd.s32 $0x80, s6  }
0xa: {  	vm0 =	vmmov $0xff;
	vm1 =	vcmask $0x3F20;
	[sflag:s9] =	ssyncpa.u1 $0x0;
	s9 =	simm.s32 $0x80;
	s11 =	smov.u32 s6  }
.LBB2_9:
0xb: {  	p0 =	seq.s32 s10, $0x2  }
.Ltmp1:
0xc: {  	_ = 	snop;
	(pc) =	sbr.rel @p0 .LBB2_11-.Ltmp1, $1  }
0xd: {  	_ =	sdelay $0x3  }
.LBB2_10:
0xe: {  	s12 =	sadd.s32 $0x80, s11  }
0xf: {  	s13 =	smov.u32 s6;
	p0 =	slt.s32 s12, s8  }
0x10: {  	s13 =	smov.u32 @p0 s12  }
0x11: {  	s10 =	sadd.s32 $0x1, s10;
	s12 =	smov.u32 s11;
	s11 =	smov.u32 s13  }
.LBB2_1:
0x12: {  	p0 =	sne.s32 s10, $0x0  }
.Ltmp2:
0x13: {  	_ = 	snop;
	(pc) =	sbr.rel @!p0 .LBB2_2-.Ltmp2, $1  }
0x14: {  	_ =	sdelay $0x3  }
0x15: {  	s13 =	sand.u32 $0x1, s10  }
0x16: {  	p0 =	seq.s32 s13, $0x0  }
.Ltmp3:
0x17: {  	_ = 	snop;
	(pc) =	sbr.rel @p0 .LBB2_9-.Ltmp3, $1  }
0x18: {  	_ =	sdelay $0x3  }
0x19: {  	_ =	swait.ge [sflag:s5], $0x80  }
0x1a: {  	[sflag:s5] =	ssyncset.done $0x0  }
0x1b: {  	s13 =	simm.s32 $0x0;
	[sflag:s5] =	ssyncadd.s32 $0xFFFFFF80  }
0x1c: {  	v0 =	vld.msk [tilespmem:s13+$0x80 ss:$0x1], $0xffff;
	_ =	sdelay $0x4  }
0x1d: {  	vm2 =	vgt.s32 v0, $0x0  }
0x1e: {  	v0 =	vnsel vm2, $0x0, v0  }
0x1f: {  	v0 =	vmin.u32 v0, $0x3FFF  }
0x20: {  	v0 =	vshll.u32 v0, $0x4;
	_ =	sdelay $0x3  }
0x21: {  	s13 =	simm.s32 $0x4100  }
0x22: {  	[tilespmem:s13], [sflag:$0x1] =	stream.indirect_vreg.gather [hbm:s3], $0x80, v0, vm0, $0x38;
	[tilespmem:$0x8100] =	vst v63  }
0x23: {  	s14 =	simm.s32 $0x4500;
	s31 =	simm.s32 $0x10  }
0x24: {  	[tilespmem:s14], [sflag:$0x1] =	stream.indirect_vreg.gather [hbm:s3], $0x80, v0, vm1, $0x38;
	[tilespmem:$0x8100] =	vst v63  }
0x25: {  	s14 =	simm.s32 $0x80;
	v0 =	vld.msk [tilespmem:s31+$0x80 ss:$0x1], $0xffff  }
.LBB2_5:
0x26: {  	p0 =	sne.s32 s14, $0x1C0;
	_ =	sdelay $0x4  }
0x27: {  	vm2 =	vgt.s32 v0, $0x0  }
0x28: {  	v0 =	vnsel vm2, $0x0, v0  }
0x29: {  	v0 =	vmin.u32 v0, $0x3FFF  }
0x2a: {  	v0 =	vshll.u32 v0, $0x4;
	_ =	sdelay $0x3  }
.Ltmp4:
0x2b: {  	s13 =	sadd.s32 $0x800, s13;
	(pc) =	sbr.rel @p0 .LBB2_5-.Ltmp4, $4  }
0x2c: {  	[tilespmem:s13], [sflag:$0x1] =	stream.indirect_vreg.gather [hbm:s3], $0x80, v0, vm0, $0x38;
	[tilespmem:$0x8100] =	vst v63  }
0x2d: {  	s15 =	sshra.s32 s14, $0x2;
	s16 =	sadd.s32 $0x400, s13  }
0x2e: {  	[tilespmem:s16], [sflag:$0x1] =	stream.indirect_vreg.gather [hbm:s3], $0x80, v0, vm1, $0x38;
	[tilespmem:$0x8100] =	vst v63  }
0x2f: {  	s14 =	sadd.s32 $0x40, s14;
	v0 =	vld.msk [tilespmem:s15+$0x80 ss:$0x1], $0xffff  }
0x30: {  	_ =	sdelay $0x3  }
0x31: {  	vm2 =	vgt.s32 v0, $0x0  }
0x32: {  	v0 =	vnsel vm2, $0x0, v0  }
0x33: {  	v0 =	vmin.u32 v0, $0x3FFF  }
0x34: {  	v0 =	vshll.u32 v0, $0x4;
	_ =	sdelay $0x3  }
0x35: {  	s13 =	sadd.s32 $0x800, s13  }
0x36: {  	[tilespmem:s13], [sflag:$0x1] =	stream.indirect_vreg.gather [hbm:s3], $0x80, v0, vm0, $0x38;
	[tilespmem:$0x8100] =	vst v63  }
0x37: {  	s13 =	sadd.s32 $0x400, s13  }
0x38: {  	[tilespmem:s13], [sflag:$0x1] =	stream.indirect_vreg.gather [hbm:s3], $0x80, v0, vm1, $0x38;
	[tilespmem:$0x8100] =	vst v63  }
0x39: {  	s12 =	sshll.u32 s12, $0x4;
	s14 =	simm.s32 $0x80;
	_ =	swait.ge [sflag:s4], $0x4000  }
0x3a: {  	s15 =	simm.s32 $0x4500;
	s12 =	sadd.s32 s12, s7;
	[sflag:s4] =	ssyncset.done $0x0  }
0x3b: {  	s16 =	sadd.s32 $0x0, s12;
	s13 =	simm.s32 $0x4100;
	[sflag:s4] =	ssyncadd.s32 $0xFFFFC000  }
.LBB2_7:
0x3c: {  	[hbm:s16] =	stream.linear.scatter [tilespmem:s13], [sflag:$0x3], $0x400, $0x38;
	[tilespmem:$0x8100] =	vst v63  }
0x3d: {  	s16 =	smov.u32 s14;
	s13 =	smov.u32 s15;
	p0 =	sne.s32 s14, $0x780  }
.Ltmp5:
0x3e: {  	s14 =	sadd.s32 $0x80, s14;
	(pc) =	sbr.rel @p0 .LBB2_7-.Ltmp5, $2  }
0x3f: {  	_ =	sdelay $0x2  }
0x40: {  	s15 =	sadd.s32 $0x400, s15;
	s16 =	sadd.s32 s16, s12  }
.Ltmp6:
0x41: {  	(pc) =	sbr.rel .LBB2_9-.Ltmp6, $2  }
0x42: {  	_ =	sdelay $0x2  }
0x43: {  	[hbm:s16] =	stream.linear.scatter [tilespmem:s13], [sflag:$0x3], $0x400, $0x38;
	[tilespmem:$0x8100] =	vst v63  }
.LBB2_2:
.Ltmp7:
0x44: {  	(pc) =	sbr.rel .LBB2_10-.Ltmp7, $4  }
0x45: {  	_ = 	snop  }
0x46: {  	s12 =	sshrl.u32 s11, $0x3  }
0x47: {  	s13 =	sand.u32 $0x7, s11;
	s12 =	sadd.s32 s2, s12  }
0x48: {  	[tilespmem:s9], [sflag:$0x2] =	stream.linear.gather [hbm4b:s12+s13], $0x80, $0x38;
	[tilespmem:$0x8100] =	vst v63  }
.LBB2_11:
0x49: {  	s2 =	simm.s32 $0x3  }
0x4a: {  	_ =	swait.ge [sflag:s2], $0x4000  }
0x4b: {  	[sflag:s2] =	ssyncset.done $0x0  }
0x4c: {  	[sflag:s2] =	ssyncadd.s32 $0xFFFFC000  }
0x4d: {  	_ =	sfence.sel $0x180000  }
0x4e: {  	s3 =	simm.s32 $0x2;
	[bflag:$0x0] =	sbarrier.arrive $0xFFFF  }
0x4f: {  	[sflag:s3] =	ssyncpa.u1 $0x1  }
0x50: {  	s31 =	simm.s32 $0x1;
	[sflag:s2] =	ssyncpa.u1 $0x1  }
0x51: {  	[sflag:s31] =	ssyncpa.u1 $0x1  }
0x52: {  	p0 =	sne.s32 s1, $0x0;
	_ =	strace $0x9000004D  }
0x53: {  	s0 =	sadd.s32 @!p0 $0x100000, s0;
	[bflag:$0x2] =	sbarrier.arrive $0xFFFF  }
0x54: {  	[sflag:s0] =	ssyncadd.tile.s32 @!p0 $0x1;
	_ =	shalt  }
.Lfunc_end2:
_tile_overlayer_lowered:
.L_overlay_start_2:
0x55: {  	(tag) =	ssettag $0x2  }
0x56: {  	s0 =	rddreg [dreg:$0x0];
	s2 =	stileid.u32  }
0x57: {  	s1 =	rddreg [dreg:$0x1];
	p0 =	sne.s32 s2, $0x0  }
0x58: {  	s3 =	rddreg [dreg:$0x2];
	[bflag:$0x3] =	sbarrier.arrive $0xFFFF;
	s2 =	simm.s32 @!p0 $0x1C01  }
0x59: {  	[timem:s3], [sflag:s2] =	dma.local @!p0 [hbm:s0], s1  }
0x5a: {  	s0 =	simm.s32 @!p0 $0x1  }
0x5b: {  	_ =	swait.ge @!p0 [sflag:s0], s1  }
0x5c: {  	s1 =	ssub.s32 @!p0 $0x0, s1;
	[sflag:s0] =	ssyncset.done @!p0 $0x0  }
0x5d: {  	[sflag:s0] =	ssyncadd.s32 @!p0 s1  }
0x5e: {  	[bflag:$0x3] =	sbarrier.arrive $0xFFFF  }
0x5f: {  	_ =	shalt  }

// kernel: gather_offload_async_start.2
scs
__scs_entry_jumppad:
0x0: {  	(pc) =	sbr.rel $0x88, $3  }
0x1: {  	(tag) =	ssettag $0x0;
	lr =	simm.s32 $0x1  }
0x2: {  	[smem:$0x3F97] =	sst lr;
	_ =	strace $0xD0000000  }
0x3: {  	_ = 	snop  }
0x4: {  	_ = 	snop  }
0x5: {  	_ = 	snop  }
0x6: {  	_ = 	snop  }
0x7: {  	_ = 	snop  }
__scs_overlays_trampoline_lowered:
0x8: {  	[smem:$0x3FA6] =	sst s0  }
0x9: {  	[smem:$0x3FA7] =	sst s1  }
0xa: {  	[smem:$0x3FA8] =	sst s2  }
0xb: {  	[smem:$0x3FA9] =	sst s3  }
0xc: {  	[smem:$0x3FAA] =	sst s4  }
0xd: {  	[smem:$0x3FAB] =	sst s5  }
0xe: {  	[smem:$0x3FAC] =	sst s6  }
0xf: {  	[smem:$0x3FAD] =	sst s7  }
0x10: {  	[smem:$0x3FAE] =	sst s8  }
0x11: {  	[smem:$0x3FAF] =	sst s9;
	s0 =	simm.s32 @!p0 $0x0  }
0x12: {  	s1 =	sld [smem:$0x3F95];
	s0 =	simm.s32 @p0 $0x1  }
0x13: {  	[smem:$0x3FB0] =	sst s0;
	s0 =	simm.s32 @!p1 $0x0  }
0x14: {  	s2 =	sld [smem:$0x3F94];
	s0 =	simm.s32 @p1 $0x1  }
0x15: {  	[smem:$0x3FB1] =	sst s0;
	s0 =	simm.s32 @!p2 $0x0  }
0x16: {  	s3 =	sld [smem:$0x3FDB];
	s0 =	simm.s32 @p2 $0x1  }
0x17: {  	s4 =	simm.s32 $0x1BF5;
	[smem:$0x3FB3] =	sst s0  }
0x18: {  	s0 =	sld [smem:$0x3F96];
	_ =	swait.ge [sflag:s4], $0x0  }
0x19: {  	s7 =	sld [smem:$0x3F97]  }
0x1a: {  	s8 =	sadd.s32 $0xFFFFE003, lr  }
0x1b: {  	s9 =	sadd.s32 $0xFFFFFEF7, lr;
	s5 =	simm.s32 $0xFFFFFFFF;
	p2 =	slt.u32 s8, $0xFFFFF086  }
0x1c: {  	p1 =	slt.u32 s9, $0xF7A;
	s5 =	simm.s32 @!p2 $0x0  }
0x1d: {  	s5 =	simm.s32 @p1 $0x1;
	p0 =	seq.s32 s7, s2  }
0x1e: {  	s7 =	smul.u32 @!p0 $0xF7A, s2;
	p2 =	seq.s32 @!p0 s5, $0x0  }
0x1f: {  	s9 =	smul.u32 $0xF7A, s1;
	s8 =	simm.s32 @!p0 $0x1BF5;
	p2 =	por !p2, p0  }
0x20: {  	[sflag:s8] =	ssyncset.s32 @!p0 $0xFFFFF086;
	s6 =	sadd.s32 @!p0 s3, s7;
	s7 =	simm.s32 @!p0 $0x108  }
0x21: {  	s3 =	sadd.s32 s3, s9;
	s6 =	sadd.s32 @!p0 $0x88, s6;
	s7 =	simm.s32 @p2 $0x1082  }
0x22: {  	[simem:s7], [sflag:s8] =	dma.local @!p0 [hbm:s6], $0xF7A  }
0x23: {  	s9 =	sor.u32 $0xD0000000, s2;
	s6 =	simm.s32 $0x108;
	_ =	swait.ge @!p0 [sflag:s8], $0x0  }
0x24: {  	s3 =	sadd.s32 $0x88, s3;
	s6 =	simm.s32 @!p1 $0x1082;
	[sflag:s4] =	ssyncset.s32 $0xFFFFF086  }
0x25: {  	[simem:s6], [sflag:s4] =	dma.local [hbm:s3], $0xF7A  }
0x26: {  	[smem:$0x3F97] =	sst s1;
	(tag) =	ssettag s2;
	_ =	strace s9  }
0x27: {  	s1 =	sld [smem:$0x3FA7]  }
0x28: {  	s2 =	sld [smem:$0x3FA8]  }
0x29: {  	s4 =	sld [smem:$0x3FAA]  }
0x2a: {  	p0 =	seq.s32 s5, $0x0;
	s5 =	sld [smem:$0x3FAB]  }
0x2b: {  	s6 =	sld [smem:$0x3FAC]  }
0x2c: {  	s7 =	sld [smem:$0x3FAD]  }
0x2d: {  	s3 =	simm.s32 $0x108;
	s8 =	sld [smem:$0x3FAE]  }
0x2e: {  	s3 =	simm.s32 @!p0 $0x1082;
	s9 =	sld [smem:$0x3FAF]  }
0x2f: {  	lr =	sadd.s32 s0, s3;
	s0 =	sld [smem:$0x3FA6]  }
0x30: {  	s3 =	sld [smem:$0x3FA9]  }
0x31: {  	[smem:$0x3FB2] =	sst s10  }
0x32: {  	s10 =	sld [smem:$0x3FB0];
	_ =	sdelay $0x3  }
0x33: {  	p0 =	seq.s32 s10, $0x1;
	s10 =	sld [smem:$0x3FB2];
	_ =	sdelay $0x3  }
0x34: {  	[smem:$0x3FB2] =	sst s10  }
0x35: {  	s10 =	sld [smem:$0x3FB1];
	_ =	sdelay $0x3  }
0x36: {  	p1 =	seq.s32 s10, $0x1;
	s10 =	sld [smem:$0x3FB2];
	_ =	sdelay $0x3  }
0x37: {  	[smem:$0x3FB2] =	sst s10  }
0x38: {  	s10 =	sld [smem:$0x3FB3]  }
0x39: {  	_ = 	snop;
	(pc) =	sbr.ind lr, $3  }
0x3a: {  	_ = 	snop  }
0x3b: {  	_ = 	snop  }
0x3c: {  	p2 =	seq.s32 s10, $0x1;
	s10 =	sld [smem:$0x3FB2]  }
0x3d: {  	_ =	shalt  }
0x3e: {  	_ =	shalt  }
0x3f: {  	_ =	shalt  }
0x40: {  	_ =	shalt  }
0x41: {  	_ =	shalt  }
0x42: {  	_ =	shalt  }
0x43: {  	_ =	shalt  }
0x44: {  	_ =	shalt  }
0x45: {  	_ =	shalt  }
0x46: {  	_ =	shalt  }
0x47: {  	_ =	shalt  }
0x48: {  	_ =	shalt  }
0x49: {  	_ =	shalt  }
0x4a: {  	_ =	shalt  }
0x4b: {  	_ =	shalt  }
0x4c: {  	_ =	shalt  }
0x4d: {  	_ =	shalt  }
0x4e: {  	_ =	shalt  }
0x4f: {  	_ =	shalt  }
0x50: {  	_ =	shalt  }
0x51: {  	_ =	shalt  }
0x52: {  	_ =	shalt  }
0x53: {  	_ =	shalt  }
0x54: {  	_ =	shalt  }
0x55: {  	_ =	shalt  }
0x56: {  	_ =	shalt  }
0x57: {  	_ =	shalt  }
0x58: {  	_ =	shalt  }
0x59: {  	_ =	shalt  }
0x5a: {  	_ =	shalt  }
0x5b: {  	_ =	shalt  }
0x5c: {  	_ =	shalt  }
0x5d: {  	_ =	shalt  }
0x5e: {  	_ =	shalt  }
0x5f: {  	_ =	shalt  }
0x60: {  	_ =	shalt  }
0x61: {  	_ =	shalt  }
0x62: {  	_ =	shalt  }
0x63: {  	_ =	shalt  }
0x64: {  	_ =	shalt  }
0x65: {  	_ =	shalt  }
0x66: {  	_ =	shalt  }
0x67: {  	_ =	shalt  }
0x68: {  	_ =	shalt  }
0x69: {  	_ =	shalt  }
0x6a: {  	_ =	shalt  }
0x6b: {  	_ =	shalt  }
0x6c: {  	_ =	shalt  }
0x6d: {  	_ =	shalt  }
0x6e: {  	_ =	shalt  }
0x6f: {  	_ =	shalt  }
0x70: {  	_ =	shalt  }
0x71: {  	_ =	shalt  }
0x72: {  	_ =	shalt  }
0x73: {  	_ =	shalt  }
0x74: {  	_ =	shalt  }
0x75: {  	_ =	shalt  }
0x76: {  	_ =	shalt  }
0x77: {  	_ =	shalt  }
0x78: {  	_ =	shalt  }
0x79: {  	_ =	shalt  }
0x7a: {  	_ =	shalt  }
0x7b: {  	_ =	shalt  }
0x7c: {  	_ =	shalt  }
0x7d: {  	_ =	shalt  }
0x7e: {  	_ =	shalt  }
0x7f: {  	_ =	shalt  }
0x80: {  	_ =	shalt  }
0x81: {  	_ =	shalt  }
0x82: {  	_ =	shalt  }
0x83: {  	_ =	shalt  }
0x84: {  	_ =	shalt  }
0x85: {  	_ =	shalt  }
0x86: {  	_ =	shalt  }
0x87: {  	_ =	shalt  }
.Lfunc_end0:
.L_simem_size_0:
called_computation.3_lowered:
.L_overlay_start_0:
0x88: {  	s2 =	sld [smem:$0x3FD9]  }
0x89: {  	s3 =	sld [smem:$0x3FFE];
	_ =	sdelay $0x1  }
0x8a: {  	s1 =	srdreg.scid  }
0x8b: {  	s0 =	sand.u32 $0x1, s1  }
0x8c: {  	s15 =	sshll.u32 s0, $0xA;
	s2 =	sadd.s32 s3, s2  }
0x8d: {  	s2 =	sadd.s32 s2, s15  }
0x8e: {  	[smem:$0x3FBE] =	sst s2  }
0x8f: {  	_ = 	snop  }
0x90: {  	s2 =	sld [smem:$0x3FD0];
	_ =	sdelay $0x2  }
0x91: {  	s16 =	simm.s32 $0xC;
	s4 =	simm.s32 $0x10  }
0x92: {  	[smem:s4], [sflag:s16] =	dma.local [hbm:s2], $0x1  }
0x93: {  	_ =	swait.eq [sflag:s16], $0x1  }
0x94: {  	[sflag:s16] =	ssyncset.done $0x0  }
0x95: {  	[sflag:s16] =	ssyncadd.s32 $0xFFFFFFFF  }
0x96: {  	s17 =	sld [smem:$0x13];
	(tm) =	ssettm $0x1  }
0x97: {  	s18 =	sld [smem:$0x3FFB];
	_ =	sdelay $0x3  }
0x98: {  	_ =	strace s18  }
0x99: {  	s2 =	sld [smem:$0x3FFC];
	_ =	sdelay $0x3  }
0x9a: {  	_ =	strace s2  }
0x9b: {  	s2 =	sld [smem:$0x3FFD];
	_ =	sdelay $0x3  }
0x9c: {  	_ =	strace s2  }
0x9d: {  	_ =	strace $0x8FFFFFFF  }
0x9e: {  	s19 =	sld [smem:$0x3FDB];
	_ =	sdelay $0x1  }
0x9f: {  	s20 =	simm.s32 $_scs_section_size  }
0xa0: {  	s5 =	simm.s32 $_size__tile_overlayer_lowered;
	s6 =	simm.s32 $_tile_overlayer_lowered  }
0xa1: {  	s7 =	simm.s32 $0x1BFF;
	s21 =	sshll.u32 s6, $0x1;
	s4 =	sadd.s32 s20, s19  }
0xa2: {  	s22 =	simm.s32 $0x0;
	s5 =	sshll.u32 s5, $0x1;
	s6 =	sadd.s32 s21, s4  }
0xa3: {  	[timem:s22], [sflag:s7] =	dma.local [hbm:s6], s5  }
0xa4: {  	_ =	swait.ge [sflag:s7], s5  }
0xa5: {  	s5 =	ssub.s32 $0x0, s5;
	[sflag:s7] =	ssyncset.done $0x0  }
0xa6: {  	[sflag:s7] =	ssyncadd.s32 s5;
	_ =	sdelay $0x1  }
0xa7: {  	s23 =	simm.s32 $0x1B8B  }
0xa8: {  	_ =	swait.ge [sflag:s23], $0x1  }
0xa9: {  	[sflag:s23] =	ssyncset.done $0x0  }
0xaa: {  	[sflag:s23] =	ssyncadd.s32 $0xFFFFFFFF  }
0xab: {  	s5 =	sld [smem:$0x0]  }
0xac: {  	s6 =	sand.u32 $0xFFFFFFFE, s1  }
0xad: {  	p0 =	sne.s32 s1, s6  }
0xae: {  	s6 =	sshll.u32 @p0 s6, $0xE  }
0xaf: {  	s6 =	sadd.s32 @p0 $0x11B8D, s6;
	s7 =	sshll.u32 @p0 s5, $0x11  }
0xb0: {  	s6 =	sor.u32 @p0 s7, s6  }
0xb1: {  	[sflag:s6] =	ssyncadd.remote.s32 @p0 $0x1;
	_ =	sdelay $0x1  }
0xb2: {  	s6 =	simm.s32 @p0 $0x1B8D  }
0xb3: {  	_ =	swait.eq @p0 [sflag:s6], $0x1  }
0xb4: {  	[sflag:s6] =	ssyncadd.s32 @p0 $0xFFFFFFFF  }
0xb5: {  	s7 =	sshll.u32 @!p0 s1, $0xE  }
0xb6: {  	s7 =	sor.u32 @!p0 $0x4000, s7;
	s6 =	simm.s32 @!p0 $0x1B8D  }
0xb7: {  	s5 =	sshll.u32 @!p0 s5, $0x11;
	s7 =	sadd.s32 @!p0 $0x11B8D, s7;
	_ =	swait.eq @!p0 [sflag:s6], $0x1  }
0xb8: {  	s5 =	sor.u32 @!p0 s5, s7;
	[sflag:s6] =	ssyncadd.s32 @!p0 $0xFFFFFFFF  }
0xb9: {  	s25 =	simm.s32 $0x1B8E;
	s24 =	sld [smem:$0x3FFE];
	[sflag:s5] =	ssyncadd.remote.s32 @!p0 $0x1  }
0xba: {  	s26 =	simm.s32 $execute0_lowered;
	[smem:$0x3FD2] =	sst s25  }
0xbb: {  	s6 =	sshll.u32 s26, $0x1;
	_ =	strace $0x8000004F;
	[dreg:$0x1] =	wrdreg $0xFFFFFFFF  }
0xbc: {  	s28 =	simm.s32 $_size_execute0_lowered;
	s4 =	sadd.s32 s4, s6;
	[dreg:$0x0] =	wrdreg $0x0  }
0xbd: {  	s6 =	sshll.u32 s28, $0x1;
	[dreg:$0x2] =	wrdreg s4  }
0xbe: {  	[dreg:$0x3] =	wrdreg s6  }
0xbf: {  	[dreg:$0x4] =	wrdreg $0xC0  }
0xc0: {  	_ =	task [dreg:s22], $0x5FFFF  }
0xc1: {  	[dreg:$0x1] =	wrdreg $0xFFFFFFFF  }
0xc2: {  	[dreg:$0x0] =	wrdreg $0x60  }
0xc3: {  	[dreg:$0x2] =	wrdreg s24  }
0xc4: {  	[dreg:$0x3] =	wrdreg s17  }
0xc5: {  	[dreg:$0x4] =	wrdreg $0x9  }
0xc6: {  	_ =	task.clear_ibuf [dreg:s22], $0x5FFFF;
	_ =	strace $0x9000004F  }
0xc7: {  	s29 =	simm.s32 $0x9;
	_ =	strace $0x80000051  }
0xc8: {  	_ =	swait.ge [sflag:s29], $0x1  }
0xc9: {  	[sflag:s29] =	ssyncadd.s32 $0xFFFFFFFF  }
0xca: {  	_ =	strace $0x90000051  }
0xcb: {  	_ =	sfence  }
0xcc: {  	s30 =	sld [smem:$0x0];
	_ =	sdelay $0x2  }
0xcd: {  	s31 =	sshll.u32 s1, $0xD;
	s1 =	sshrl.u32 s1, $0x2  }
0xce: {  	s4 =	sand.u32 $0x4000, s31;
	s1 =	sadd.s32 s1, s30  }
0xcf: {  	s0 =	sor.u32 s4, s0;
	s1 =	sshll.u32 s1, $0x11  }
0xd0: {  	s0 =	sor.u32 s1, s0  }
0xd1: {  	s0 =	sadd.s32 $0x8F2B, s0  }
0xd2: {  	[sflag:s0] =	ssyncadd.remote.s32 $0x1  }
0xd3: {  	_ =	sfence.sel $0xFFFF  }
0xd4: {  	[dreg:$0x0] =	wrdreg $0xFFFFFFFF;
	(pc) =	sbr.abs _section_cstart, $3  }
0xd5: {  	[dreg:$0x1] =	wrdreg $0xFFFFFFFF  }
0xd6: {  	_ =	task.clear_ibuf [dreg:s22], $0x2FFFF;
	_ =	strace $0x9FFFFFFF  }
0xd7: {  	(tm) =	ssettm $0x7FFFFFFF  }
tec
execute0_lowered:
.L_overlay_start_1:
0x0: {  	(tag) =	ssettag $0x1  }
0x1: {  	s7 =	rddreg [dreg:$0x0]  }
0x2: {  	s2 =	rddreg [dreg:$0x1]  }
0x3: {  	s0 =	rddreg [dreg:$0x2]  }
0x4: {  	s1 =	srdreg.scid;
	_ =	strace $0x80000050;
	s4 =	simm.s32 $0x1  }
0x5: {  	s9 =	simm.s32 $0x3;
	s12 =	simm.s32 $0x0;
	s5 =	sshll.u32 s1, $0x4  }
.Ltmp0:
0x6: {  	s1 =	stileid.u32;
	s5 =	sand.u32 $0x10, s5;
	(pc) =	sbr.rel .LBB2_1-.Ltmp0, $4  }
0x7: {  	s10 =	simm.s32 $0x0;
	s3 =	sadd.s32 $0x52000, s7;
	s6 =	sor.u32 s1, s5  }
0x8: {  	[sflag:s4] =	ssyncpa.u1 $0x0;
	s5 =	simm.s32 $0x2;
	s6 =	sshll.u32 s6, $0x7  }
0x9: {  	s7 =	sadd.s32 $0x92000, s7;
	[sflag:s5] =	ssyncpa.u1 $0x0;
	s8 =	sadd.s32 $0x80, s6  }
0xa: {  	vm0 =	vmmov $0xff;
	vm1 =	vcmask $0x3F20;
	[sflag:s9] =	ssyncpa.u1 $0x0;
	s9 =	simm.s32 $0x80;
	s11 =	smov.u32 s6  }
.LBB2_9:
0xb: {  	p0 =	seq.s32 s10, $0x2  }
.Ltmp1:
0xc: {  	_ = 	snop;
	(pc) =	sbr.rel @p0 .LBB2_11-.Ltmp1, $1  }
0xd: {  	_ =	sdelay $0x3  }
.LBB2_10:
0xe: {  	s12 =	sadd.s32 $0x80, s11  }
0xf: {  	s13 =	smov.u32 s6;
	p0 =	slt.s32 s12, s8  }
0x10: {  	s13 =	smov.u32 @p0 s12  }
0x11: {  	s10 =	sadd.s32 $0x1, s10;
	s12 =	smov.u32 s11;
	s11 =	smov.u32 s13  }
.LBB2_1:
0x12: {  	p0 =	sne.s32 s10, $0x0  }
.Ltmp2:
0x13: {  	_ = 	snop;
	(pc) =	sbr.rel @!p0 .LBB2_2-.Ltmp2, $1  }
0x14: {  	_ =	sdelay $0x3  }
0x15: {  	s13 =	sand.u32 $0x1, s10  }
0x16: {  	p0 =	seq.s32 s13, $0x0  }
.Ltmp3:
0x17: {  	_ = 	snop;
	(pc) =	sbr.rel @p0 .LBB2_9-.Ltmp3, $1  }
0x18: {  	_ =	sdelay $0x3  }
0x19: {  	_ =	swait.ge [sflag:s5], $0x80  }
0x1a: {  	[sflag:s5] =	ssyncset.done $0x0  }
0x1b: {  	s13 =	simm.s32 $0x0;
	[sflag:s5] =	ssyncadd.s32 $0xFFFFFF80  }
0x1c: {  	v0 =	vld.msk [tilespmem:s13+$0x80 ss:$0x1], $0xffff;
	_ =	sdelay $0x4  }
0x1d: {  	vm2 =	vgt.s32 v0, $0x0  }
0x1e: {  	v0 =	vnsel vm2, $0x0, v0  }
0x1f: {  	v0 =	vmin.u32 v0, $0x3FFF  }
0x20: {  	v0 =	vshll.u32 v0, $0x4;
	_ =	sdelay $0x3  }
0x21: {  	s13 =	simm.s32 $0x4100  }
0x22: {  	[tilespmem:s13], [sflag:$0x1] =	stream.indirect_vreg.gather [hbm:s3], $0x80, v0, vm0, $0x38;
	[tilespmem:$0x8100] =	vst v63  }
0x23: {  	s14 =	simm.s32 $0x4500;
	s31 =	simm.s32 $0x10  }
0x24: {  	[tilespmem:s14], [sflag:$0x1] =	stream.indirect_vreg.gather [hbm:s3], $0x80, v0, vm1, $0x38;
	[tilespmem:$0x8100] =	vst v63  }
0x25: {  	s14 =	simm.s32 $0x80;
	v0 =	vld.msk [tilespmem:s31+$0x80 ss:$0x1], $0xffff  }
.LBB2_5:
0x26: {  	p0 =	sne.s32 s14, $0x1C0;
	_ =	sdelay $0x4  }
0x27: {  	vm2 =	vgt.s32 v0, $0x0  }
0x28: {  	v0 =	vnsel vm2, $0x0, v0  }
0x29: {  	v0 =	vmin.u32 v0, $0x3FFF  }
0x2a: {  	v0 =	vshll.u32 v0, $0x4;
	_ =	sdelay $0x3  }
.Ltmp4:
0x2b: {  	s13 =	sadd.s32 $0x800, s13;
	(pc) =	sbr.rel @p0 .LBB2_5-.Ltmp4, $4  }
0x2c: {  	[tilespmem:s13], [sflag:$0x1] =	stream.indirect_vreg.gather [hbm:s3], $0x80, v0, vm0, $0x38;
	[tilespmem:$0x8100] =	vst v63  }
0x2d: {  	s15 =	sshra.s32 s14, $0x2;
	s16 =	sadd.s32 $0x400, s13  }
0x2e: {  	[tilespmem:s16], [sflag:$0x1] =	stream.indirect_vreg.gather [hbm:s3], $0x80, v0, vm1, $0x38;
	[tilespmem:$0x8100] =	vst v63  }
0x2f: {  	s14 =	sadd.s32 $0x40, s14;
	v0 =	vld.msk [tilespmem:s15+$0x80 ss:$0x1], $0xffff  }
0x30: {  	_ =	sdelay $0x3  }
0x31: {  	vm2 =	vgt.s32 v0, $0x0  }
0x32: {  	v0 =	vnsel vm2, $0x0, v0  }
0x33: {  	v0 =	vmin.u32 v0, $0x3FFF  }
0x34: {  	v0 =	vshll.u32 v0, $0x4;
	_ =	sdelay $0x3  }
0x35: {  	s13 =	sadd.s32 $0x800, s13  }
0x36: {  	[tilespmem:s13], [sflag:$0x1] =	stream.indirect_vreg.gather [hbm:s3], $0x80, v0, vm0, $0x38;
	[tilespmem:$0x8100] =	vst v63  }
0x37: {  	s13 =	sadd.s32 $0x400, s13  }
0x38: {  	[tilespmem:s13], [sflag:$0x1] =	stream.indirect_vreg.gather [hbm:s3], $0x80, v0, vm1, $0x38;
	[tilespmem:$0x8100] =	vst v63  }
0x39: {  	s12 =	sshll.u32 s12, $0x4;
	s14 =	simm.s32 $0x80;
	_ =	swait.ge [sflag:s4], $0x4000  }
0x3a: {  	s15 =	simm.s32 $0x4500;
	s12 =	sadd.s32 s12, s7;
	[sflag:s4] =	ssyncset.done $0x0  }
0x3b: {  	s16 =	sadd.s32 $0x0, s12;
	s13 =	simm.s32 $0x4100;
	[sflag:s4] =	ssyncadd.s32 $0xFFFFC000  }
.LBB2_7:
0x3c: {  	[hbm:s16] =	stream.linear.scatter [tilespmem:s13], [sflag:$0x3], $0x400, $0x38;
	[tilespmem:$0x8100] =	vst v63  }
0x3d: {  	s16 =	smov.u32 s14;
	s13 =	smov.u32 s15;
	p0 =	sne.s32 s14, $0x780  }
.Ltmp5:
0x3e: {  	s14 =	sadd.s32 $0x80, s14;
	(pc) =	sbr.rel @p0 .LBB2_7-.Ltmp5, $2  }
0x3f: {  	_ =	sdelay $0x2  }
0x40: {  	s15 =	sadd.s32 $0x400, s15;
	s16 =	sadd.s32 s16, s12  }
.Ltmp6:
0x41: {  	(pc) =	sbr.rel .LBB2_9-.Ltmp6, $2  }
0x42: {  	_ =	sdelay $0x2  }
0x43: {  	[hbm:s16] =	stream.linear.scatter [tilespmem:s13], [sflag:$0x3], $0x400, $0x38;
	[tilespmem:$0x8100] =	vst v63  }
.LBB2_2:
.Ltmp7:
0x44: {  	(pc) =	sbr.rel .LBB2_10-.Ltmp7, $4  }
0x45: {  	_ = 	snop  }
0x46: {  	s12 =	sshrl.u32 s11, $0x3  }
0x47: {  	s13 =	sand.u32 $0x7, s11;
	s12 =	sadd.s32 s2, s12  }
0x48: {  	[tilespmem:s9], [sflag:$0x2] =	stream.linear.gather [hbm4b:s12+s13], $0x80, $0x38;
	[tilespmem:$0x8100] =	vst v63  }
.LBB2_11:
0x49: {  	s2 =	simm.s32 $0x3  }
0x4a: {  	_ =	swait.ge [sflag:s2], $0x4000  }
0x4b: {  	[sflag:s2] =	ssyncset.done $0x0  }
0x4c: {  	[sflag:s2] =	ssyncadd.s32 $0xFFFFC000  }
0x4d: {  	_ =	sfence.sel $0x180000  }
0x4e: {  	s3 =	simm.s32 $0x2;
	[bflag:$0x0] =	sbarrier.arrive $0xFFFF  }
0x4f: {  	[sflag:s3] =	ssyncpa.u1 $0x1  }
0x50: {  	s31 =	simm.s32 $0x1;
	[sflag:s2] =	ssyncpa.u1 $0x1  }
0x51: {  	[sflag:s31] =	ssyncpa.u1 $0x1  }
0x52: {  	p0 =	sne.s32 s1, $0x0;
	_ =	strace $0x90000050  }
0x53: {  	s0 =	sadd.s32 @!p0 $0x100000, s0;
	[bflag:$0x2] =	sbarrier.arrive $0xFFFF  }
0x54: {  	[sflag:s0] =	ssyncadd.tile.s32 @!p0 $0x1;
	_ =	shalt  }
.Lfunc_end2:
_tile_overlayer_lowered:
.L_overlay_start_2:
0x55: {  	(tag) =	ssettag $0x2  }
0x56: {  	s0 =	rddreg [dreg:$0x0];
	s2 =	stileid.u32  }
0x57: {  	s1 =	rddreg [dreg:$0x1];
	p0 =	sne.s32 s2, $0x0  }
0x58: {  	s3 =	rddreg [dreg:$0x2];
	[bflag:$0x3] =	sbarrier.arrive $0xFFFF;
	s2 =	simm.s32 @!p0 $0x1C01  }
0x59: {  	[timem:s3], [sflag:s2] =	dma.local @!p0 [hbm:s0], s1  }
0x5a: {  	s0 =	simm.s32 @!p0 $0x1  }
0x5b: {  	_ =	swait.ge @!p0 [sflag:s0], s1  }
0x5c: {  	s1 =	ssub.s32 @!p0 $0x0, s1;
	[sflag:s0] =	ssyncset.done @!p0 $0x0  }
0x5d: {  	[sflag:s0] =	ssyncadd.s32 @!p0 s1  }
0x5e: {  	[bflag:$0x3] =	sbarrier.arrive $0xFFFF  }
0x5f: {  	_ =	shalt  }

// kernel: gather_offload_async_start
scs
__scs_entry_jumppad:
0x0: {  	(pc) =	sbr.rel $0x88, $3  }
0x1: {  	(tag) =	ssettag $0x0;
	lr =	simm.s32 $0x1  }
0x2: {  	[smem:$0x3F97] =	sst lr;
	_ =	strace $0xD0000000  }
0x3: {  	_ = 	snop  }
0x4: {  	_ = 	snop  }
0x5: {  	_ = 	snop  }
0x6: {  	_ = 	snop  }
0x7: {  	_ = 	snop  }
__scs_overlays_trampoline_lowered:
0x8: {  	[smem:$0x3FA6] =	sst s0  }
0x9: {  	[smem:$0x3FA7] =	sst s1  }
0xa: {  	[smem:$0x3FA8] =	sst s2  }
0xb: {  	[smem:$0x3FA9] =	sst s3  }
0xc: {  	[smem:$0x3FAA] =	sst s4  }
0xd: {  	[smem:$0x3FAB] =	sst s5  }
0xe: {  	[smem:$0x3FAC] =	sst s6  }
0xf: {  	[smem:$0x3FAD] =	sst s7  }
0x10: {  	[smem:$0x3FAE] =	sst s8  }
0x11: {  	[smem:$0x3FAF] =	sst s9;
	s0 =	simm.s32 @!p0 $0x0  }
0x12: {  	s1 =	sld [smem:$0x3F95];
	s0 =	simm.s32 @p0 $0x1  }
0x13: {  	[smem:$0x3FB0] =	sst s0;
	s0 =	simm.s32 @!p1 $0x0  }
0x14: {  	s2 =	sld [smem:$0x3F94];
	s0 =	simm.s32 @p1 $0x1  }
0x15: {  	[smem:$0x3FB1] =	sst s0;
	s0 =	simm.s32 @!p2 $0x0  }
0x16: {  	s3 =	sld [smem:$0x3FDB];
	s0 =	simm.s32 @p2 $0x1  }
0x17: {  	s4 =	simm.s32 $0x1BF5;
	[smem:$0x3FB3] =	sst s0  }
0x18: {  	s0 =	sld [smem:$0x3F96];
	_ =	swait.ge [sflag:s4], $0x0  }
0x19: {  	s7 =	sld [smem:$0x3F97]  }
0x1a: {  	s8 =	sadd.s32 $0xFFFFE003, lr  }
0x1b: {  	s9 =	sadd.s32 $0xFFFFFEF7, lr;
	s5 =	simm.s32 $0xFFFFFFFF;
	p2 =	slt.u32 s8, $0xFFFFF086  }
0x1c: {  	p1 =	slt.u32 s9, $0xF7A;
	s5 =	simm.s32 @!p2 $0x0  }
0x1d: {  	s5 =	simm.s32 @p1 $0x1;
	p0 =	seq.s32 s7, s2  }
0x1e: {  	s7 =	smul.u32 @!p0 $0xF7A, s2;
	p2 =	seq.s32 @!p0 s5, $0x0  }
0x1f: {  	s9 =	smul.u32 $0xF7A, s1;
	s8 =	simm.s32 @!p0 $0x1BF5;
	p2 =	por !p2, p0  }
0x20: {  	[sflag:s8] =	ssyncset.s32 @!p0 $0xFFFFF086;
	s6 =	sadd.s32 @!p0 s3, s7;
	s7 =	simm.s32 @!p0 $0x108  }
0x21: {  	s3 =	sadd.s32 s3, s9;
	s6 =	sadd.s32 @!p0 $0x88, s6;
	s7 =	simm.s32 @p2 $0x1082  }
0x22: {  	[simem:s7], [sflag:s8] =	dma.local @!p0 [hbm:s6], $0xF7A  }
0x23: {  	s9 =	sor.u32 $0xD0000000, s2;
	s6 =	simm.s32 $0x108;
	_ =	swait.ge @!p0 [sflag:s8], $0x0  }
0x24: {  	s3 =	sadd.s32 $0x88, s3;
	s6 =	simm.s32 @!p1 $0x1082;
	[sflag:s4] =	ssyncset.s32 $0xFFFFF086  }
0x25: {  	[simem:s6], [sflag:s4] =	dma.local [hbm:s3], $0xF7A  }
0x26: {  	[smem:$0x3F97] =	sst s1;
	(tag) =	ssettag s2;
	_ =	strace s9  }
0x27: {  	s1 =	sld [smem:$0x3FA7]  }
0x28: {  	s2 =	sld [smem:$0x3FA8]  }
0x29: {  	s4 =	sld [smem:$0x3FAA]  }
0x2a: {  	p0 =	seq.s32 s5, $0x0;
	s5 =	sld [smem:$0x3FAB]  }
0x2b: {  	s6 =	sld [smem:$0x3FAC]  }
0x2c: {  	s7 =	sld [smem:$0x3FAD]  }
0x2d: {  	s3 =	simm.s32 $0x108;
	s8 =	sld [smem:$0x3FAE]  }
0x2e: {  	s3 =	simm.s32 @!p0 $0x1082;
	s9 =	sld [smem:$0x3FAF]  }
0x2f: {  	lr =	sadd.s32 s0, s3;
	s0 =	sld [smem:$0x3FA6]  }
0x30: {  	s3 =	sld [smem:$0x3FA9]  }
0x31: {  	[smem:$0x3FB2] =	sst s10  }
0x32: {  	s10 =	sld [smem:$0x3FB0];
	_ =	sdelay $0x3  }
0x33: {  	p0 =	seq.s32 s10, $0x1;
	s10 =	sld [smem:$0x3FB2];
	_ =	sdelay $0x3  }
0x34: {  	[smem:$0x3FB2] =	sst s10  }
0x35: {  	s10 =	sld [smem:$0x3FB1];
	_ =	sdelay $0x3  }
0x36: {  	p1 =	seq.s32 s10, $0x1;
	s10 =	sld [smem:$0x3FB2];
	_ =	sdelay $0x3  }
0x37: {  	[smem:$0x3FB2] =	sst s10  }
0x38: {  	s10 =	sld [smem:$0x3FB3]  }
0x39: {  	_ = 	snop;
	(pc) =	sbr.ind lr, $3  }
0x3a: {  	_ = 	snop  }
0x3b: {  	_ = 	snop  }
0x3c: {  	p2 =	seq.s32 s10, $0x1;
	s10 =	sld [smem:$0x3FB2]  }
0x3d: {  	_ =	shalt  }
0x3e: {  	_ =	shalt  }
0x3f: {  	_ =	shalt  }
0x40: {  	_ =	shalt  }
0x41: {  	_ =	shalt  }
0x42: {  	_ =	shalt  }
0x43: {  	_ =	shalt  }
0x44: {  	_ =	shalt  }
0x45: {  	_ =	shalt  }
0x46: {  	_ =	shalt  }
0x47: {  	_ =	shalt  }
0x48: {  	_ =	shalt  }
0x49: {  	_ =	shalt  }
0x4a: {  	_ =	shalt  }
0x4b: {  	_ =	shalt  }
0x4c: {  	_ =	shalt  }
0x4d: {  	_ =	shalt  }
0x4e: {  	_ =	shalt  }
0x4f: {  	_ =	shalt  }
0x50: {  	_ =	shalt  }
0x51: {  	_ =	shalt  }
0x52: {  	_ =	shalt  }
0x53: {  	_ =	shalt  }
0x54: {  	_ =	shalt  }
0x55: {  	_ =	shalt  }
0x56: {  	_ =	shalt  }
0x57: {  	_ =	shalt  }
0x58: {  	_ =	shalt  }
0x59: {  	_ =	shalt  }
0x5a: {  	_ =	shalt  }
0x5b: {  	_ =	shalt  }
0x5c: {  	_ =	shalt  }
0x5d: {  	_ =	shalt  }
0x5e: {  	_ =	shalt  }
0x5f: {  	_ =	shalt  }
0x60: {  	_ =	shalt  }
0x61: {  	_ =	shalt  }
0x62: {  	_ =	shalt  }
0x63: {  	_ =	shalt  }
0x64: {  	_ =	shalt  }
0x65: {  	_ =	shalt  }
0x66: {  	_ =	shalt  }
0x67: {  	_ =	shalt  }
0x68: {  	_ =	shalt  }
0x69: {  	_ =	shalt  }
0x6a: {  	_ =	shalt  }
0x6b: {  	_ =	shalt  }
0x6c: {  	_ =	shalt  }
0x6d: {  	_ =	shalt  }
0x6e: {  	_ =	shalt  }
0x6f: {  	_ =	shalt  }
0x70: {  	_ =	shalt  }
0x71: {  	_ =	shalt  }
0x72: {  	_ =	shalt  }
0x73: {  	_ =	shalt  }
0x74: {  	_ =	shalt  }
0x75: {  	_ =	shalt  }
0x76: {  	_ =	shalt  }
0x77: {  	_ =	shalt  }
0x78: {  	_ =	shalt  }
0x79: {  	_ =	shalt  }
0x7a: {  	_ =	shalt  }
0x7b: {  	_ =	shalt  }
0x7c: {  	_ =	shalt  }
0x7d: {  	_ =	shalt  }
0x7e: {  	_ =	shalt  }
0x7f: {  	_ =	shalt  }
0x80: {  	_ =	shalt  }
0x81: {  	_ =	shalt  }
0x82: {  	_ =	shalt  }
0x83: {  	_ =	shalt  }
0x84: {  	_ =	shalt  }
0x85: {  	_ =	shalt  }
0x86: {  	_ =	shalt  }
0x87: {  	_ =	shalt  }
.Lfunc_end0:
.L_simem_size_0:
called_computation.1_lowered:
.L_overlay_start_0:
0x88: {  	s2 =	sld [smem:$0x3FD9]  }
0x89: {  	s3 =	sld [smem:$0x3FFE];
	_ =	sdelay $0x1  }
0x8a: {  	s1 =	srdreg.scid  }
0x8b: {  	s0 =	sand.u32 $0x1, s1  }
0x8c: {  	s14 =	sshll.u32 s0, $0xA;
	s2 =	sadd.s32 s3, s2  }
0x8d: {  	s2 =	sadd.s32 s2, s14  }
0x8e: {  	[smem:$0x3FBE] =	sst s2  }
0x8f: {  	_ = 	snop  }
0x90: {  	s2 =	sld [smem:$0x3FD0];
	_ =	sdelay $0x2  }
0x91: {  	s15 =	simm.s32 $0xC;
	s4 =	simm.s32 $0x10  }
0x92: {  	[smem:s4], [sflag:s15] =	dma.local [hbm:s2], $0x1  }
0x93: {  	_ =	swait.eq [sflag:s15], $0x1  }
0x94: {  	[sflag:s15] =	ssyncset.done $0x0  }
0x95: {  	s16 =	sld [smem:$0x11];
	[sflag:s15] =	ssyncadd.s32 $0xFFFFFFFF  }
0x96: {  	s17 =	sld [smem:$0x13];
	(tm) =	ssettm $0x1  }
0x97: {  	s18 =	sld [smem:$0x3FFB];
	_ =	sdelay $0x3  }
0x98: {  	_ =	strace s18  }
0x99: {  	s4 =	sld [smem:$0x3FFC];
	_ =	sdelay $0x3  }
0x9a: {  	_ =	strace s4  }
0x9b: {  	s4 =	sld [smem:$0x3FFD];
	_ =	sdelay $0x3  }
0x9c: {  	_ =	strace s4  }
0x9d: {  	_ =	strace $0x8FFFFFFF  }
0x9e: {  	s19 =	sld [smem:$0x3FDB];
	_ =	sdelay $0x1  }
0x9f: {  	s5 =	simm.s32 $_scs_section_size  }
0xa0: {  	s6 =	simm.s32 $_size__tile_overlayer_lowered;
	s7 =	simm.s32 $_tile_overlayer_lowered  }
0xa1: {  	s22 =	simm.s32 $0x1BFF;
	s21 =	sshll.u32 s7, $0x1;
	s4 =	sadd.s32 s5, s19  }
0xa2: {  	s8 =	simm.s32 $0x0;
	s20 =	sshll.u32 s6, $0x1;
	s6 =	sadd.s32 s21, s4  }
0xa3: {  	[timem:s8], [sflag:s22] =	dma.local [hbm:s6], s20  }
0xa4: {  	_ =	swait.ge [sflag:s22], s20  }
0xa5: {  	s5 =	ssub.s32 $0x0, s20;
	[sflag:s22] =	ssyncset.done $0x0  }
0xa6: {  	[sflag:s22] =	ssyncadd.s32 s5;
	_ =	sdelay $0x1  }
0xa7: {  	s23 =	simm.s32 $0x1B8B  }
0xa8: {  	_ =	swait.ge [sflag:s23], $0x1  }
0xa9: {  	[sflag:s23] =	ssyncset.done $0x0  }
0xaa: {  	s25 =	simm.s32 $0x1B8E;
	s24 =	sld [smem:$0x3FFE];
	[sflag:s23] =	ssyncadd.s32 $0xFFFFFFFF  }
0xab: {  	s26 =	simm.s32 $execute0_lowered;
	[smem:$0x3FD2] =	sst s25  }
0xac: {  	s6 =	sshll.u32 s26, $0x1;
	_ =	strace $0x80000049;
	[dreg:$0x1] =	wrdreg $0xFFFFFFFF  }
0xad: {  	s28 =	simm.s32 $_size_execute0_lowered;
	s4 =	sadd.s32 s4, s6;
	[dreg:$0x0] =	wrdreg $0x0  }
0xae: {  	s6 =	sshll.u32 s28, $0x1;
	[dreg:$0x2] =	wrdreg s4  }
0xaf: {  	[dreg:$0x3] =	wrdreg s6  }
0xb0: {  	[dreg:$0x4] =	wrdreg $0xC0  }
0xb1: {  	_ =	task [dreg:s8], $0x5FFFF  }
0xb2: {  	[dreg:$0x1] =	wrdreg $0xFFFFFFFF  }
0xb3: {  	[dreg:$0x0] =	wrdreg $0x60  }
0xb4: {  	[dreg:$0x2] =	wrdreg s16  }
0xb5: {  	[dreg:$0x3] =	wrdreg s24  }
0xb6: {  	[dreg:$0x4] =	wrdreg s17  }
0xb7: {  	[dreg:$0x5] =	wrdreg $0x9  }
0xb8: {  	_ =	task.clear_ibuf [dreg:s8], $0x6FFFF;
	_ =	strace $0x90000049  }
0xb9: {  	s29 =	simm.s32 $0x9;
	_ =	strace $0x8000004B  }
0xba: {  	_ =	swait.ge [sflag:s29], $0x1  }
0xbb: {  	[sflag:s29] =	ssyncadd.s32 $0xFFFFFFFF  }
0xbc: {  	_ =	strace $0x9000004B  }
0xbd: {  	_ =	sfence  }
0xbe: {  	s30 =	sld [smem:$0x0];
	_ =	sdelay $0x2  }
0xbf: {  	s31 =	sshll.u32 s1, $0xD;
	s1 =	sshrl.u32 s1, $0x2  }
0xc0: {  	s3 =	sand.u32 $0x4000, s31;
	s1 =	sadd.s32 s1, s30  }
0xc1: {  	s0 =	sor.u32 s3, s0;
	s1 =	sshll.u32 s1, $0x11  }
0xc2: {  	s0 =	sor.u32 s1, s0  }
0xc3: {  	s0 =	sadd.s32 $0x8F2B, s0  }
0xc4: {  	[sflag:s0] =	ssyncadd.remote.s32 $0x1  }
0xc5: {  	_ =	sfence.sel $0xFFFF  }
0xc6: {  	[dreg:$0x0] =	wrdreg $0xFFFFFFFF;
	(pc) =	sbr.abs _section_cstart, $3  }
0xc7: {  	[dreg:$0x1] =	wrdreg $0xFFFFFFFF  }
0xc8: {  	_ =	task.clear_ibuf [dreg:s8], $0x2FFFF;
	_ =	strace $0x9FFFFFFF  }
0xc9: {  	(tm) =	ssettm $0x7FFFFFFF  }
tec
execute0_lowered:
.L_overlay_start_1:
0x0: {  	(tag) =	ssettag $0x1  }
0x1: {  	s2 =	rddreg [dreg:$0x0]  }
0x2: {  	s1 =	srdreg.scid;
	s5 =	rddreg [dreg:$0x1]  }
0x3: {  	s0 =	stileid.u32;
	s3 =	rddreg [dreg:$0x2]  }
0x4: {  	s9 =	simm.s32 $0x1;
	s10 =	simm.s32 $0x3;
	s1 =	sshll.u32 s1, $0x8  }
0x5: {  	s13 =	simm.s32 $0x0;
	s4 =	sshll.u32 s0, $0x9;
	s6 =	sand.u32 $0x100, s1  }
0x6: {  	s12 =	simm.s32 $0x0;
	s5 =	sadd.s32 $0x800, s5;
	s4 =	sor.u32 s4, s6  }
0x7: {  	s1 =	rddreg [dreg:$0x3];
	_ =	strace $0x8000004A;
	s8 =	ssub.s32 $0x4000, s4  }
.Ltmp0:
0x8: {  	s6 =	simm.s32 $0x1;
	s7 =	sand.u32 $0x1F00, s8;
	(pc) =	sbr.rel .LBB2_1-.Ltmp0, $4  }
0x9: {  	[sflag:s6] =	ssyncpa.u1 $0x0;
	s11 =	smov.u32 s4;
	p0 =	sne.s32 s7, $0x0  }
0xa: {  	s8 =	sshrl.u32 s8, $0xD;
	s7 =	simm.s32 $0x2;
	s9 =	simm.s32 @!p0 $0x0  }
0xb: {  	[sflag:s7] =	ssyncpa.u1 $0x0;
	p0 =	por $0x0, $0x0;
	s8 =	sadd.s32 s9, s8  }
0xc: {  	vm0 =	vmmov $0xffff;
	[sflag:s10] =	ssyncpa.u1 $0x0;
	s10 =	simm.s32 $0x0;
	s9 =	sadd.s32 $0x1, s8  }
.LBB2_4:
0xd: {  	v2 =	vnsel vm1, $0x0, v2  }
0xe: {  	vm1 =	vgt.s32 v0, $0x0;
	v2 =	vmin.u32 v2, $0x3FFFF  }
0xf: {  	v0 =	vnsel vm1, $0x0, v0  }
0x10: {  	v0 =	vmin.u32 v0, $0x3FFFF  }
0x11: {  	[tilespmem:s15], [sflag:$0x1] =	stream.indirect_vreg.gather [hbm4b:s2+s10], $0x1, v1, vm0, $0x4038;
	[tilespmem:$0x400] =	vst v63  }
0x12: {  	(ifvalue) =	ssetifvalue $0x7FFFFFFF  }
0x13: {  	[tilespmem:s16], [sflag:$0x1] =	stream.indirect_vreg.gather [hbm4b:s2+s10], $0x1, v2, vm0, $0x4038;
	[tilespmem:$0x400] =	vst v63  }
0x14: {  	s29 =	sadd.s32 $0x10, s16;
	(ifvalue) =	ssetifvalue $0x7FFFFFFF  }
0x15: {  	[tilespmem:s29], [sflag:$0x1] =	stream.indirect_vreg.gather [hbm4b:s2+s10], $0x1, v0, vm0, $0x4038;
	[tilespmem:$0x400] =	vst v63  }
0x16: {  	_ =	swait.ge [sflag:s6], $0x100  }
0x17: {  	s30 =	sshrl.u32 s13, $0x3;
	[sflag:s6] =	ssyncset.done $0x0  }
0x18: {  	s31 =	sand.u32 $0x7, s13;
	s15 =	sadd.s32 s3, s30;
	[sflag:s6] =	ssyncadd.s32 $0xFFFFFF00  }
0x19: {  	[hbm4b:s15+s31] =	stream.linear.scatter [tilespmem:s14], [sflag:$0x3], $0x100, $0x38;
	[tilespmem:$0x400] =	vst v63  }
.LBB2_5:
0x1a: {  	s15 =	sadd.s32 $0x2000, s11  }
0x1b: {  	p2 =	sgt.s32 s15, $0x3FFF  }
0x1c: {  	s15 =	smov.u32 @p2 s4;
	p2 =	sne.s32 s12, s9  }
.Ltmp1:
0x1d: {  	p1 =	slt.u32 s12, $0x2;
	(pc) =	sbr.rel @!p2 .LBB2_6-.Ltmp1, $4  }
0x1e: {  	s14 =	simm.s32 @!p1 $0x3  }
0x1f: {  	s16 =	sadd.s32 $0x1, s12;
	_ =	swait.ge @!p1 [sflag:s14], $0x100  }
0x20: {  	s13 =	smov.u32 s11;
	p0 =	por !p0, !p0;
	[sflag:s14] =	ssyncset.done @!p1 $0x0  }
0x21: {  	s12 =	smov.u32 s16;
	s11 =	smov.u32 s15;
	[sflag:s14] =	ssyncadd.s32 @!p1 $0xFFFFFF00  }
.LBB2_1:
0x22: {  	p1 =	sge.u32 s12, s8  }
0x23: {  	s14 =	sxor.u32 @!p1 $0xFFFFFFFF, s12  }
0x24: {  	s31 =	sadd.s32 $0xFFFFFFFF, s12;
	s15 =	sshrl.u32 @!p1 s11, $0x3;
	s14 =	sshll.u32 @!p1 s14, $0x8  }
0x25: {  	s16 =	sand.u32 @!p1 $0x7, s11;
	s15 =	sadd.s32 @!p1 s5, s15;
	s14 =	sand.u32 @!p1 $0x100, s14  }
0x26: {  	[tilespmem:s14], [sflag:$0x2] =	stream.linear.gather @!p1 [hbm4b:s15+s16], $0x100, $0x38;
	[tilespmem:$0x400] =	vst v63  }
0x27: {  	p1 =	sge.u32 s31, s8  }
.Ltmp2:
0x28: {  	_ = 	snop;
	(pc) =	sbr.rel @p1 .LBB2_5-.Ltmp2, $1  }
0x29: {  	_ =	sdelay $0x3  }
0x2a: {  	s14 =	simm.s32 $0x1  }
0x2b: {  	_ =	swait.ge [sflag:s7], $0x100;
	s14 =	simm.s32 @!p0 $0x0  }
0x2c: {  	[sflag:s7] =	ssyncset.done $0x0;
	s14 =	sshll.u32 s14, $0x8  }
0x2d: {  	[sflag:s7] =	ssyncadd.s32 $0xFFFFFF00;
	(ifvalue) =	ssetifvalue $0x7FFFFFFF;
	v0 =	vld.msk [tilespmem:s14+$0x0 ss:$0x1], $0xffff;
	_ =	sdelay $0x4  }
0x2e: {  	s15 =	sadd.s32 $0x10, s14;
	vm1 =	vgt.s32 v0, $0x0  }
0x2f: {  	v2 =	vld.msk [tilespmem:s15+$0x0 ss:$0x1], $0xffff;
	v1 =	vnsel vm1, $0x0, v0  }
0x30: {  	v1 =	vmin.u32 v1, $0x3FFFF;
	_ =	sdelay $0x1  }
0x31: {  	s16 =	sshll.u32 s12, $0x8;
	s18 =	simm.s32 $0x20  }
0x32: {  	s16 =	sand.u32 $0x100, s16;
	s17 =	sadd.s32 $0x10, s15;
	s15 =	sor.u32 $0x200, s14  }
0x33: {  	s14 =	sor.u32 $0x200, s16;
	s16 =	sadd.s32 $0x10, s15;
	v0 =	vld.msk [tilespmem:s17+$0x0 ss:$0x1], $0xffff;
	vm1 =	vgt.s32 v2, $0x0;
	(ifvalue) =	ssetifvalue $0x7FFFFFFF  }
.LBB2_3:
0x34: {  	[tilespmem:s15], [sflag:$0x1] =	stream.indirect_vreg.gather [hbm4b:s2+s10], $0x1, v1, vm0, $0x4038;
	[tilespmem:$0x400] =	vst v63  }
0x35: {  	s18 =	sadd.s32 $0x10, s18  }
0x36: {  	v2 =	vnsel vm1, $0x0, v2;
	p1 =	slt.u32 s18, $0xF0  }
.Ltmp3:
0x37: {  	s15 =	smov.u32 s16;
	v1 =	vmin.u32 v2, $0x3FFFF;
	(pc) =	sbr.rel @p1 .LBB2_3-.Ltmp3, $3  }
0x38: {  	_ =	sdelay $0x1  }
0x39: {  	s17 =	sadd.s32 $0x10, s17  }
0x3a: {  	vm1 =	vgt.s32 v0, $0x0;
	s16 =	sadd.s32 $0x10, s16;
	v2 =	vmov v0;
	(ifvalue) =	ssetifvalue $0x7FFFFFFF;
	v0 =	vld.msk [tilespmem:s17+$0x0 ss:$0x1], $0xffff  }
.Ltmp4:
0x3b: {  	_ = 	snop;
	(pc) =	sbr.rel .LBB2_4-.Ltmp4, $1  }
0x3c: {  	_ =	sdelay $0x3  }
.LBB2_6:
0x3d: {  	_ =	sfence.sel $0x180000  }
0x3e: {  	s2 =	simm.s32 $0x2;
	[bflag:$0x0] =	sbarrier.arrive $0xFFFF  }
0x3f: {  	s30 =	simm.s32 $0x3;
	[sflag:s2] =	ssyncpa.u1 $0x1  }
0x40: {  	s31 =	simm.s32 $0x1;
	[sflag:s30] =	ssyncpa.u1 $0x1  }
0x41: {  	[sflag:s31] =	ssyncpa.u1 $0x1  }
0x42: {  	p0 =	sne.s32 s0, $0x0;
	_ =	strace $0x9000004A  }
0x43: {  	s0 =	sadd.s32 @!p0 $0x100000, s1;
	[bflag:$0x2] =	sbarrier.arrive $0xFFFF  }
0x44: {  	[sflag:s0] =	ssyncadd.tile.s32 @!p0 $0x1;
	_ =	shalt  }
.Lfunc_end2:
_tile_overlayer_lowered:
.L_overlay_start_2:
0x45: {  	(tag) =	ssettag $0x2  }
0x46: {  	s0 =	rddreg [dreg:$0x0];
	s2 =	stileid.u32  }
0x47: {  	s1 =	rddreg [dreg:$0x1];
	p0 =	sne.s32 s2, $0x0  }
0x48: {  	s3 =	rddreg [dreg:$0x2];
	[bflag:$0x3] =	sbarrier.arrive $0xFFFF;
	s2 =	simm.s32 @!p0 $0x1C01  }
0x49: {  	[timem:s3], [sflag:s2] =	dma.local @!p0 [hbm:s0], s1  }
0x4a: {  	s0 =	simm.s32 @!p0 $0x1  }
0x4b: {  	_ =	swait.ge @!p0 [sflag:s0], s1  }
0x4c: {  	s1 =	ssub.s32 @!p0 $0x0, s1;
	[sflag:s0] =	ssyncset.done @!p0 $0x0  }
0x4d: {  	[sflag:s0] =	ssyncadd.s32 @!p0 s1  }
0x4e: {  	[bflag:$0x3] =	sbarrier.arrive $0xFFFF  }
0x4f: {  	_ =	shalt  }

// kernel: kernel.6.cloned.1.call-start
scs
__scs_entry_jumppad:
0x0: {  	(pc) =	sbr.rel $0x88, $3  }
0x1: {  	(tag) =	ssettag $0x0;
	lr =	simm.s32 $0x1  }
0x2: {  	[smem:$0x3F97] =	sst lr;
	_ =	strace $0xD0000000  }
0x3: {  	_ = 	snop  }
0x4: {  	_ = 	snop  }
0x5: {  	_ = 	snop  }
0x6: {  	_ = 	snop  }
0x7: {  	_ = 	snop  }
__scs_overlays_trampoline_lowered:
0x8: {  	[smem:$0x3FA6] =	sst s0  }
0x9: {  	[smem:$0x3FA7] =	sst s1  }
0xa: {  	[smem:$0x3FA8] =	sst s2  }
0xb: {  	[smem:$0x3FA9] =	sst s3  }
0xc: {  	[smem:$0x3FAA] =	sst s4  }
0xd: {  	[smem:$0x3FAB] =	sst s5  }
0xe: {  	[smem:$0x3FAC] =	sst s6  }
0xf: {  	[smem:$0x3FAD] =	sst s7  }
0x10: {  	[smem:$0x3FAE] =	sst s8  }
0x11: {  	[smem:$0x3FAF] =	sst s9;
	s0 =	simm.s32 @!p0 $0x0  }
0x12: {  	s1 =	sld [smem:$0x3F95];
	s0 =	simm.s32 @p0 $0x1  }
0x13: {  	[smem:$0x3FB0] =	sst s0;
	s0 =	simm.s32 @!p1 $0x0  }
0x14: {  	s2 =	sld [smem:$0x3F94];
	s0 =	simm.s32 @p1 $0x1  }
0x15: {  	[smem:$0x3FB1] =	sst s0;
	s0 =	simm.s32 @!p2 $0x0  }
0x16: {  	s3 =	sld [smem:$0x3FDB];
	s0 =	simm.s32 @p2 $0x1  }
0x17: {  	s4 =	simm.s32 $0x1BF5;
	[smem:$0x3FB3] =	sst s0  }
0x18: {  	s0 =	sld [smem:$0x3F96];
	_ =	swait.ge [sflag:s4], $0x0  }
0x19: {  	s7 =	sld [smem:$0x3F97]  }
0x1a: {  	s8 =	sadd.s32 $0xFFFFE003, lr  }
0x1b: {  	s9 =	sadd.s32 $0xFFFFFEF7, lr;
	s5 =	simm.s32 $0xFFFFFFFF;
	p2 =	slt.u32 s8, $0xFFFFF086  }
0x1c: {  	p1 =	slt.u32 s9, $0xF7A;
	s5 =	simm.s32 @!p2 $0x0  }
0x1d: {  	s5 =	simm.s32 @p1 $0x1;
	p0 =	seq.s32 s7, s2  }
0x1e: {  	s7 =	smul.u32 @!p0 $0xF7A, s2;
	p2 =	seq.s32 @!p0 s5, $0x0  }
0x1f: {  	s9 =	smul.u32 $0xF7A, s1;
	s8 =	simm.s32 @!p0 $0x1BF5;
	p2 =	por !p2, p0  }
0x20: {  	[sflag:s8] =	ssyncset.s32 @!p0 $0xFFFFF086;
	s6 =	sadd.s32 @!p0 s3, s7;
	s7 =	simm.s32 @!p0 $0x108  }
0x21: {  	s3 =	sadd.s32 s3, s9;
	s6 =	sadd.s32 @!p0 $0x88, s6;
	s7 =	simm.s32 @p2 $0x1082  }
0x22: {  	[simem:s7], [sflag:s8] =	dma.local @!p0 [hbm:s6], $0xF7A  }
0x23: {  	s9 =	sor.u32 $0xD0000000, s2;
	s6 =	simm.s32 $0x108;
	_ =	swait.ge @!p0 [sflag:s8], $0x0  }
0x24: {  	s3 =	sadd.s32 $0x88, s3;
	s6 =	simm.s32 @!p1 $0x1082;
	[sflag:s4] =	ssyncset.s32 $0xFFFFF086  }
0x25: {  	[simem:s6], [sflag:s4] =	dma.local [hbm:s3], $0xF7A  }
0x26: {  	[smem:$0x3F97] =	sst s1;
	(tag) =	ssettag s2;
	_ =	strace s9  }
0x27: {  	s1 =	sld [smem:$0x3FA7]  }
0x28: {  	s2 =	sld [smem:$0x3FA8]  }
0x29: {  	s4 =	sld [smem:$0x3FAA]  }
0x2a: {  	p0 =	seq.s32 s5, $0x0;
	s5 =	sld [smem:$0x3FAB]  }
0x2b: {  	s6 =	sld [smem:$0x3FAC]  }
0x2c: {  	s7 =	sld [smem:$0x3FAD]  }
0x2d: {  	s3 =	simm.s32 $0x108;
	s8 =	sld [smem:$0x3FAE]  }
0x2e: {  	s3 =	simm.s32 @!p0 $0x1082;
	s9 =	sld [smem:$0x3FAF]  }
0x2f: {  	lr =	sadd.s32 s0, s3;
	s0 =	sld [smem:$0x3FA6]  }
0x30: {  	s3 =	sld [smem:$0x3FA9]  }
0x31: {  	[smem:$0x3FB2] =	sst s10  }
0x32: {  	s10 =	sld [smem:$0x3FB0];
	_ =	sdelay $0x3  }
0x33: {  	p0 =	seq.s32 s10, $0x1;
	s10 =	sld [smem:$0x3FB2];
	_ =	sdelay $0x3  }
0x34: {  	[smem:$0x3FB2] =	sst s10  }
0x35: {  	s10 =	sld [smem:$0x3FB1];
	_ =	sdelay $0x3  }
0x36: {  	p1 =	seq.s32 s10, $0x1;
	s10 =	sld [smem:$0x3FB2];
	_ =	sdelay $0x3  }
0x37: {  	[smem:$0x3FB2] =	sst s10  }
0x38: {  	s10 =	sld [smem:$0x3FB3]  }
0x39: {  	_ = 	snop;
	(pc) =	sbr.ind lr, $3  }
0x3a: {  	_ = 	snop  }
0x3b: {  	_ = 	snop  }
0x3c: {  	p2 =	seq.s32 s10, $0x1;
	s10 =	sld [smem:$0x3FB2]  }
0x3d: {  	_ =	shalt  }
0x3e: {  	_ =	shalt  }
0x3f: {  	_ =	shalt  }
0x40: {  	_ =	shalt  }
0x41: {  	_ =	shalt  }
0x42: {  	_ =	shalt  }
0x43: {  	_ =	shalt  }
0x44: {  	_ =	shalt  }
0x45: {  	_ =	shalt  }
0x46: {  	_ =	shalt  }
0x47: {  	_ =	shalt  }
0x48: {  	_ =	shalt  }
0x49: {  	_ =	shalt  }
0x4a: {  	_ =	shalt  }
0x4b: {  	_ =	shalt  }
0x4c: {  	_ =	shalt  }
0x4d: {  	_ =	shalt  }
0x4e: {  	_ =	shalt  }
0x4f: {  	_ =	shalt  }
0x50: {  	_ =	shalt  }
0x51: {  	_ =	shalt  }
0x52: {  	_ =	shalt  }
0x53: {  	_ =	shalt  }
0x54: {  	_ =	shalt  }
0x55: {  	_ =	shalt  }
0x56: {  	_ =	shalt  }
0x57: {  	_ =	shalt  }
0x58: {  	_ =	shalt  }
0x59: {  	_ =	shalt  }
0x5a: {  	_ =	shalt  }
0x5b: {  	_ =	shalt  }
0x5c: {  	_ =	shalt  }
0x5d: {  	_ =	shalt  }
0x5e: {  	_ =	shalt  }
0x5f: {  	_ =	shalt  }
0x60: {  	_ =	shalt  }
0x61: {  	_ =	shalt  }
0x62: {  	_ =	shalt  }
0x63: {  	_ =	shalt  }
0x64: {  	_ =	shalt  }
0x65: {  	_ =	shalt  }
0x66: {  	_ =	shalt  }
0x67: {  	_ =	shalt  }
0x68: {  	_ =	shalt  }
0x69: {  	_ =	shalt  }
0x6a: {  	_ =	shalt  }
0x6b: {  	_ =	shalt  }
0x6c: {  	_ =	shalt  }
0x6d: {  	_ =	shalt  }
0x6e: {  	_ =	shalt  }
0x6f: {  	_ =	shalt  }
0x70: {  	_ =	shalt  }
0x71: {  	_ =	shalt  }
0x72: {  	_ =	shalt  }
0x73: {  	_ =	shalt  }
0x74: {  	_ =	shalt  }
0x75: {  	_ =	shalt  }
0x76: {  	_ =	shalt  }
0x77: {  	_ =	shalt  }
0x78: {  	_ =	shalt  }
0x79: {  	_ =	shalt  }
0x7a: {  	_ =	shalt  }
0x7b: {  	_ =	shalt  }
0x7c: {  	_ =	shalt  }
0x7d: {  	_ =	shalt  }
0x7e: {  	_ =	shalt  }
0x7f: {  	_ =	shalt  }
0x80: {  	_ =	shalt  }
0x81: {  	_ =	shalt  }
0x82: {  	_ =	shalt  }
0x83: {  	_ =	shalt  }
0x84: {  	_ =	shalt  }
0x85: {  	_ =	shalt  }
0x86: {  	_ =	shalt  }
0x87: {  	_ =	shalt  }
.Lfunc_end0:
.L_simem_size_0:
called_computation.4_lowered:
.L_overlay_start_0:
0x88: {  	s2 =	sld [smem:$0x3FD9]  }
0x89: {  	s3 =	sld [smem:$0x3FFE];
	_ =	sdelay $0x1  }
0x8a: {  	s1 =	srdreg.scid  }
0x8b: {  	s0 =	sand.u32 $0x1, s1  }
0x8c: {  	s17 =	sshll.u32 s0, $0xA;
	s2 =	sadd.s32 s3, s2  }
0x8d: {  	s2 =	sadd.s32 s2, s17  }
0x8e: {  	[smem:$0x3FBE] =	sst s2  }
0x8f: {  	_ = 	snop  }
0x90: {  	(tm) =	ssettm $0x1  }
0x91: {  	s18 =	sld [smem:$0x3FFB];
	_ =	sdelay $0x3  }
0x92: {  	_ =	strace s18  }
0x93: {  	s2 =	sld [smem:$0x3FFC];
	_ =	sdelay $0x3  }
0x94: {  	_ =	strace s2  }
0x95: {  	s2 =	sld [smem:$0x3FFD];
	_ =	sdelay $0x3  }
0x96: {  	_ =	strace s2  }
0x97: {  	_ =	strace $0x8FFFFFFF  }
0x98: {  	s19 =	sld [smem:$0x3FDB];
	_ =	sdelay $0x1  }
0x99: {  	s20 =	simm.s32 $_scs_section_size  }
0x9a: {  	s4 =	simm.s32 $_size__tile_overlayer_lowered;
	s5 =	simm.s32 $_tile_overlayer_lowered  }
0x9b: {  	s6 =	simm.s32 $0x1BFF;
	s21 =	sshll.u32 s5, $0x1;
	s3 =	sadd.s32 s20, s19  }
0x9c: {  	s22 =	simm.s32 $0x0;
	s4 =	sshll.u32 s4, $0x1;
	s5 =	sadd.s32 s21, s3  }
0x9d: {  	[timem:s22], [sflag:s6] =	dma.local [hbm:s5], s4  }
0x9e: {  	_ =	swait.ge [sflag:s6], s4  }
0x9f: {  	s4 =	ssub.s32 $0x0, s4;
	[sflag:s6] =	ssyncset.done $0x0  }
0xa0: {  	[sflag:s6] =	ssyncadd.s32 s4;
	_ =	sdelay $0x1  }
0xa1: {  	s23 =	simm.s32 $0x1B8B  }
0xa2: {  	_ =	swait.ge [sflag:s23], $0x1  }
0xa3: {  	[sflag:s23] =	ssyncset.done $0x0  }
0xa4: {  	[sflag:s23] =	ssyncadd.s32 $0xFFFFFFFF  }
0xa5: {  	s4 =	sld [smem:$0x0]  }
0xa6: {  	s5 =	sand.u32 $0xFFFFFFFE, s1  }
0xa7: {  	p0 =	sne.s32 s1, s5  }
0xa8: {  	s5 =	sshll.u32 @p0 s5, $0xE  }
0xa9: {  	s5 =	sadd.s32 @p0 $0x11B8D, s5;
	s6 =	sshll.u32 @p0 s4, $0x11  }
0xaa: {  	s5 =	sor.u32 @p0 s6, s5  }
0xab: {  	[sflag:s5] =	ssyncadd.remote.s32 @p0 $0x1;
	_ =	sdelay $0x1  }
0xac: {  	s5 =	simm.s32 @p0 $0x1B8D  }
0xad: {  	_ =	swait.eq @p0 [sflag:s5], $0x1  }
0xae: {  	[sflag:s5] =	ssyncadd.s32 @p0 $0xFFFFFFFF  }
0xaf: {  	s6 =	sshll.u32 @!p0 s1, $0xE  }
0xb0: {  	s6 =	sor.u32 @!p0 $0x4000, s6;
	s5 =	simm.s32 @!p0 $0x1B8D  }
0xb1: {  	s4 =	sshll.u32 @!p0 s4, $0x11;
	s6 =	sadd.s32 @!p0 $0x11B8D, s6;
	_ =	swait.eq @!p0 [sflag:s5], $0x1  }
0xb2: {  	s4 =	sor.u32 @!p0 s4, s6;
	[sflag:s5] =	ssyncadd.s32 @!p0 $0xFFFFFFFF  }
0xb3: {  	s25 =	simm.s32 $0x1B8E;
	s24 =	sld [smem:$0x3FFE];
	[sflag:s4] =	ssyncadd.remote.s32 @!p0 $0x1  }
0xb4: {  	s26 =	simm.s32 $execute0_lowered;
	[smem:$0x3FD2] =	sst s25  }
0xb5: {  	s5 =	sshll.u32 s26, $0x1;
	_ =	strace $0x80000052;
	[dreg:$0x1] =	wrdreg $0xFFFFFFFF  }
0xb6: {  	s28 =	simm.s32 $_size_execute0_lowered;
	s3 =	sadd.s32 s3, s5;
	[dreg:$0x0] =	wrdreg $0x0  }
0xb7: {  	s5 =	sshll.u32 s28, $0x1;
	[dreg:$0x2] =	wrdreg s3  }
0xb8: {  	[dreg:$0x3] =	wrdreg s5  }
0xb9: {  	[dreg:$0x4] =	wrdreg $0xC0  }
0xba: {  	_ =	task [dreg:s22], $0x5FFFF  }
0xbb: {  	[dreg:$0x1] =	wrdreg $0xFFFFFFFF  }
0xbc: {  	[dreg:$0x0] =	wrdreg $0x60  }
0xbd: {  	[dreg:$0x2] =	wrdreg s24  }
0xbe: {  	[dreg:$0x3] =	wrdreg $0xA  }
0xbf: {  	_ =	task.clear_ibuf [dreg:s22], $0x4FFFF;
	_ =	strace $0x90000052  }
0xc0: {  	s29 =	simm.s32 $0xA;
	_ =	strace $0x80000054  }
0xc1: {  	_ =	swait.ge [sflag:s29], $0x1  }
0xc2: {  	[sflag:s29] =	ssyncadd.s32 $0xFFFFFFFF  }
0xc3: {  	_ =	strace $0x90000054  }
0xc4: {  	_ =	sfence  }
0xc5: {  	s30 =	sld [smem:$0x0];
	_ =	sdelay $0x2  }
0xc6: {  	s31 =	sshll.u32 s1, $0xD;
	s1 =	sshrl.u32 s1, $0x2  }
0xc7: {  	s4 =	sand.u32 $0x4000, s31;
	s1 =	sadd.s32 s1, s30  }
0xc8: {  	s0 =	sor.u32 s4, s0;
	s1 =	sshll.u32 s1, $0x11  }
0xc9: {  	s0 =	sor.u32 s1, s0  }
0xca: {  	s0 =	sadd.s32 $0x8F2B, s0  }
0xcb: {  	[sflag:s0] =	ssyncadd.remote.s32 $0x1  }
0xcc: {  	_ =	sfence.sel $0xFFFF  }
0xcd: {  	[dreg:$0x0] =	wrdreg $0xFFFFFFFF;
	(pc) =	sbr.abs _section_cstart, $3  }
0xce: {  	[dreg:$0x1] =	wrdreg $0xFFFFFFFF  }
0xcf: {  	_ =	task.clear_ibuf [dreg:s22], $0x2FFFF;
	_ =	strace $0x9FFFFFFF  }
0xd0: {  	(tm) =	ssettm $0x7FFFFFFF  }
0xd1: {  	_ =	shalt  }
tec
execute0_lowered:
.L_overlay_start_1:
0x0: {  	(tag) =	ssettag $0x1  }
0x1: {  	s0 =	rddreg [dreg:$0x0];
	s1 =	simm.s32 $0x0  }
0x2: {  	s2 =	srdreg.scid;
	s6 =	stileid.u32;
	s17 =	simm.s32 $0x1  }
0x3: {  	s18 =	simm.s32 $0x4000;
	s19 =	simm.s32 $0x8000;
	s20 =	simm.s32 $0xC000  }
0x4: {  	s21 =	simm.s32 $0x10000;
	s22 =	simm.s32 $0x14000;
	s24 =	simm.s32 $0x18800  }
0x5: {  	s25 =	simm.s32 $0x19000;
	s28 =	simm.s32 $0x1A000;
	s29 =	simm.s32 $0x1A800  }
0x6: {  	s30 =	simm.s32 $0x1B000;
	s31 =	simm.s32 $0x0;
	[smem:$0x7FF] =	sst s1  }
0x7: {  	s3 =	sadd.s32 $0xA3000, s0;
	s4 =	sadd.s32 $0xA2800, s0;
	s2 =	sand.u32 $0x1, s2  }
0x8: {  	s5 =	sadd.s32 $0xA2000, s0;
	s7 =	sshll.u32 s6, $0x9;
	s6 =	sadd.s32 $0x51800, s0  }
0x9: {  	_ =	strace $0x80000053;
	s8 =	sshll.u32 s2, $0x8;
	s2 =	ssub.s32 $0x2, s2  }
0xa: {  	s8 =	sor.u32 s8, s7;
	s7 =	sadd.s32 $0x1000, s0;
	s9 =	sshrl.u32 s2, $0x1  }
0xb: {  	s15 =	sadd.s32 s8, s0;
	s8 =	sadd.s32 $0x800, s0;
	s26 =	ssub.s32 s2, s9  }
0xc: {  	s9 =	sadd.s32 $0x1800, s15;
	s10 =	sadd.s32 $0xB800, s15;
	s11 =	sadd.s32 $0xD800, s15  }
0xd: {  	s12 =	sadd.s32 $0x3800, s15;
	s13 =	sadd.s32 $0x5800, s15;
	s14 =	sadd.s32 $0x7800, s15  }
0xe: {  	s15 =	sadd.s32 $0x9800, s15;
	s16 =	smax.u32 s26, $0x1;
	s26 =	simm.s32 $0x19800  }
.LBB2_1:
0xf: {  	[tilespmem:s1], [sflag:$0x1] =	stream.linear.gather [hbm4b:s3+s1], $0x4000, $0x38;
	[tilespmem:$0x1B800] =	vst v63  }
0x10: {  	_ =	swait.ge [sflag:s17], $0x4000  }
0x11: {  	[sflag:s17] =	ssyncset.done $0x0  }
0x12: {  	[sflag:s17] =	ssyncadd.s32 $0xFFFFC000  }
0x13: {  	[tilespmem:s18], [sflag:$0x1] =	stream.linear.gather [hbm4b:s4+s1], $0x4000, $0x38;
	[tilespmem:$0x1B800] =	vst v63  }
0x14: {  	_ =	swait.ge [sflag:s17], $0x4000  }
0x15: {  	[sflag:s17] =	ssyncset.done $0x0  }
0x16: {  	[sflag:s17] =	ssyncadd.s32 $0xFFFFC000  }
0x17: {  	[tilespmem:s19], [sflag:$0x1] =	stream.linear.gather [hbm4b:s5+s1], $0x4000, $0x38;
	[tilespmem:$0x1B800] =	vst v63  }
0x18: {  	_ =	swait.ge [sflag:s17], $0x4000  }
0x19: {  	[sflag:s17] =	ssyncset.done $0x0  }
0x1a: {  	[sflag:s17] =	ssyncadd.s32 $0xFFFFC000  }
0x1b: {  	[tilespmem:s20], [sflag:$0x1] =	stream.linear.gather [hbm4b:s6+s1], $0x4000, $0x38;
	[tilespmem:$0x1B800] =	vst v63  }
0x1c: {  	_ =	swait.ge [sflag:s17], $0x4000  }
0x1d: {  	[sflag:s17] =	ssyncset.done $0x0  }
0x1e: {  	[sflag:s17] =	ssyncadd.s32 $0xFFFFC000  }
0x1f: {  	[tilespmem:s21], [sflag:$0x1] =	stream.linear.gather [hbm4b:s7+s1], $0x4000, $0x38;
	[tilespmem:$0x1B800] =	vst v63  }
0x20: {  	_ =	swait.ge [sflag:s17], $0x4000  }
0x21: {  	[sflag:s17] =	ssyncset.done $0x0  }
0x22: {  	[sflag:s17] =	ssyncadd.s32 $0xFFFFC000  }
0x23: {  	[tilespmem:s22], [sflag:$0x1] =	stream.linear.gather [hbm4b:s8+s1], $0x4000, $0x38;
	[tilespmem:$0x1B800] =	vst v63  }
0x24: {  	_ =	swait.ge [sflag:s17], $0x4000  }
0x25: {  	[sflag:s17] =	ssyncset.done $0x0  }
0x26: {  	s0 =	simm.s32 $0x18000;
	[sflag:s17] =	ssyncadd.s32 $0xFFFFC000  }
0x27: {  	[tilespmem:s0], [sflag:$0x1] =	stream.linear.gather [hbm4b:s9+s1], $0x800, $0x38;
	[tilespmem:$0x1B800] =	vst v63  }
0x28: {  	_ =	swait.ge [sflag:s17], $0x800  }
0x29: {  	[sflag:s17] =	ssyncset.done $0x0  }
0x2a: {  	s0 =	simm.s32 $0x0;
	[sflag:s17] =	ssyncadd.s32 $0xFFFFF800  }
0x2b: {  	v0 =	vld [tilespmem:s0+$0x18000];
	_ =	sdelay $0x7  }
0x2c: {  	v1 =	vld.idx.msk [tilespmem:v0+s1+$0x0], $0xffff;
	_ =	sdelay $0x4  }
0x2d: {  	[tilespmem:s0+$0x18800] =	vst v1  }
0x2e: {  	v1 =	vld.idx.msk [tilespmem:v0+s18+$0x0], $0xffff;
	_ =	sdelay $0x4  }
0x2f: {  	[tilespmem:s0+$0x19000] =	vst v1  }
0x30: {  	v1 =	vld.idx.msk [tilespmem:v0+s19+$0x0], $0xffff;
	_ =	sdelay $0x4  }
0x31: {  	[tilespmem:s0+$0x19800] =	vst v1  }
0x32: {  	v1 =	vld.idx.msk [tilespmem:v0+s20+$0x0], $0xffff;
	_ =	sdelay $0x4  }
0x33: {  	[tilespmem:s0+$0x1A000] =	vst v1  }
0x34: {  	v1 =	vld.idx.msk [tilespmem:v0+s21+$0x0], $0xffff;
	_ =	sdelay $0x3  }
0x35: {  	s23 =	simm.s32 $0x10;
	s2 =	simm.s32 $0x80  }
.LBB2_2:
0x36: {  	p0 =	sne.s32 s2, $0x1FC0;
	v2 =	vld [tilespmem:s23+$0x18000];
	[tilespmem:s0+$0x1A800] =	vst v1  }
0x37: {  	v1 =	vld.idx.msk [tilespmem:v0+s22+$0x0], $0xffff;
	_ =	sdelay $0x3  }
0x38: {  	v0 =	vmov v2;
	_ =	sdelay $0x1  }
0x39: {  	[tilespmem:s0+$0x1B000] =	vst v1;
	s0 =	smov.u32 s23  }
0x3a: {  	v1 =	vld.idx.msk [tilespmem:v2+s1+$0x0], $0xffff;
	_ =	sdelay $0x5  }
0x3b: {  	[tilespmem:s0+$0x18800] =	vst v1  }
0x3c: {  	v1 =	vld.idx.msk [tilespmem:v2+s18+$0x0], $0xffff;
	_ =	sdelay $0x5  }
0x3d: {  	[tilespmem:s0+$0x19000] =	vst v1  }
0x3e: {  	v1 =	vld.idx.msk [tilespmem:v2+s19+$0x0], $0xffff;
	_ =	sdelay $0x5  }
0x3f: {  	[tilespmem:s0+$0x19800] =	vst v1  }
0x40: {  	v1 =	vld.idx.msk [tilespmem:v2+s20+$0x0], $0xffff;
	_ =	sdelay $0x5  }
0x41: {  	[tilespmem:s0+$0x1A000] =	vst v1  }
0x42: {  	v1 =	vld.idx.msk [tilespmem:v2+s21+$0x0], $0xffff  }
.Ltmp0:
0x43: {  	(pc) =	sbr.rel @p0 .LBB2_2-.Ltmp0, $2  }
0x44: {  	_ =	sdelay $0x2  }
0x45: {  	s23 =	sshra.s32 s2, $0x2;
	s2 =	sadd.s32 $0x40, s2  }
0x46: {  	_ =	sdelay $0x1  }
0x47: {  	v2 =	vld [tilespmem:s23+$0x18000]  }
0x48: {  	[tilespmem:s0+$0x1A800] =	vst v1  }
0x49: {  	v0 =	vld.idx.msk [tilespmem:v0+s22+$0x0], $0xffff;
	_ =	sdelay $0x4  }
0x4a: {  	[tilespmem:s0+$0x1B000] =	vst v0  }
0x4b: {  	v0 =	vld.idx.msk [tilespmem:v2+s1+$0x0], $0xffff;
	_ =	sdelay $0x4  }
0x4c: {  	[tilespmem:s23+$0x18800] =	vst v0  }
0x4d: {  	v0 =	vld.idx.msk [tilespmem:v2+s18+$0x0], $0xffff;
	_ =	sdelay $0x4  }
0x4e: {  	[tilespmem:s23+$0x19000] =	vst v0  }
0x4f: {  	v0 =	vld.idx.msk [tilespmem:v2+s19+$0x0], $0xffff;
	_ =	sdelay $0x4  }
0x50: {  	[tilespmem:s23+$0x19800] =	vst v0  }
0x51: {  	v0 =	vld.idx.msk [tilespmem:v2+s20+$0x0], $0xffff;
	_ =	sdelay $0x4  }
0x52: {  	[tilespmem:s23+$0x1A000] =	vst v0  }
0x53: {  	v0 =	vld.idx.msk [tilespmem:v2+s21+$0x0], $0xffff;
	_ =	sdelay $0x4  }
0x54: {  	[tilespmem:s23+$0x1A800] =	vst v0  }
0x55: {  	v0 =	vld.idx.msk [tilespmem:v2+s22+$0x0], $0xffff;
	_ =	sdelay $0x4  }
0x56: {  	[tilespmem:s23+$0x1B000] =	vst v0  }
0x57: {  	[hbm4b:s10+s1] =	stream.linear.scatter [tilespmem:s24], [sflag:$0x1], $0x800, $0x38;
	[tilespmem:$0x1B800] =	vst v63  }
0x58: {  	_ =	swait.ge [sflag:s17], $0x800  }
0x59: {  	[sflag:s17] =	ssyncset.done $0x0  }
0x5a: {  	[sflag:s17] =	ssyncadd.s32 $0xFFFFF800  }
0x5b: {  	[hbm4b:s11+s1] =	stream.linear.scatter [tilespmem:s25], [sflag:$0x1], $0x800, $0x38;
	[tilespmem:$0x1B800] =	vst v63  }
0x5c: {  	_ =	swait.ge [sflag:s17], $0x800  }
0x5d: {  	[sflag:s17] =	ssyncset.done $0x0  }
0x5e: {  	[sflag:s17] =	ssyncadd.s32 $0xFFFFF800  }
0x5f: {  	[hbm4b:s12+s1] =	stream.linear.scatter [tilespmem:s26], [sflag:$0x1], $0x800, $0x38;
	[tilespmem:$0x1B800] =	vst v63  }
0x60: {  	_ =	swait.ge [sflag:s17], $0x800  }
0x61: {  	[sflag:s17] =	ssyncset.done $0x0  }
0x62: {  	[sflag:s17] =	ssyncadd.s32 $0xFFFFF800  }
0x63: {  	[hbm4b:s13+s1] =	stream.linear.scatter [tilespmem:s28], [sflag:$0x1], $0x800, $0x38;
	[tilespmem:$0x1B800] =	vst v63  }
0x64: {  	_ =	swait.ge [sflag:s17], $0x800  }
0x65: {  	[sflag:s17] =	ssyncset.done $0x0  }
0x66: {  	[sflag:s17] =	ssyncadd.s32 $0xFFFFF800  }
0x67: {  	[hbm4b:s14+s1] =	stream.linear.scatter [tilespmem:s29], [sflag:$0x1], $0x800, $0x38;
	[tilespmem:$0x1B800] =	vst v63  }
0x68: {  	s31 =	sadd.s32 $0x1, s31;
	_ =	swait.ge [sflag:s17], $0x800  }
0x69: {  	p0 =	sne.s32 s31, s16;
	[sflag:s17] =	ssyncset.done $0x0  }
.Ltmp1:
0x6a: {  	[sflag:s17] =	ssyncadd.s32 $0xFFFFF800;
	(pc) =	sbr.rel @p0 .LBB2_1-.Ltmp1, $4  }
0x6b: {  	[hbm4b:s15+s1] =	stream.linear.scatter [tilespmem:s30], [sflag:$0x1], $0x800, $0x38;
	[tilespmem:$0x1B800] =	vst v63  }
0x6c: {  	_ =	swait.ge [sflag:s17], $0x800  }
0x6d: {  	[sflag:s17] =	ssyncset.done $0x0  }
0x6e: {  	[sflag:s17] =	ssyncadd.s32 $0xFFFFF800  }
0x6f: {  	_ =	sfence.sel $0x180000  }
0x70: {  	[bflag:$0x0] =	sbarrier.arrive $0xFFFF  }
0x71: {  	_ =	strace $0x90000053  }
0x72: {  	s0 =	stileid.u32;
	[bflag:$0x2] =	sbarrier.arrive $0xFFFF  }
0x73: {  	p0 =	sne.s32 s0, $0x0;
	s0 =	rddreg [dreg:$0x1]  }
0x74: {  	s0 =	sadd.s32 @!p0 $0x100000, s0  }
0x75: {  	[sflag:s0] =	ssyncadd.tile.s32 @!p0 $0x1;
	_ =	shalt  }
.Lfunc_end2:
_tile_overlayer_lowered:
.L_overlay_start_2:
0x76: {  	(tag) =	ssettag $0x2  }
0x77: {  	s0 =	rddreg [dreg:$0x0];
	s2 =	stileid.u32  }
0x78: {  	s1 =	rddreg [dreg:$0x1];
	p0 =	sne.s32 s2, $0x0  }
0x79: {  	s3 =	rddreg [dreg:$0x2];
	[bflag:$0x3] =	sbarrier.arrive $0xFFFF;
	s2 =	simm.s32 @!p0 $0x1C01  }
0x7a: {  	[timem:s3], [sflag:s2] =	dma.local @!p0 [hbm:s0], s1  }
0x7b: {  	s0 =	simm.s32 @!p0 $0x1  }
0x7c: {  	_ =	swait.ge @!p0 [sflag:s0], s1  }
0x7d: {  	s1 =	ssub.s32 @!p0 $0x0, s1;
	[sflag:s0] =	ssyncset.done @!p0 $0x0  }
0x7e: {  	[sflag:s0] =	ssyncadd.s32 @!p0 s1  }
0x7f: {  	[bflag:$0x3] =	sbarrier.arrive $0xFFFF  }
0x80: {  	_ =	shalt  }

// kernel: kernel.9.cloned.1.call-start
scs
__scs_entry_jumppad:
0x0: {  	(pc) =	sbr.rel $0x88, $3  }
0x1: {  	(tag) =	ssettag $0x0;
	lr =	simm.s32 $0x1  }
0x2: {  	[smem:$0x3F97] =	sst lr;
	_ =	strace $0xD0000000  }
0x3: {  	_ = 	snop  }
0x4: {  	_ = 	snop  }
0x5: {  	_ = 	snop  }
0x6: {  	_ = 	snop  }
0x7: {  	_ = 	snop  }
__scs_overlays_trampoline_lowered:
0x8: {  	[smem:$0x3FA6] =	sst s0  }
0x9: {  	[smem:$0x3FA7] =	sst s1  }
0xa: {  	[smem:$0x3FA8] =	sst s2  }
0xb: {  	[smem:$0x3FA9] =	sst s3  }
0xc: {  	[smem:$0x3FAA] =	sst s4  }
0xd: {  	[smem:$0x3FAB] =	sst s5  }
0xe: {  	[smem:$0x3FAC] =	sst s6  }
0xf: {  	[smem:$0x3FAD] =	sst s7  }
0x10: {  	[smem:$0x3FAE] =	sst s8  }
0x11: {  	[smem:$0x3FAF] =	sst s9;
	s0 =	simm.s32 @!p0 $0x0  }
0x12: {  	s1 =	sld [smem:$0x3F95];
	s0 =	simm.s32 @p0 $0x1  }
0x13: {  	[smem:$0x3FB0] =	sst s0;
	s0 =	simm.s32 @!p1 $0x0  }
0x14: {  	s2 =	sld [smem:$0x3F94];
	s0 =	simm.s32 @p1 $0x1  }
0x15: {  	[smem:$0x3FB1] =	sst s0;
	s0 =	simm.s32 @!p2 $0x0  }
0x16: {  	s3 =	sld [smem:$0x3FDB];
	s0 =	simm.s32 @p2 $0x1  }
0x17: {  	s4 =	simm.s32 $0x1BF5;
	[smem:$0x3FB3] =	sst s0  }
0x18: {  	s0 =	sld [smem:$0x3F96];
	_ =	swait.ge [sflag:s4], $0x0  }
0x19: {  	s7 =	sld [smem:$0x3F97]  }
0x1a: {  	s8 =	sadd.s32 $0xFFFFE003, lr  }
0x1b: {  	s9 =	sadd.s32 $0xFFFFFEF7, lr;
	s5 =	simm.s32 $0xFFFFFFFF;
	p2 =	slt.u32 s8, $0xFFFFF086  }
0x1c: {  	p1 =	slt.u32 s9, $0xF7A;
	s5 =	simm.s32 @!p2 $0x0  }
0x1d: {  	s5 =	simm.s32 @p1 $0x1;
	p0 =	seq.s32 s7, s2  }
0x1e: {  	s7 =	smul.u32 @!p0 $0xF7A, s2;
	p2 =	seq.s32 @!p0 s5, $0x0  }
0x1f: {  	s9 =	smul.u32 $0xF7A, s1;
	s8 =	simm.s32 @!p0 $0x1BF5;
	p2 =	por !p2, p0  }
0x20: {  	[sflag:s8] =	ssyncset.s32 @!p0 $0xFFFFF086;
	s6 =	sadd.s32 @!p0 s3, s7;
	s7 =	simm.s32 @!p0 $0x108  }
0x21: {  	s3 =	sadd.s32 s3, s9;
	s6 =	sadd.s32 @!p0 $0x88, s6;
	s7 =	simm.s32 @p2 $0x1082  }
0x22: {  	[simem:s7], [sflag:s8] =	dma.local @!p0 [hbm:s6], $0xF7A  }
0x23: {  	s9 =	sor.u32 $0xD0000000, s2;
	s6 =	simm.s32 $0x108;
	_ =	swait.ge @!p0 [sflag:s8], $0x0  }
0x24: {  	s3 =	sadd.s32 $0x88, s3;
	s6 =	simm.s32 @!p1 $0x1082;
	[sflag:s4] =	ssyncset.s32 $0xFFFFF086  }
0x25: {  	[simem:s6], [sflag:s4] =	dma.local [hbm:s3], $0xF7A  }
0x26: {  	[smem:$0x3F97] =	sst s1;
	(tag) =	ssettag s2;
	_ =	strace s9  }
0x27: {  	s1 =	sld [smem:$0x3FA7]  }
0x28: {  	s2 =	sld [smem:$0x3FA8]  }
0x29: {  	s4 =	sld [smem:$0x3FAA]  }
0x2a: {  	p0 =	seq.s32 s5, $0x0;
	s5 =	sld [smem:$0x3FAB]  }
0x2b: {  	s6 =	sld [smem:$0x3FAC]  }
0x2c: {  	s7 =	sld [smem:$0x3FAD]  }
0x2d: {  	s3 =	simm.s32 $0x108;
	s8 =	sld [smem:$0x3FAE]  }
0x2e: {  	s3 =	simm.s32 @!p0 $0x1082;
	s9 =	sld [smem:$0x3FAF]  }
0x2f: {  	lr =	sadd.s32 s0, s3;
	s0 =	sld [smem:$0x3FA6]  }
0x30: {  	s3 =	sld [smem:$0x3FA9]  }
0x31: {  	[smem:$0x3FB2] =	sst s10  }
0x32: {  	s10 =	sld [smem:$0x3FB0];
	_ =	sdelay $0x3  }
0x33: {  	p0 =	seq.s32 s10, $0x1;
	s10 =	sld [smem:$0x3FB2];
	_ =	sdelay $0x3  }
0x34: {  	[smem:$0x3FB2] =	sst s10  }
0x35: {  	s10 =	sld [smem:$0x3FB1];
	_ =	sdelay $0x3  }
0x36: {  	p1 =	seq.s32 s10, $0x1;
	s10 =	sld [smem:$0x3FB2];
	_ =	sdelay $0x3  }
0x37: {  	[smem:$0x3FB2] =	sst s10  }
0x38: {  	s10 =	sld [smem:$0x3FB3]  }
0x39: {  	_ = 	snop;
	(pc) =	sbr.ind lr, $3  }
0x3a: {  	_ = 	snop  }
0x3b: {  	_ = 	snop  }
0x3c: {  	p2 =	seq.s32 s10, $0x1;
	s10 =	sld [smem:$0x3FB2]  }
0x3d: {  	_ =	shalt  }
0x3e: {  	_ =	shalt  }
0x3f: {  	_ =	shalt  }
0x40: {  	_ =	shalt  }
0x41: {  	_ =	shalt  }
0x42: {  	_ =	shalt  }
0x43: {  	_ =	shalt  }
0x44: {  	_ =	shalt  }
0x45: {  	_ =	shalt  }
0x46: {  	_ =	shalt  }
0x47: {  	_ =	shalt  }
0x48: {  	_ =	shalt  }
0x49: {  	_ =	shalt  }
0x4a: {  	_ =	shalt  }
0x4b: {  	_ =	shalt  }
0x4c: {  	_ =	shalt  }
0x4d: {  	_ =	shalt  }
0x4e: {  	_ =	shalt  }
0x4f: {  	_ =	shalt  }
0x50: {  	_ =	shalt  }
0x51: {  	_ =	shalt  }
0x52: {  	_ =	shalt  }
0x53: {  	_ =	shalt  }
0x54: {  	_ =	shalt  }
0x55: {  	_ =	shalt  }
0x56: {  	_ =	shalt  }
0x57: {  	_ =	shalt  }
0x58: {  	_ =	shalt  }
0x59: {  	_ =	shalt  }
0x5a: {  	_ =	shalt  }
0x5b: {  	_ =	shalt  }
0x5c: {  	_ =	shalt  }
0x5d: {  	_ =	shalt  }
0x5e: {  	_ =	shalt  }
0x5f: {  	_ =	shalt  }
0x60: {  	_ =	shalt  }
0x61: {  	_ =	shalt  }
0x62: {  	_ =	shalt  }
0x63: {  	_ =	shalt  }
0x64: {  	_ =	shalt  }
0x65: {  	_ =	shalt  }
0x66: {  	_ =	shalt  }
0x67: {  	_ =	shalt  }
0x68: {  	_ =	shalt  }
0x69: {  	_ =	shalt  }
0x6a: {  	_ =	shalt  }
0x6b: {  	_ =	shalt  }
0x6c: {  	_ =	shalt  }
0x6d: {  	_ =	shalt  }
0x6e: {  	_ =	shalt  }
0x6f: {  	_ =	shalt  }
0x70: {  	_ =	shalt  }
0x71: {  	_ =	shalt  }
0x72: {  	_ =	shalt  }
0x73: {  	_ =	shalt  }
0x74: {  	_ =	shalt  }
0x75: {  	_ =	shalt  }
0x76: {  	_ =	shalt  }
0x77: {  	_ =	shalt  }
0x78: {  	_ =	shalt  }
0x79: {  	_ =	shalt  }
0x7a: {  	_ =	shalt  }
0x7b: {  	_ =	shalt  }
0x7c: {  	_ =	shalt  }
0x7d: {  	_ =	shalt  }
0x7e: {  	_ =	shalt  }
0x7f: {  	_ =	shalt  }
0x80: {  	_ =	shalt  }
0x81: {  	_ =	shalt  }
0x82: {  	_ =	shalt  }
0x83: {  	_ =	shalt  }
0x84: {  	_ =	shalt  }
0x85: {  	_ =	shalt  }
0x86: {  	_ =	shalt  }
0x87: {  	_ =	shalt  }
.Lfunc_end0:
.L_simem_size_0:
called_computation.5_lowered:
.L_overlay_start_0:
0x88: {  	s2 =	sld [smem:$0x3FD9]  }
0x89: {  	s3 =	sld [smem:$0x3FFE];
	_ =	sdelay $0x1  }
0x8a: {  	s1 =	srdreg.scid  }
0x8b: {  	s0 =	sand.u32 $0x1, s1  }
0x8c: {  	s15 =	sshll.u32 s0, $0xA;
	s2 =	sadd.s32 s3, s2  }
0x8d: {  	s2 =	sadd.s32 s2, s15  }
0x8e: {  	[smem:$0x3FBE] =	sst s2  }
0x8f: {  	_ = 	snop  }
0x90: {  	s16 =	sld [smem:$0x3FD0];
	_ =	sdelay $0x2  }
0x91: {  	s4 =	simm.s32 $0xC;
	s5 =	simm.s32 $0x10;
	s2 =	sld [smem:$0x3FC8]  }
0x92: {  	[smem:s5], [sflag:s4] =	dma.local [hbm:s16], $0x1  }
0x93: {  	_ =	swait.eq [sflag:s4], $0x1  }
0x94: {  	[sflag:s4] =	ssyncset.done $0x0  }
0x95: {  	[sflag:s4] =	ssyncadd.s32 $0xFFFFFFFF  }
0x96: {  	s17 =	sld [smem:$0x11];
	(tm) =	ssettm $0x1  }
0x97: {  	s18 =	sld [smem:$0x3FFB];
	_ =	sdelay $0x3  }
0x98: {  	_ =	strace s18  }
0x99: {  	s3 =	sld [smem:$0x3FFC];
	_ =	sdelay $0x3  }
0x9a: {  	_ =	strace s3  }
0x9b: {  	s3 =	sld [smem:$0x3FFD];
	_ =	sdelay $0x3  }
0x9c: {  	_ =	strace s3  }
0x9d: {  	_ =	strace $0x8FFFFFFF  }
0x9e: {  	s19 =	sld [smem:$0x3FDB];
	_ =	sdelay $0x1  }
0x9f: {  	s20 =	simm.s32 $_scs_section_size  }
0xa0: {  	s6 =	simm.s32 $_size__tile_overlayer_lowered;
	s7 =	simm.s32 $_tile_overlayer_lowered  }
0xa1: {  	s8 =	simm.s32 $0x1BFF;
	s21 =	sshll.u32 s7, $0x1;
	s5 =	sadd.s32 s20, s19  }
0xa2: {  	s22 =	simm.s32 $0x0;
	s6 =	sshll.u32 s6, $0x1;
	s7 =	sadd.s32 s21, s5  }
0xa3: {  	[timem:s22], [sflag:s8] =	dma.local [hbm:s7], s6  }
0xa4: {  	_ =	swait.ge [sflag:s8], s6  }
0xa5: {  	s6 =	ssub.s32 $0x0, s6;
	[sflag:s8] =	ssyncset.done $0x0  }
0xa6: {  	[sflag:s8] =	ssyncadd.s32 s6;
	_ =	sdelay $0x1  }
0xa7: {  	s23 =	simm.s32 $0x1B8B  }
0xa8: {  	_ =	swait.ge [sflag:s23], $0x1  }
0xa9: {  	[sflag:s23] =	ssyncset.done $0x0  }
0xaa: {  	[sflag:s23] =	ssyncadd.s32 $0xFFFFFFFF  }
0xab: {  	s6 =	sld [smem:$0x0]  }
0xac: {  	s7 =	sand.u32 $0xFFFFFFFE, s1  }
0xad: {  	p0 =	sne.s32 s1, s7  }
0xae: {  	s7 =	sshll.u32 @p0 s7, $0xE  }
0xaf: {  	s7 =	sadd.s32 @p0 $0x11B8D, s7;
	s8 =	sshll.u32 @p0 s6, $0x11  }
0xb0: {  	s7 =	sor.u32 @p0 s8, s7  }
0xb1: {  	[sflag:s7] =	ssyncadd.remote.s32 @p0 $0x1;
	_ =	sdelay $0x1  }
0xb2: {  	s7 =	simm.s32 @p0 $0x1B8D  }
0xb3: {  	_ =	swait.eq @p0 [sflag:s7], $0x1  }
0xb4: {  	[sflag:s7] =	ssyncadd.s32 @p0 $0xFFFFFFFF  }
0xb5: {  	s8 =	sshll.u32 @!p0 s1, $0xE  }
0xb6: {  	s8 =	sor.u32 @!p0 $0x4000, s8;
	s7 =	simm.s32 @!p0 $0x1B8D  }
0xb7: {  	s6 =	sshll.u32 @!p0 s6, $0x11;
	s8 =	sadd.s32 @!p0 $0x11B8D, s8;
	_ =	swait.eq @!p0 [sflag:s7], $0x1  }
0xb8: {  	s6 =	sor.u32 @!p0 s6, s8;
	[sflag:s7] =	ssyncadd.s32 @!p0 $0xFFFFFFFF  }
0xb9: {  	s25 =	simm.s32 $0x1B8E;
	s24 =	sld [smem:$0x3FFE];
	[sflag:s6] =	ssyncadd.remote.s32 @!p0 $0x1  }
0xba: {  	s26 =	simm.s32 $execute0_lowered;
	[smem:$0x3FD2] =	sst s25  }
0xbb: {  	s7 =	sshll.u32 s26, $0x1;
	_ =	strace $0x80000055;
	[dreg:$0x1] =	wrdreg $0xFFFFFFFF  }
0xbc: {  	s28 =	simm.s32 $_size_execute0_lowered;
	s5 =	sadd.s32 s5, s7;
	[dreg:$0x0] =	wrdreg $0x0  }
0xbd: {  	s7 =	sshll.u32 s28, $0x1;
	[dreg:$0x2] =	wrdreg s5  }
0xbe: {  	[dreg:$0x3] =	wrdreg s7  }
0xbf: {  	[dreg:$0x4] =	wrdreg $0xC0  }
0xc0: {  	_ =	task [dreg:s22], $0x5FFFF  }
0xc1: {  	[dreg:$0x1] =	wrdreg $0xFFFFFFFF  }
0xc2: {  	[dreg:$0x0] =	wrdreg $0x60  }
0xc3: {  	[dreg:$0x2] =	wrdreg s2  }
0xc4: {  	[dreg:$0x3] =	wrdreg s17  }
0xc5: {  	[dreg:$0x4] =	wrdreg s24  }
0xc6: {  	[dreg:$0x5] =	wrdreg $0xB  }
0xc7: {  	_ =	task.clear_ibuf [dreg:s22], $0x6FFFF;
	_ =	strace $0x90000055  }
0xc8: {  	s29 =	simm.s32 $0xB;
	_ =	strace $0x80000057  }
0xc9: {  	_ =	swait.ge [sflag:s29], $0x1  }
0xca: {  	[sflag:s29] =	ssyncadd.s32 $0xFFFFFFFF  }
0xcb: {  	_ =	strace $0x90000057  }
0xcc: {  	_ =	sfence  }
0xcd: {  	s30 =	sld [smem:$0x0];
	_ =	sdelay $0x2  }
0xce: {  	s31 =	sshll.u32 s1, $0xD;
	s1 =	sshrl.u32 s1, $0x2  }
0xcf: {  	s4 =	sand.u32 $0x4000, s31;
	s1 =	sadd.s32 s1, s30  }
0xd0: {  	s0 =	sor.u32 s4, s0;
	s1 =	sshll.u32 s1, $0x11  }
0xd1: {  	s0 =	sor.u32 s1, s0  }
0xd2: {  	s0 =	sadd.s32 $0x8F2B, s0  }
0xd3: {  	[sflag:s0] =	ssyncadd.remote.s32 $0x1  }
0xd4: {  	_ =	sfence.sel $0xFFFF  }
0xd5: {  	[dreg:$0x0] =	wrdreg $0xFFFFFFFF;
	(pc) =	sbr.abs _section_cstart, $3  }
0xd6: {  	[dreg:$0x1] =	wrdreg $0xFFFFFFFF  }
0xd7: {  	_ =	task.clear_ibuf [dreg:s22], $0x2FFFF;
	_ =	strace $0x9FFFFFFF  }
0xd8: {  	(tm) =	ssettm $0x7FFFFFFF  }
0xd9: {  	_ =	shalt  }
tec
execute0_lowered:
.L_overlay_start_1:
0x0: {  	(tag) =	ssettag $0x1  }
0x1: {  	s2 =	rddreg [dreg:$0x0]  }
0x2: {  	s6 =	rddreg [dreg:$0x1]  }
0x3: {  	s4 =	rddreg [dreg:$0x2]  }
0x4: {  	s0 =	rddreg [dreg:$0x3];
	s1 =	stileid.u32  }
0x5: {  	s7 =	srdreg.scid;
	s5 =	smul.u32 $0x11000, s1  }
0x6: {  	s3 =	simm.s32 $0x0;
	s7 =	sand.u32 $0x1, s7;
	s8 =	smul.u32 $0x1100, s1  }
0x7: {  	[smem:$0x7FF] =	sst s3;
	s9 =	ssub.s32 $0x2, s7;
	s10 =	smul.u32 $0x880, s7  }
0x8: {  	s7 =	smul.u32 $0x8800, s7;
	_ =	strace $0x80000056;
	s30 =	sshrl.u32 s9, $0x1  }
0x9: {  	s5 =	sadd.s32 s5, s4;
	s4 =	ssub.s32 s9, s30;
	s8 =	sadd.s32 s10, s8  }
0xa: {  	s5 =	sadd.s32 s7, s5;
	s7 =	simm.s32 $0x2;
	s9 =	simm.s32 $0x1  }
0xb: {  	s10 =	simm.s32 $0x0;
	s4 =	smax.u32 s4, $0x1;
	s31 =	sshrl.u32 s8, $0x3  }
0xc: {  	s5 =	sadd.s32 $0xA3800, s5;
	s8 =	simm.s32 $0x80;
	s6 =	sadd.s32 s31, s6  }
.LBB2_1:
0xd: {  	s11 =	sadd.s32 $0x0, s6  }
0xe: {  	[tilespmem:s3], [sflag:$0x2] =	stream.linear.gather [hbm4b:s11+s3], $0x80, $0x38;
	[tilespmem:$0x4080] =	vst v63  }
0xf: {  	_ =	swait.ge [sflag:s7], $0x80  }
0x10: {  	[sflag:s7] =	ssyncset.done $0x0  }
0x11: {  	[sflag:s7] =	ssyncadd.s32 $0xFFFFFF80  }
0x12: {  	[tilespmem:s8], [sflag:$0x1] =	stream.indirect.gather [hbm4b:s2+s8], $0x80, s3, s8, $0xb8;
	[tilespmem:$0x4080] =	vst v63  }
0x13: {  	_ =	swait.ge [sflag:s9], $0x4000  }
0x14: {  	[sflag:s9] =	ssyncset.done $0x0  }
0x15: {  	[sflag:s9] =	ssyncadd.s32 $0xFFFFC000  }
0x16: {  	[hbm4b:s5+s3] =	stream.linear.scatter [tilespmem:s8], [sflag:$0x2], $0x4000, $0x38;
	[tilespmem:$0x4080] =	vst v63  }
0x17: {  	s12 =	simm.s32 $0x10;
	_ =	swait.ge [sflag:s7], $0x4000  }
0x18: {  	s13 =	simm.s32 $0x20;
	s11 =	sadd.s32 $0x800, s5;
	[sflag:s7] =	ssyncset.done $0x0  }
.LBB2_2:
0x19: {  	s14 =	sadd.s32 s12, s6  }
0x1a: {  	[sflag:s7] =	ssyncadd.s32 $0xFFFFC000;
	s12 =	smov.u32 s13;
	s15 =	sadd.s32 $0x10, s13  }
0x1b: {  	[tilespmem:s3], [sflag:$0x2] =	stream.linear.gather [hbm4b:s14+s3], $0x80, $0x38;
	[tilespmem:$0x4080] =	vst v63  }
0x1c: {  	p0 =	sne.s32 s13, $0x100;
	_ =	swait.ge [sflag:s7], $0x80  }
0x1d: {  	[sflag:s7] =	ssyncset.done $0x0  }
0x1e: {  	[sflag:s7] =	ssyncadd.s32 $0xFFFFFF80  }
0x1f: {  	[tilespmem:s8], [sflag:$0x1] =	stream.indirect.gather [hbm4b:s2+s8], $0x80, s3, s8, $0xb8;
	[tilespmem:$0x4080] =	vst v63  }
0x20: {  	_ =	swait.ge [sflag:s9], $0x4000  }
.Ltmp0:
0x21: {  	[sflag:s9] =	ssyncset.done $0x0;
	(pc) =	sbr.rel @p0 .LBB2_2-.Ltmp0, $4  }
0x22: {  	[sflag:s9] =	ssyncadd.s32 $0xFFFFC000  }
0x23: {  	[hbm4b:s11+s3] =	stream.linear.scatter [tilespmem:s8], [sflag:$0x2], $0x4000, $0x38;
	[tilespmem:$0x4080] =	vst v63  }
0x24: {  	_ =	swait.ge [sflag:s7], $0x4000  }
0x25: {  	s13 =	smov.u32 s15;
	s11 =	sadd.s32 $0x800, s11;
	[sflag:s7] =	ssyncset.done $0x0  }
0x26: {  	s12 =	sadd.s32 s12, s6;
	[sflag:s7] =	ssyncadd.s32 $0xFFFFC000  }
0x27: {  	[tilespmem:s3], [sflag:$0x2] =	stream.linear.gather [hbm4b:s12+s3], $0x80, $0x38;
	[tilespmem:$0x4080] =	vst v63  }
0x28: {  	_ =	swait.ge [sflag:s7], $0x80  }
0x29: {  	[sflag:s7] =	ssyncset.done $0x0  }
0x2a: {  	[sflag:s7] =	ssyncadd.s32 $0xFFFFFF80  }
0x2b: {  	[tilespmem:s8], [sflag:$0x1] =	stream.indirect.gather [hbm4b:s2+s8], $0x80, s3, s8, $0xb8;
	[tilespmem:$0x4080] =	vst v63  }
0x2c: {  	s10 =	sadd.s32 $0x1, s10;
	_ =	swait.ge [sflag:s9], $0x4000  }
0x2d: {  	p0 =	sne.s32 s10, s4;
	[sflag:s9] =	ssyncset.done $0x0  }
.Ltmp1:
0x2e: {  	[sflag:s9] =	ssyncadd.s32 $0xFFFFC000;
	(pc) =	sbr.rel @p0 .LBB2_1-.Ltmp1, $4  }
0x2f: {  	[hbm4b:s11+s3] =	stream.linear.scatter [tilespmem:s8], [sflag:$0x2], $0x4000, $0x38;
	[tilespmem:$0x4080] =	vst v63  }
0x30: {  	_ =	swait.ge [sflag:s7], $0x4000  }
0x31: {  	[sflag:s7] =	ssyncset.done $0x0  }
0x32: {  	[sflag:s7] =	ssyncadd.s32 $0xFFFFC000  }
0x33: {  	_ =	sfence.sel $0x180000  }
0x34: {  	[bflag:$0x0] =	sbarrier.arrive $0xFFFF  }
0x35: {  	p0 =	sne.s32 s1, $0x0;
	_ =	strace $0x90000056  }
0x36: {  	s0 =	sadd.s32 @!p0 $0x100000, s0;
	[bflag:$0x2] =	sbarrier.arrive $0xFFFF  }
0x37: {  	[sflag:s0] =	ssyncadd.tile.s32 @!p0 $0x1;
	_ =	shalt  }
.Lfunc_end2:
_tile_overlayer_lowered:
.L_overlay_start_2:
0x38: {  	(tag) =	ssettag $0x2  }
0x39: {  	s0 =	rddreg [dreg:$0x0];
	s2 =	stileid.u32  }
0x3a: {  	s1 =	rddreg [dreg:$0x1];
	p0 =	sne.s32 s2, $0x0  }
0x3b: {  	s3 =	rddreg [dreg:$0x2];
	[bflag:$0x3] =	sbarrier.arrive $0xFFFF;
	s2 =	simm.s32 @!p0 $0x1C02  }
0x3c: {  	[timem:s3], [sflag:s2] =	dma.local @!p0 [hbm:s0], s1  }
0x3d: {  	s0 =	simm.s32 @!p0 $0x2  }
0x3e: {  	_ =	swait.ge @!p0 [sflag:s0], s1  }
0x3f: {  	s1 =	ssub.s32 @!p0 $0x0, s1;
	[sflag:s0] =	ssyncset.done @!p0 $0x0  }
0x40: {  	[sflag:s0] =	ssyncadd.s32 @!p0 s1  }
0x41: {  	[bflag:$0x3] =	sbarrier.arrive $0xFFFF  }
0x42: {  	_ =	shalt  }

// kernel: scatter_offload_async_start
scs
__scs_entry_jumppad:
0x0: {  	(pc) =	sbr.rel $0x88, $3  }
0x1: {  	(tag) =	ssettag $0x0;
	lr =	simm.s32 $0x1  }
0x2: {  	[smem:$0x3F97] =	sst lr;
	_ =	strace $0xD0000000  }
0x3: {  	_ = 	snop  }
0x4: {  	_ = 	snop  }
0x5: {  	_ = 	snop  }
0x6: {  	_ = 	snop  }
0x7: {  	_ = 	snop  }
__scs_overlays_trampoline_lowered:
0x8: {  	[smem:$0x3FA6] =	sst s0  }
0x9: {  	[smem:$0x3FA7] =	sst s1  }
0xa: {  	[smem:$0x3FA8] =	sst s2  }
0xb: {  	[smem:$0x3FA9] =	sst s3  }
0xc: {  	[smem:$0x3FAA] =	sst s4  }
0xd: {  	[smem:$0x3FAB] =	sst s5  }
0xe: {  	[smem:$0x3FAC] =	sst s6  }
0xf: {  	[smem:$0x3FAD] =	sst s7  }
0x10: {  	[smem:$0x3FAE] =	sst s8  }
0x11: {  	[smem:$0x3FAF] =	sst s9;
	s0 =	simm.s32 @!p0 $0x0  }
0x12: {  	s1 =	sld [smem:$0x3F95];
	s0 =	simm.s32 @p0 $0x1  }
0x13: {  	[smem:$0x3FB0] =	sst s0;
	s0 =	simm.s32 @!p1 $0x0  }
0x14: {  	s2 =	sld [smem:$0x3F94];
	s0 =	simm.s32 @p1 $0x1  }
0x15: {  	[smem:$0x3FB1] =	sst s0;
	s0 =	simm.s32 @!p2 $0x0  }
0x16: {  	s3 =	sld [smem:$0x3FDB];
	s0 =	simm.s32 @p2 $0x1  }
0x17: {  	s4 =	simm.s32 $0x1BF5;
	[smem:$0x3FB3] =	sst s0  }
0x18: {  	s0 =	sld [smem:$0x3F96];
	_ =	swait.ge [sflag:s4], $0x0  }
0x19: {  	s7 =	sld [smem:$0x3F97]  }
0x1a: {  	s8 =	sadd.s32 $0xFFFFE003, lr  }
0x1b: {  	s9 =	sadd.s32 $0xFFFFFEF7, lr;
	s5 =	simm.s32 $0xFFFFFFFF;
	p2 =	slt.u32 s8, $0xFFFFF086  }
0x1c: {  	p1 =	slt.u32 s9, $0xF7A;
	s5 =	simm.s32 @!p2 $0x0  }
0x1d: {  	s5 =	simm.s32 @p1 $0x1;
	p0 =	seq.s32 s7, s2  }
0x1e: {  	s7 =	smul.u32 @!p0 $0xF7A, s2;
	p2 =	seq.s32 @!p0 s5, $0x0  }
0x1f: {  	s9 =	smul.u32 $0xF7A, s1;
	s8 =	simm.s32 @!p0 $0x1BF5;
	p2 =	por !p2, p0  }
0x20: {  	[sflag:s8] =	ssyncset.s32 @!p0 $0xFFFFF086;
	s6 =	sadd.s32 @!p0 s3, s7;
	s7 =	simm.s32 @!p0 $0x108  }
0x21: {  	s3 =	sadd.s32 s3, s9;
	s6 =	sadd.s32 @!p0 $0x88, s6;
	s7 =	simm.s32 @p2 $0x1082  }
0x22: {  	[simem:s7], [sflag:s8] =	dma.local @!p0 [hbm:s6], $0xF7A  }
0x23: {  	s9 =	sor.u32 $0xD0000000, s2;
	s6 =	simm.s32 $0x108;
	_ =	swait.ge @!p0 [sflag:s8], $0x0  }
0x24: {  	s3 =	sadd.s32 $0x88, s3;
	s6 =	simm.s32 @!p1 $0x1082;
	[sflag:s4] =	ssyncset.s32 $0xFFFFF086  }
0x25: {  	[simem:s6], [sflag:s4] =	dma.local [hbm:s3], $0xF7A  }
0x26: {  	[smem:$0x3F97] =	sst s1;
	(tag) =	ssettag s2;
	_ =	strace s9  }
0x27: {  	s1 =	sld [smem:$0x3FA7]  }
0x28: {  	s2 =	sld [smem:$0x3FA8]  }
0x29: {  	s4 =	sld [smem:$0x3FAA]  }
0x2a: {  	p0 =	seq.s32 s5, $0x0;
	s5 =	sld [smem:$0x3FAB]  }
0x2b: {  	s6 =	sld [smem:$0x3FAC]  }
0x2c: {  	s7 =	sld [smem:$0x3FAD]  }
0x2d: {  	s3 =	simm.s32 $0x108;
	s8 =	sld [smem:$0x3FAE]  }
0x2e: {  	s3 =	simm.s32 @!p0 $0x1082;
	s9 =	sld [smem:$0x3FAF]  }
0x2f: {  	lr =	sadd.s32 s0, s3;
	s0 =	sld [smem:$0x3FA6]  }
0x30: {  	s3 =	sld [smem:$0x3FA9]  }
0x31: {  	[smem:$0x3FB2] =	sst s10  }
0x32: {  	s10 =	sld [smem:$0x3FB0];
	_ =	sdelay $0x3  }
0x33: {  	p0 =	seq.s32 s10, $0x1;
	s10 =	sld [smem:$0x3FB2];
	_ =	sdelay $0x3  }
0x34: {  	[smem:$0x3FB2] =	sst s10  }
0x35: {  	s10 =	sld [smem:$0x3FB1];
	_ =	sdelay $0x3  }
0x36: {  	p1 =	seq.s32 s10, $0x1;
	s10 =	sld [smem:$0x3FB2];
	_ =	sdelay $0x3  }
0x37: {  	[smem:$0x3FB2] =	sst s10  }
0x38: {  	s10 =	sld [smem:$0x3FB3]  }
0x39: {  	_ = 	snop;
	(pc) =	sbr.ind lr, $3  }
0x3a: {  	_ = 	snop  }
0x3b: {  	_ = 	snop  }
0x3c: {  	p2 =	seq.s32 s10, $0x1;
	s10 =	sld [smem:$0x3FB2]  }
0x3d: {  	_ =	shalt  }
0x3e: {  	_ =	shalt  }
0x3f: {  	_ =	shalt  }
0x40: {  	_ =	shalt  }
0x41: {  	_ =	shalt  }
0x42: {  	_ =	shalt  }
0x43: {  	_ =	shalt  }
0x44: {  	_ =	shalt  }
0x45: {  	_ =	shalt  }
0x46: {  	_ =	shalt  }
0x47: {  	_ =	shalt  }
0x48: {  	_ =	shalt  }
0x49: {  	_ =	shalt  }
0x4a: {  	_ =	shalt  }
0x4b: {  	_ =	shalt  }
0x4c: {  	_ =	shalt  }
0x4d: {  	_ =	shalt  }
0x4e: {  	_ =	shalt  }
0x4f: {  	_ =	shalt  }
0x50: {  	_ =	shalt  }
0x51: {  	_ =	shalt  }
0x52: {  	_ =	shalt  }
0x53: {  	_ =	shalt  }
0x54: {  	_ =	shalt  }
0x55: {  	_ =	shalt  }
0x56: {  	_ =	shalt  }
0x57: {  	_ =	shalt  }
0x58: {  	_ =	shalt  }
0x59: {  	_ =	shalt  }
0x5a: {  	_ =	shalt  }
0x5b: {  	_ =	shalt  }
0x5c: {  	_ =	shalt  }
0x5d: {  	_ =	shalt  }
0x5e: {  	_ =	shalt  }
0x5f: {  	_ =	shalt  }
0x60: {  	_ =	shalt  }
0x61: {  	_ =	shalt  }
0x62: {  	_ =	shalt  }
0x63: {  	_ =	shalt  }
0x64: {  	_ =	shalt  }
0x65: {  	_ =	shalt  }
0x66: {  	_ =	shalt  }
0x67: {  	_ =	shalt  }
0x68: {  	_ =	shalt  }
0x69: {  	_ =	shalt  }
0x6a: {  	_ =	shalt  }
0x6b: {  	_ =	shalt  }
0x6c: {  	_ =	shalt  }
0x6d: {  	_ =	shalt  }
0x6e: {  	_ =	shalt  }
0x6f: {  	_ =	shalt  }
0x70: {  	_ =	shalt  }
0x71: {  	_ =	shalt  }
0x72: {  	_ =	shalt  }
0x73: {  	_ =	shalt  }
0x74: {  	_ =	shalt  }
0x75: {  	_ =	shalt  }
0x76: {  	_ =	shalt  }
0x77: {  	_ =	shalt  }
0x78: {  	_ =	shalt  }
0x79: {  	_ =	shalt  }
0x7a: {  	_ =	shalt  }
0x7b: {  	_ =	shalt  }
0x7c: {  	_ =	shalt  }
0x7d: {  	_ =	shalt  }
0x7e: {  	_ =	shalt  }
0x7f: {  	_ =	shalt  }
0x80: {  	_ =	shalt  }
0x81: {  	_ =	shalt  }
0x82: {  	_ =	shalt  }
0x83: {  	_ =	shalt  }
0x84: {  	_ =	shalt  }
0x85: {  	_ =	shalt  }
0x86: {  	_ =	shalt  }
0x87: {  	_ =	shalt  }
.Lfunc_end0:
.L_simem_size_0:
called_computation_lowered:
.L_overlay_start_0:
0x88: {  	s0 =	sld [smem:$0x3FD9]  }
0x89: {  	s1 =	sld [smem:$0x3FFE];
	_ =	sdelay $0x3  }
0x8a: {  	s0 =	sadd.s32 s1, s0  }
0x8b: {  	[smem:$0x3FBE] =	sst s0  }
0x8c: {  	_ = 	snop  }
0x8d: {  	s0 =	sld [smem:$0x3FD0];
	_ =	sdelay $0x2  }
0x8e: {  	s14 =	simm.s32 $0xC;
	s2 =	simm.s32 $0x10  }
0x8f: {  	[smem:s2], [sflag:s14] =	dma.local [hbm:s0], $0x1  }
0x90: {  	_ =	swait.eq [sflag:s14], $0x1  }
0x91: {  	s15 =	sld [smem:$0x10];
	[sflag:s14] =	ssyncset.done $0x0  }
0x92: {  	s16 =	sld [smem:$0x11];
	[sflag:s14] =	ssyncadd.s32 $0xFFFFFFFF  }
0x93: {  	s17 =	sld [smem:$0x13];
	(tm) =	ssettm $0x1  }
0x94: {  	s3 =	sld [smem:$0x3FFB];
	_ =	sdelay $0x3  }
0x95: {  	_ =	strace s3  }
0x96: {  	s3 =	sld [smem:$0x3FFC];
	_ =	sdelay $0x3  }
0x97: {  	_ =	strace s3  }
0x98: {  	s3 =	sld [smem:$0x3FFD];
	_ =	sdelay $0x3  }
0x99: {  	_ =	strace s3  }
0x9a: {  	_ =	strace $0x8FFFFFFF  }
0x9b: {  	s18 =	sld [smem:$0x3FDB];
	_ =	sdelay $0x1  }
0x9c: {  	s4 =	simm.s32 $_scs_section_size  }
0x9d: {  	s5 =	simm.s32 $_size__tile_overlayer_lowered;
	s6 =	simm.s32 $_tile_overlayer_lowered  }
0x9e: {  	s21 =	simm.s32 $0x1BFF;
	s20 =	sshll.u32 s6, $0x1;
	s3 =	sadd.s32 s4, s18  }
0x9f: {  	s7 =	simm.s32 $0x0;
	s19 =	sshll.u32 s5, $0x1;
	s5 =	sadd.s32 s20, s3  }
0xa0: {  	[timem:s7], [sflag:s21] =	dma.local [hbm:s5], s19  }
0xa1: {  	_ =	swait.ge [sflag:s21], s19  }
0xa2: {  	s4 =	ssub.s32 $0x0, s19;
	[sflag:s21] =	ssyncset.done $0x0  }
0xa3: {  	[sflag:s21] =	ssyncadd.s32 s4;
	_ =	sdelay $0x1  }
0xa4: {  	s22 =	simm.s32 $0x1B8B  }
0xa5: {  	_ =	swait.ge [sflag:s22], $0x1  }
0xa6: {  	[sflag:s22] =	ssyncset.done $0x0  }
0xa7: {  	s23 =	simm.s32 $0x1B8E;
	[sflag:s22] =	ssyncadd.s32 $0xFFFFFFFF  }
0xa8: {  	s24 =	simm.s32 $execute0_lowered;
	[smem:$0x3FD2] =	sst s23  }
0xa9: {  	s4 =	sshll.u32 s24, $0x1;
	_ =	strace $0x80000046;
	[dreg:$0x1] =	wrdreg $0xFFFFFFFF  }
0xaa: {  	s25 =	simm.s32 $_size_execute0_lowered;
	s3 =	sadd.s32 s3, s4;
	[dreg:$0x0] =	wrdreg $0x0  }
0xab: {  	s4 =	sshll.u32 s25, $0x1;
	[dreg:$0x2] =	wrdreg s3  }
0xac: {  	[dreg:$0x3] =	wrdreg s4  }
0xad: {  	[dreg:$0x4] =	wrdreg $0xC0  }
0xae: {  	_ =	task [dreg:s7], $0x5FFFF  }
0xaf: {  	[dreg:$0x1] =	wrdreg $0xFFFFFFFF  }
0xb0: {  	[dreg:$0x0] =	wrdreg $0x60  }
0xb1: {  	[dreg:$0x2] =	wrdreg s16  }
0xb2: {  	[dreg:$0x3] =	wrdreg s17  }
0xb3: {  	[dreg:$0x4] =	wrdreg s15  }
0xb4: {  	[dreg:$0x5] =	wrdreg $0x9  }
0xb5: {  	_ =	task.clear_ibuf [dreg:s7], $0x6FFFF;
	_ =	strace $0x90000046  }
0xb6: {  	s26 =	simm.s32 $0x9;
	_ =	strace $0x80000048  }
0xb7: {  	_ =	swait.ge [sflag:s26], $0x1  }
0xb8: {  	[sflag:s26] =	ssyncadd.s32 $0xFFFFFFFF  }
0xb9: {  	_ =	strace $0x90000048  }
0xba: {  	_ =	sfence  }
0xbb: {  	s28 =	sld [smem:$0x0];
	_ =	sdelay $0x1  }
0xbc: {  	s29 =	srdreg.scid  }
0xbd: {  	s30 =	sshll.u32 s29, $0xD;
	s31 =	sshrl.u32 s29, $0x2  }
0xbe: {  	s1 =	sand.u32 $0x1, s29;
	s2 =	sand.u32 $0x4000, s30;
	s0 =	sadd.s32 s31, s28  }
0xbf: {  	s1 =	sor.u32 s2, s1;
	s0 =	sshll.u32 s0, $0x11  }
0xc0: {  	s0 =	sor.u32 s0, s1  }
0xc1: {  	s0 =	sadd.s32 $0x8F2B, s0  }
0xc2: {  	[sflag:s0] =	ssyncadd.remote.s32 $0x1  }
0xc3: {  	_ =	sfence.sel $0xFFFF  }
0xc4: {  	[dreg:$0x0] =	wrdreg $0xFFFFFFFF;
	(pc) =	sbr.abs _section_cstart, $3  }
0xc5: {  	[dreg:$0x1] =	wrdreg $0xFFFFFFFF  }
0xc6: {  	_ =	task.clear_ibuf [dreg:s7], $0x2FFFF;
	_ =	strace $0x9FFFFFFF  }
0xc7: {  	(tm) =	ssettm $0x7FFFFFFF  }
tec
execute0_lowered:
.L_overlay_start_1:
0x0: {  	(tag) =	ssettag $0x1  }
0x1: {  	s1 =	rddreg [dreg:$0x0];
	_ =	strace $0x80000047;
	s5 =	simm.s32 $0x1  }
0x2: {  	v1 =	vimm.s32 $0xFFFFFFFF;
	[sflag:s5] =	ssyncpa.u1 $0x0  }
0x3: {  	[tilespmem:$0x10] =	vst v1  }
0x4: {  	v0 =	vimm.s32 $0x7FFFFFFF;
	[tilespmem:$0x20] =	vst v1  }
0x5: {  	[tilespmem:$0x30] =	vst v0  }
0x6: {  	s0 =	simm.s32 $0x2;
	[tilespmem:$0x40] =	vst v0  }
0x7: {  	s6 =	simm.s32 $0x7;
	s2 =	stileid.u32;
	s7 =	simm.s32 $0x8;
	[tilespmem:$0x50] =	vst v0  }
0x8: {  	s31 =	simm.s32 $0x9;
	s14 =	simm.s32 $0x0;
	s15 =	simm.s32 $0x100;
	[tilespmem:$0x60] =	vst v1  }
0x9: {  	s17 =	simm.s32 $0x4FF;
	s18 =	simm.s32 $0x10;
	s19 =	simm.s32 $0x2500;
	[tilespmem:$0x70] =	vst v1  }
0xa: {  	s20 =	simm.s32 $0xF;
	s21 =	simm.s32 $0x50;
	s22 =	simm.s32 $0x10FF;
	[tilespmem:$0x80] =	vst v1  }
0xb: {  	s23 =	simm.s32 $0x20;
	s24 =	simm.s32 $0x30;
	s25 =	simm.s32 $0x20FF;
	v1 =	vimm.s32 $0x0;
	[tilespmem:$0xB0] =	vst v0  }
.Ltmp0:
0xc: {  	s26 =	simm.s32 $0x80;
	s30 =	simm.s32 $0x0;
	[tilespmem:$0x90] =	vst v1;
	(pc) =	sbr.rel .LBB2_1-.Ltmp0, $4  }
0xd: {  	s29 =	simm.s32 $0x0;
	s8 =	sshll.u32 s2, $0xA;
	[tilespmem:$0xA0] =	vst v1;
	[sflag:s0] =	ssyncpa.u1 $0x0  }
0xe: {  	s10 =	sshll.u32 s2, $0x1;
	s12 =	sshllo.u32 s2, $0x1;
	[sflag:s6] =	ssyncpa.u1 $0x0  }
0xf: {  	vm0 =	vmmov $0xffff;
	v2 =	vlaneseq.u32;
	s9 =	sadd.s32 $0x400, s8;
	s11 =	sor.u32 $0x81, s10;
	[sflag:s7] =	ssyncpa.u1 $0x0  }
0x10: {  	vm1 =	vmxor vm1, vm1;
	vm2 =	vmmov $0x1;
	vm3 =	vcmask $0x3F3C;
	s13 =	sor.u32 $0x80, s10;
	s28 =	smov.u32 s8;
	[sflag:s31] =	ssyncpa.u1 $0x0  }
.LBB2_3:
0x11: {  	s0 =	sshrl.u32 s28, $0x3;
	s2 =	rddreg [dreg:$0x1]  }
0x12: {  	s31 =	sand.u32 $0x7, s28;
	s0 =	sadd.s32 s2, s0  }
0x13: {  	[tilespmem:s15], [sflag:$0x7] =	stream.linear.gather [hbm4b:s0+s31], $0x400, $0x38;
	[tilespmem:$0x2520] =	vst v63  }
.LBB2_4:
0x14: {  	s0 =	sadd.s32 $0x400, s28  }
0x15: {  	s2 =	smov.u32 s8;
	s29 =	sadd.s32 $0x1, s29;
	p0 =	slt.s32 s0, s9  }
0x16: {  	s2 =	smov.u32 @p0 s0;
	p0 =	sne.s32 s29, $0x4  }
.Ltmp1:
0x17: {  	_ = 	snop;
	(pc) =	sbr.rel @!p0 .LBB2_13-.Ltmp1, $2  }
0x18: {  	_ =	sdelay $0x2  }
0x19: {  	s30 =	smov.u32 s28;
	s28 =	smov.u32 s2  }
.LBB2_1:
0x1a: {  	p0 =	sgt.s32 s29, $0x1  }
.Ltmp2:
0x1b: {  	_ = 	snop;
	(pc) =	sbr.rel @p0 .LBB2_11-.Ltmp2, $1  }
0x1c: {  	_ =	sdelay $0x3  }
0x1d: {  	p0 =	seq.s32 s29, $0x0  }
.Ltmp3:
0x1e: {  	_ = 	snop;
	(pc) =	sbr.rel @p0 .LBB2_3-.Ltmp3, $1  }
0x1f: {  	_ =	sdelay $0x3  }
0x20: {  	_ =	swait.ge [sflag:s6], $0x400  }
0x21: {  	[sflag:s6] =	ssyncset.done $0x0  }
0x22: {  	[sflag:s6] =	ssyncadd.s32 $0xFFFFFC00;
	(ifvalue) =	ssetifvalue $0xFFFFFFFF;
	v3 =	vld.msk [tilespmem:s15+$0x0 ss:$0x1], $0xffff;
	_ =	sdelay $0x4  }
0x23: {  	v4 =	vperm.xlane v3, v1  }
0x24: {  	vm4 =	vlt.u32 v3, $0x40000  }
0x25: {  	v3 =	vnsel vm4, $0xFFFFFFFE, v3;
	vm4 =	vlt.u32 v4, $0x40000  }
0x26: {  	[tilespmem:$0x70] =	vst v3;
	v3 =	vnsel vm4, $0xFFFFFFFE, v4  }
0x27: {  	s4 =	simm.s32 $0x4F0;
	[tilespmem:$0x80] =	vst v3  }
0x28: {  	v3 =	vld.msk [tilespmem:s4+$0x0 ss:$0x1], $0xffff;
	_ =	sdelay $0x4  }
0x29: {  	(xrf1) =	vunique.msk.u32 $0xffff, v3;
	_ =	sdelay $0xd  }
0x2a: {  	v4 =	vimm.s32 $0xFFFFFFFF;
	v5, _, _ =	vpop (xrf1)  }
0x2b: {  	vm5 =	vne.s32 v3, v4;
	vm4 =	veq.s32 v5, v2  }
0x2c: {  	vm6 =	vlt.u32 v3, $0x40000;
	vm4 =	vmand vm5, vm4  }
0x2d: {  	vm4 =	vmand vm6, vm4  }
0x2e: {  	v4 =	vnsel vm4, $0xFFFFFFFF, v3;
	_ =	sdelay $0x3  }
0x2f: {  	s0 =	simm.s32 $0x10F0;
	(ifvalue) =	ssetifvalue $0xFFFFFFFF  }
0x30: {  	v3 =	vperm.xlane v3, v1;
	[tilespmem:s0], [sflag:$0x8] =	stream.indirect_vreg.gather [hbm4b:s1+s14], $0x1, v4, vm0, $0x4038;
	v4 =	vnsel vm6, $0xFFFFFFFE, v4;
	[tilespmem:$0x2520] =	vst v63  }
0x31: {  	s2 =	simm.s32 $0x0;
	s3 =	simm.s32 $0x4E0;
	[tilespmem:s4+$0x0] =	vst v4  }
.LBB2_6:
0x32: {  	v4 =	vld.msk [tilespmem:s3+$0x0 ss:$0x1], $0xffff;
	s2 =	sadd.s32 $0x10, s2;
	v5 =	vmov v3;
	s4 =	smov.u32 s3  }
0x33: {  	p0 =	slt.u32 s2, $0x3F0;
	_ =	sdelay $0x4  }
0x34: {  	v3 =	vperm.xlane v4, v1;
	(xrf1) =	vunique.msk.u32 $0xffff, v4;
	_ =	sdelay $0xd  }
0x35: {  	v6, _, _ =	vpop (xrf1)  }
0x36: {  	vm5 =	vne.s32 v4, v5;
	vm4 =	veq.s32 v6, v2  }
0x37: {  	vm6 =	vlt.u32 v4, $0x40000;
	vm4 =	vmand vm5, vm4  }
0x38: {  	vm4 =	vmand vm6, vm4  }
0x39: {  	v4 =	vnsel vm4, $0xFFFFFFFF, v4  }
.Ltmp4:
0x3a: {  	v5 =	vnsel vm6, $0xFFFFFFFE, v4;
	(pc) =	sbr.rel @p0 .LBB2_6-.Ltmp4, $3  }
0x3b: {  	_ =	sdelay $0x1  }
0x3c: {  	s3 =	sadd.s32 $0xFFFFFFF0, s3;
	s0 =	sadd.s32 $0xFFFFFFF0, s0;
	(ifvalue) =	ssetifvalue $0xFFFFFFFF  }
0x3d: {  	[tilespmem:s0], [sflag:$0x8] =	stream.indirect_vreg.gather [hbm4b:s1+s14], $0x1, v4, vm0, $0x4038;
	[tilespmem:s4+$0x0] =	vst v5  }
.Ltmp5:
0x3e: {  	(pc) =	sbr.rel .LBB2_4-.Ltmp5, $4  }
0x3f: {  	_ = 	snop  }
0x40: {  	s0 =	sshrl.u32 s30, $0x3;
	s2 =	rddreg [dreg:$0x2]  }
0x41: {  	s31 =	simm.s32 $0x1500;
	s0 =	sadd.s32 s2, s0  }
0x42: {  	[tilespmem:s31], [sflag:$0x8] =	stream.linear.gather [hbm:s0], $0x400, $0x38;
	[tilespmem:$0x2520] =	vst v63  }
.LBB2_11:
0x43: {  	p0 =	seq.s32 s29, $0x2  }
.Ltmp6:
0x44: {  	_ = 	snop;
	(pc) =	sbr.rel @!p0 .LBB2_12-.Ltmp6, $1  }
0x45: {  	_ =	sdelay $0x3  }
0x46: {  	_ =	swait.ge [sflag:s7], $0x800  }
0x47: {  	[sflag:s7] =	ssyncset.done $0x0  }
0x48: {  	[sflag:s7] =	ssyncadd.s32 $0xFFFFF800  }
0x49: {  	[spmem:s11] =	stream.linear.scatter [tilespmem:s17], [sflag:$0x1], $0x1, $0x38;
	[tilespmem:$0x2520] =	vst v63  }
0x4a: {  	_ =	swait.ge [sflag:s5], $0x1  }
0x4b: {  	[sflag:s5] =	ssyncset.done $0x0  }
0x4c: {  	[sflag:s5] =	ssyncadd.s32 $0xFFFFFFFF  }
0x4d: {  	v4 =	vld [tilespmem:$0x10]  }
0x4e: {  	v5 =	vld [tilespmem:$0x70]  }
0x4f: {  	v3 =	vld [tilespmem:$0x80];
	_ =	sdelay $0x2  }
0x50: {  	(v2sf) =	vpush v4, $0x0  }
0x51: {  	(v2sf) =	vpush v5, $0x0  }
0x52: {  	(v2sf) =	vpush v3, $0x0;
	_ =	sdelay $0xc  }
0x53: {  	s0 =	spop (v2sf)  }
0x54: {  	s2 =	spop (v2sf)  }
0x55: {  	s30 =	spop (v2sf)  }
0x56: {  	p0 =	seq.s32 s0, s2;
	p1 =	seq.s32 s30, s0  }
0x57: {  	p1 =	por p0, p1  }
0x58: {  	v4 =	vpsel p1, $0xFFFFFFFF, v4  }
0x59: {  	[tilespmem:s18+$0x0] =	vst.msk $0x1, v4  }
0x5a: {  	v4 =	vld [tilespmem:$0x30]  }
0x5b: {  	v5 =	vld [tilespmem:$0x1500]  }
0x5c: {  	v6 =	vld [tilespmem:$0x40];
	_ =	sdelay $0x3  }
0x5d: {  	vm4 =	vmmov vm1;
	vm6 =	vmmov vm2;
	vm5 =	vlt.s32 v4, v5  }
0x5e: {  	s3 =	simm.s32 $0x1500;
	vm4 =	vmmov @p0 vm2;
	v5 =	vsel vm5, v4, v5;
	vm5 =	vlt.s32 v4, v6  }
0x5f: {  	vm6 =	vmmov @p1 vm1;
	v4 =	vsel vm5, v4, v6;
	[tilespmem:s3+$0x0] =	vst.msk vm4, v5  }
0x60: {  	[tilespmem:s19+$0x0] =	vst.msk vm6, v4  }
0x61: {  	v4 =	vld [tilespmem:$0x10F0];
	_ =	sdelay $0x4  }
0x62: {  	v4 =	vshift.insert v4, v1, s20;
	_ =	sdelay $0x1  }
0x63: {  	v5 =	vimm.s32 $0x7FFFFFFF;
	[tilespmem:s21+$0x0] =	vst.msk $0x1, v4  }
0x64: {  	[tilespmem:s22+$0x0] =	vst.msk $0x1, v5  }
0x65: {  	v4 =	vld [tilespmem:$0x4F0];
	_ =	sdelay $0x4  }
0x66: {  	v4 =	vshift.insert v4, v1, s20;
	_ =	sdelay $0x1  }
0x67: {  	[tilespmem:s23+$0x0] =	vst.msk $0x1, v4  }
0x68: {  	v6 =	vld [tilespmem:s3+$0x0]  }
0x69: {  	s4 =	simm.s32 $0x100  }
0x6a: {  	v7 =	vld [tilespmem:s4+$0x0];
	_ =	sdelay $0x2  }
0x6b: {  	vm4 =	vlt.s32 v6, v5  }
0x6c: {  	v5 =	vsel vm4, v6, v5  }
0x6d: {  	vm4 =	vne.s32 v7, $0xFFFFFFFF;
	v5 =	vxor.u32 $0x80000000, v5  }
0x6e: {  	(xrf0) =	vmin.seg.scan.u32 vm4, v5  }
0x6f: {  	s16 =	simm.s32 $0xD00  }
0x70: {  	v8 =	vld [tilespmem:s16+$0x0]  }
0x71: {  	v6 =	vld [tilespmem:$0xA0];
	_ =	sdelay $0x2  }
0x72: {  	v5 =	vperm.xlane v4, v1;
	v9, _, _ =	vpop (xrf0)  }
0x73: {  	vm6 =	veq.s32 v7, v3;
	v9 =	vxor.u32 $0x80000000, v9  }
0x74: {  	vm8 =	veq.s32 v7, v5;
	vm5 =	veq.s32 v6, $0x1;
	vm7 =	vlt.s32 v9, v8  }
0x75: {  	vm8 =	vmor vm8, vm6;
	v6 =	vsel vm7, v9, v8;
	vm7 =	vgt.u32 v7, $0xFFFFFFFD  }
0x76: {  	v10 =	vld [tilespmem:$0x90];
	vm9 =	vmand vm4, vm3;
	vm4 =	vmor vm5, vm6;
	vm5 =	vmor vm8, vm7  }
0x77: {  	v8 =	vsel vm5, $0xFFFFFFFF, v7;
	_ =	sdelay $0x1  }
0x78: {  	s31 =	simm.s32 $0x1D00  }
0x79: {  	s2 =	simm.s32 $0x1510;
	s0 =	simm.s32 $0x0;
	s3 =	simm.s32 $0x110;
	v11 =	vsel vm9, $0x7FFFFFFF, v9;
	v6 =	vsel vm6, v9, v6  }
0x7a: {  	s4 =	simm.s32 $0x1D10;
	s16 =	simm.s32 $0xD10;
	[tilespmem:s31+$0x0] =	vst v6;
	v6 =	vsel vm6, v9, v10;
	v7 =	vshift.insert v11, v0, s20;
	(ifvalue) =	ssetifvalue $0xFFFFFFFF  }
.LBB2_9:
0x7b: {  	[hbm4b:s1+s14] =	stream.indirect_vreg.scatter [tilespmem:s31], [sflag:$0x2], $0x1, v8, vm0, $0x4038;
	[tilespmem:$0x2520] =	vst v63  }
0x7c: {  	s0 =	sadd.s32 $0x10, s0;
	s31 =	smov.u32 s4;
	v8 =	vld [tilespmem:s2+$0x0]  }
0x7d: {  	p0 =	slt.u32 s0, $0x3F0  }
0x7e: {  	v9 =	vld [tilespmem:s3+$0x0];
	_ =	sdelay $0x2  }
0x7f: {  	vm5 =	vlt.s32 v8, v7  }
0x80: {  	v7 =	vsel vm5, v8, v7  }
0x81: {  	vm5 =	vne.s32 v9, $0xFFFFFFFF;
	v7 =	vxor.u32 $0x80000000, v7  }
0x82: {  	(xrf0) =	vmin.seg.scan.u32 vm5, v7;
	_ =	sdelay $0x2  }
0x83: {  	v7 =	vld [tilespmem:s16+$0x0];
	_ =	sdelay $0x1  }
0x84: {  	vm6 =	veq.s32 v9, v3;
	vm7 =	veq.s32 v9, v5  }
0x85: {  	vm8 =	vgt.u32 v9, $0xFFFFFFFD;
	vm4 =	vmor vm4, vm6;
	vm7 =	vmor vm7, vm6;
	v8, _, _ =	vpop (xrf0)  }
0x86: {  	vm5 =	vmand vm5, vm3;
	vm7 =	vmor vm7, vm8;
	v10 =	vxor.u32 $0x80000000, v8  }
.Ltmp7:
0x87: {  	v8 =	vsel vm7, $0xFFFFFFFF, v9;
	vm7 =	vlt.s32 v10, v7;
	v9 =	vsel vm5, $0x7FFFFFFF, v10;
	(pc) =	sbr.rel @p0 .LBB2_9-.Ltmp7, $4  }
0x88: {  	v6 =	vsel vm6, v10, v6;
	v11 =	vsel vm7, v10, v7;
	v7 =	vshift.insert v9, v0, s20  }
0x89: {  	v9 =	vsel vm6, v10, v11  }
0x8a: {  	s2 =	sadd.s32 $0x10, s2;
	s3 =	sadd.s32 $0x10, s3;
	[tilespmem:s4+$0x0] =	vst v9  }
0x8b: {  	s16 =	sadd.s32 $0x10, s16;
	s4 =	sadd.s32 $0x10, s4;
	(ifvalue) =	ssetifvalue $0xFFFFFFFF  }
0x8c: {  	_ =	sdelay $0x3  }
0x8d: {  	[hbm4b:s1+s14] =	stream.indirect_vreg.scatter [tilespmem:s31], [sflag:$0x2], $0x1, v8, vm0, $0x4038;
	[tilespmem:$0x2520] =	vst v63  }
0x8e: {  	v3 =	vld [tilespmem:$0x20F0];
	_ =	sdelay $0x4  }
0x8f: {  	v3 =	vshift.insert v3, v1, s20;
	_ =	sdelay $0x1  }
0x90: {  	[tilespmem:s24+$0x0] =	vst.msk $0x1, v3  }
0x91: {  	v3 =	vsel vm4, $0x1, v1;
	[tilespmem:$0x90] =	vst v6  }
0x92: {  	[tilespmem:$0xA0] =	vst v3  }
0x93: {  	[spmem:s12] =	stream.linear.scatter [tilespmem:s25], [sflag:$0x1], $0x1, $0x38;
	[tilespmem:$0x2520] =	vst v63  }
0x94: {  	v3 =	vmctz.xlane vm4;
	_ =	swait.ge [sflag:s5], $0x1  }
0x95: {  	(v2sf) =	vpush v4, $0x0  }
0x96: {  	(v2sf) =	vpush v3, $0x0;
	_ =	sdelay $0xd  }
0x97: {  	s0 =	spop (v2sf)  }
0x98: {  	s2 =	spop (v2sf)  }
0x99: {  	[sflag:s5] =	ssyncset.done $0x0;
	p0 =	sne.s32 s30, s0;
	p1 =	slt.s32 s2, $0xF  }
0x9a: {  	[sflag:s5] =	ssyncadd.s32 $0xFFFFFFFF;
	v3 =	vimm.s32 @!p0 $0xFFFFFFFF;
	s2 =	simm.s32 @!p1 $0xF  }
0x9b: {  	[tilespmem:$0x80] =	vst @!p0 v3;
	s31 =	sadd.s32 $0x90, s2  }
0x9c: {  	[spmem:s10] =	stream.linear.scatter [tilespmem:s31], [sflag:$0x1], $0x1, $0x38;
	[tilespmem:$0x2520] =	vst v63  }
0x9d: {  	_ =	swait.ge [sflag:s5], $0x1  }
0x9e: {  	[sflag:s5] =	ssyncset.done $0x0  }
0x9f: {  	[sflag:s5] =	ssyncadd.s32 $0xFFFFFFFF  }
0xa0: {  	[spmem:s13] =	stream.linear.scatter [tilespmem:s26], [sflag:$0x1], $0x1, $0x38;
	[tilespmem:$0x2520] =	vst v63  }
0xa1: {  	_ =	swait.ge [sflag:s5], $0x1  }
0xa2: {  	[sflag:s5] =	ssyncset.done $0x0  }
0xa3: {  	[sflag:s5] =	ssyncadd.s32 $0xFFFFFFFF;
	(ifvalue) =	ssetifvalue $0xFFFFFFFF;
	v3 =	vld [tilespmem:$0x10];
	_ =	sdelay $0x3  }
.Ltmp8:
0xa4: {  	_ = 	snop;
	(pc) =	sbr.rel .LBB2_4-.Ltmp8, $3  }
0xa5: {  	_ =	sdelay $0x1  }
0xa6: {  	(ifvalue) =	ssetifvalue $0xFFFFFFFF  }
0xa7: {  	[hbm4b:s1+s14] =	stream.indirect_vreg.scatter [tilespmem:s19], [sflag:$0x9], $0x1, v3, vm0, $0x4038;
	[tilespmem:$0x2520] =	vst v63  }
.LBB2_12:
0xa8: {  	s0 =	simm.s32 $0x2  }
0xa9: {  	_ =	swait.ge [sflag:s0], $0x400  }
0xaa: {  	[sflag:s0] =	ssyncset.done $0x0  }
0xab: {  	s31 =	simm.s32 $0x9;
	[sflag:s0] =	ssyncadd.s32 $0xFFFFFC00  }
0xac: {  	_ =	swait.ge [sflag:s31], $0x10  }
0xad: {  	[sflag:s31] =	ssyncset.done $0x0  }
0xae: {  	[sflag:s31] =	ssyncadd.s32 $0xFFFFFFF0  }
.LBB2_13:
0xaf: {  	_ =	sfence.sel $0x180000  }
0xb0: {  	s0 =	simm.s32 $0x7;
	[bflag:$0x0] =	sbarrier.arrive $0xFFFF  }
0xb1: {  	s26 =	simm.s32 $0x8;
	[sflag:s0] =	ssyncpa.u1 $0x1  }
0xb2: {  	s28 =	simm.s32 $0x9;
	[sflag:s26] =	ssyncpa.u1 $0x1  }
0xb3: {  	[sflag:s28] =	ssyncpa.u1 $0x1  }
0xb4: {  	_ =	sfence.stream.spmem  }
0xb5: {  	s29 =	simm.s32 $0x3;
	[bflag:$0x0] =	sbarrier.arrive $0xFFFF  }
0xb6: {  	s30 =	simm.s32 $0x4;
	[sflag:s29] =	ssyncpa.u1 $0x1  }
0xb7: {  	s31 =	simm.s32 $0x3C;
	s2 =	stileid.u32;
	[sflag:s30] =	ssyncpa.u1 $0x1  }
0xb8: {  	p0 =	sne.s32 s2, $0x0;
	[sflag:s31] =	ssyncpa.u1 $0x1  }
0xb9: {  	s0 =	simm.s32 @p0 $0x1;
	_ =	sfence @p0  }
0xba: {  	[sflag:s0] =	ssyncpa.u1 @p0 $0x1;
	s0 =	simm.s32 @p0 $0x2  }
0xbb: {  	[sflag:s0] =	ssyncpa.u1 @p0 $0x1  }
0xbc: {  	_ =	strace @p0 $0x90000047  }
0xbd: {  	[bflag:$0x2] =	sbarrier.arrive @p0 $0xFFFF  }
0xbe: {  	_ =	shalt @p0  }
.LBB2_14:
0xbf: {  	_ =	sfence.stream.spmem;
	s0 =	simm.s32 $0x5  }
0xc0: {  	s2 =	simm.s32 $0x80;
	s3 =	simm.s32 $0xC0;
	[sflag:s0] =	ssyncpa.u1 $0x0  }
0xc1: {  	[tilespmem:s3], [sflag:$0x5] =	stream.linear.gather [spmem:s2], $0x20, $0x38;
	[tilespmem:$0x2520] =	vst v63  }
0xc2: {  	s30 =	simm.s32 $0xE0;
	s2 =	simm.s32 $0x0  }
0xc3: {  	[tilespmem:s30], [sflag:$0x5] =	stream.linear.gather [spmem:s2], $0x20, $0x38;
	[tilespmem:$0x2520] =	vst v63  }
.Ltmp9:
0xc4: {  	_ = 	snop;
	(pc) =	sbr.rel .LBB2_15-.Ltmp9, $4  }
0xc5: {  	_ =	swait.ge [sflag:s0], $0x40  }
0xc6: {  	[sflag:s0] =	ssyncset.done $0x0  }
0xc7: {  	s31 =	simm.s32 $0x6;
	[sflag:s0] =	ssyncadd.s32 $0xFFFFFFC0  }
0xc8: {  	s3 =	simm.s32 $0x0;
	[sflag:s31] =	ssyncpa.u1 $0x0  }
.LBB2_20:
0xc9: {  	p0 =	sgt.u32 s4, $0x3FFFF  }
0xca: {  	s0 =	sshrl.u32 @!p0 s4, $0x3  }
0xcb: {  	s4 =	sand.u32 @!p0 $0x7, s4;
	s5 =	simm.s32 @!p0 $0xB0;
	s0 =	sadd.s32 @!p0 s1, s0  }
0xcc: {  	[tilespmem:s5], [sflag:$0x6] =	stream.linear.gather @!p0 [hbm4b:s0+s4], $0x1, $0x38;
	[tilespmem:$0x2520] =	vst v63  }
0xcd: {  	s0 =	simm.s32 @!p0 $0x6  }
0xce: {  	_ =	swait.ge @!p0 [sflag:s0], $0x1  }
0xcf: {  	[sflag:s0] =	ssyncset.done @!p0 $0x0  }
0xd0: {  	[sflag:s0] =	ssyncadd.s32 @!p0 $0xFFFFFFFF  }
0xd1: {  	v1 =	vld.msk @!p0 [tilespmem:$0xB0], $0x1  }
0xd2: {  	v2 =	vld.msk @!p0 [tilespmem:s3+$0xE0], $0x1;
	_ =	sdelay $0x4  }
0xd3: {  	vm0 =	vlt.s32 @!p0 v2, v1  }
0xd4: {  	v1 =	vsel @!p0 vm0, v2, v1  }
0xd5: {  	[tilespmem:s3+$0xE0] =	vst.msk @!p0 $0x1, v1  }
0xd6: {  	[tilespmem:s2+$0xC0] =	vst.msk $0x1, v0  }
0xd7: {  	v0 =	vld.msk [tilespmem:s3+$0xE0], $0x1;
	_ =	sdelay $0x4  }
0xd8: {  	[tilespmem:s2+$0xE0] =	vst.msk $0x1, v0;
	s2 =	sadd.s32 $0x1, s2  }
.LBB2_22:
0xd9: {  	s3 =	sadd.s32 $0x1, s3  }
0xda: {  	p0 =	sne.s32 s3, $0x20  }
.Ltmp10:
0xdb: {  	_ = 	snop;
	(pc) =	sbr.rel @!p0 .LBB2_23-.Ltmp10, $1  }
0xdc: {  	_ =	sdelay $0x3  }
.LBB2_15:
0xdd: {  	v0 =	vld.msk [tilespmem:s3+$0xC0], $0x1;
	_ =	sdelay $0x4  }
0xde: {  	(v2sf) =	vpush v0, $0x0;
	_ =	sdelay $0xe  }
0xdf: {  	s4 =	spop (v2sf)  }
0xe0: {  	p0 =	seq.s32 s4, $0xFFFFFFFF  }
.Ltmp11:
0xe1: {  	_ = 	snop;
	(pc) =	sbr.rel @p0 .LBB2_22-.Ltmp11, $1  }
0xe2: {  	_ =	sdelay $0x3  }
0xe3: {  	p0 =	slt.s32 s2, $0x1  }
.Ltmp12:
0xe4: {  	_ = 	snop;
	(pc) =	sbr.rel @p0 .LBB2_20-.Ltmp12, $1  }
0xe5: {  	_ =	sdelay $0x3  }
0xe6: {  	s0 =	simm.s32 $0xC0;
	p0 =	por $0x0, $0x0  }
0xe7: {  	v1 =	vld.msk @!p0 [tilespmem:s0+$0x0], $0x1;
	_ =	sdelay $0x4  }
0xe8: {  	(v2sf) =	vpush @!p0 v1, $0x0;
	_ =	sdelay $0xd  }
0xe9: {  	p2 =	sne.s32 s2, $0x1  }
.Ltmp13:
0xea: {  	s5 =	spop @!p0 (v2sf);
	(pc) =	sbr.rel @!p2 .LBB2_19-.Ltmp13, $4  }
0xeb: {  	p1 =	seq.s32 @!p0 s4, s5  }
0xec: {  	s5 =	simm.s32 $0x0;
	p1 =	por !p1, p0  }
0xed: {  	s7 =	simm.s32 $0xFFFFFFFF;
	s5 =	simm.s32 @p1 $0xFFFFFFFF  }
0xee: {  	s6 =	simm.s32 $0x1;
	s5 =	smov.u32 @p0 s7  }
.LBB2_18:
0xef: {  	s7 =	smov.u32 s5;
	p0 =	sne.s32 s5, $0xFFFFFFFF  }
0xf0: {  	s0 =	sadd.s32 $0x1, s0;
	s5 =	smov.u32 s6;
	s6 =	sadd.s32 $0x1, s6  }
0xf1: {  	p1 =	sne.s32 s2, s6;
	v1 =	vld.msk @!p0 [tilespmem:s0+$0x0], $0x1;
	_ =	sdelay $0x4  }
0xf2: {  	(v2sf) =	vpush @!p0 v1, $0x0;
	_ =	sdelay $0xe  }
.Ltmp14:
0xf3: {  	s8 =	spop @!p0 (v2sf);
	(pc) =	sbr.rel @p1 .LBB2_18-.Ltmp14, $4  }
0xf4: {  	p2 =	seq.s32 @!p0 s4, s8  }
0xf5: {  	p2 =	por !p2, p0  }
0xf6: {  	s5 =	simm.s32 @p2 $0xFFFFFFFF  }
0xf7: {  	s5 =	smov.u32 @p0 s7  }
.LBB2_19:
0xf8: {  	p0 =	sne.s32 s5, $0xFFFFFFFF  }
.Ltmp15:
0xf9: {  	_ = 	snop;
	(pc) =	sbr.rel @!p0 .LBB2_20-.Ltmp15, $1  }
0xfa: {  	_ =	sdelay $0x3  }
0xfb: {  	v0 =	vld.msk [tilespmem:s3+$0xE0], $0x1  }
0xfc: {  	v1 =	vld.msk [tilespmem:s5+$0xE0], $0x1;
	_ =	sdelay $0x2  }
.Ltmp16:
0xfd: {  	_ = 	snop;
	(pc) =	sbr.rel .LBB2_22-.Ltmp16, $4  }
0xfe: {  	_ = 	snop  }
0xff: {  	vm0 =	vlt.s32 v1, v0  }
0x100: {  	v0 =	vsel vm0, v1, v0  }
0x101: {  	[tilespmem:s5+$0xE0] =	vst.msk $0x1, v0  }
.LBB2_23:
0x102: {  	p0 =	slt.s32 s2, $0x1  }
.Ltmp17:
0x103: {  	_ = 	snop;
	(pc) =	sbr.rel @p0 .LBB2_27-.Ltmp17, $3  }
0x104: {  	_ =	sdelay $0x1  }
0x105: {  	s0 =	simm.s32 $0x6  }
0x106: {  	[sflag:s0] =	ssyncpa.u1 $0x1;
	s0 =	simm.s32 $0x0  }
0x107: {  	s3 =	simm.s32 $0xC0  }
0x108: {  	v0 =	vld.msk [tilespmem:s3+$0x0], $0x1;
	_ =	sdelay $0x4  }
0x109: {  	(v2sf) =	vpush v0, $0x0;
	_ =	sdelay $0xe  }
0x10a: {  	s2 =	sadd.s32 $0xFFFFFFFF, s2;
	s4 =	spop (v2sf)  }
0x10b: {  	p1 =	sne.s32 s2, $0x0;
	p0 =	sgt.u32 s4, $0x3FFFF  }
.Ltmp18:
0x10c: {  	s5 =	sshrl.u32 @!p0 s4, $0x3;
	(pc) =	sbr.rel @!p1 .LBB2_26-.Ltmp18, $4  }
0x10d: {  	s3 =	simm.s32 $0xE0;
	s4 =	sand.u32 @!p0 $0x7, s4;
	s5 =	sadd.s32 @!p0 s1, s5  }
0x10e: {  	[hbm4b:s5+s4] =	stream.linear.scatter @!p0 [tilespmem:s3], [sflag:$0x5], $0x1, $0x38;
	[tilespmem:$0x2520] =	vst v63  }
0x10f: {  	s5 =	simm.s32 $0x0  }
0x110: {  	s4 =	simm.s32 $0xC1;
	s5 =	simm.s32 @!p0 $0x4  }
.LBB2_25:
0x111: {  	v0 =	vld.msk [tilespmem:s4+$0x0], $0x1;
	s2 =	sadd.s32 $0xFFFFFFFF, s2;
	s0 =	sadd.s32 s0, s5  }
0x112: {  	p0 =	sne.s32 s2, $0x0;
	_ =	sdelay $0x3  }
0x113: {  	(v2sf) =	vpush v0, $0x0;
	_ =	sdelay $0xe  }
.Ltmp19:
0x114: {  	s6 =	spop (v2sf);
	(pc) =	sbr.rel @p0 .LBB2_25-.Ltmp19, $4  }
0x115: {  	s5 =	simm.s32 $0x0;
	p1 =	sgt.u32 s6, $0x3FFFF  }
0x116: {  	s3 =	sadd.s32 $0x1, s3;
	s5 =	simm.s32 @!p1 $0x4;
	s7 =	sshrl.u32 @!p1 s6, $0x3  }
0x117: {  	s4 =	sadd.s32 $0x1, s4;
	s6 =	sand.u32 @!p1 $0x7, s6;
	s7 =	sadd.s32 @!p1 s1, s7  }
0x118: {  	[hbm4b:s7+s6] =	stream.linear.scatter @!p1 [tilespmem:s3], [sflag:$0x5], $0x1, $0x38;
	[tilespmem:$0x2520] =	vst v63  }
.LBB2_26:
0x119: {  	s0 =	sadd.s32 s0, s5  }
0x11a: {  	s0 =	sshrl.u32 s0, $0x2  }
.LBB2_27:
0x11b: {  	s1 =	simm.s32 $0x5  }
0x11c: {  	_ =	swait.ge [sflag:s1], s0  }
0x11d: {  	s28 =	ssub.s32 $0x0, s0;
	[sflag:s1] =	ssyncset.done $0x0  }
0x11e: {  	[sflag:s1] =	ssyncadd.s32 s28  }
0x11f: {  	[sflag:s1] =	ssyncpa.u1 $0x1  }
0x120: {  	s29 =	simm.s32 $0x1;
	_ =	sfence  }
0x121: {  	s30 =	simm.s32 $0x2;
	[sflag:s29] =	ssyncpa.u1 $0x1  }
0x122: {  	[sflag:s30] =	ssyncpa.u1 $0x1  }
0x123: {  	_ =	strace $0x90000047  }
0x124: {  	[bflag:$0x2] =	sbarrier.arrive $0xFFFF  }
0x125: {  	s31 =	rddreg [dreg:$0x3]  }
0x126: {  	s0 =	sadd.s32 $0x100000, s31  }
0x127: {  	[sflag:s0] =	ssyncadd.tile.s32 $0x1;
	_ =	shalt  }
.Lfunc_end2:
_tile_overlayer_lowered:
.L_overlay_start_2:
0x128: {  	(tag) =	ssettag $0x2  }
0x129: {  	s0 =	rddreg [dreg:$0x0];
	s2 =	stileid.u32  }
0x12a: {  	s1 =	rddreg [dreg:$0x1];
	p0 =	sne.s32 s2, $0x0  }
0x12b: {  	s3 =	rddreg [dreg:$0x2];
	[bflag:$0x3] =	sbarrier.arrive $0xFFFF;
	s2 =	simm.s32 @!p0 $0x1C01  }
0x12c: {  	[timem:s3], [sflag:s2] =	dma.local @!p0 [hbm:s0], s1  }
0x12d: {  	s0 =	simm.s32 @!p0 $0x1  }
0x12e: {  	_ =	swait.ge @!p0 [sflag:s0], s1  }
0x12f: {  	s1 =	ssub.s32 @!p0 $0x0, s1;
	[sflag:s0] =	ssyncset.done @!p0 $0x0  }
0x130: {  	[sflag:s0] =	ssyncadd.s32 @!p0 s1  }
0x131: {  	[bflag:$0x3] =	sbarrier.arrive $0xFFFF  }
0x132: {  	_ =	shalt  }

</sc_bundles>
